<compile_context>
chip_gen: v7x
topology: tpu7x:2x2x1
jax: 0.10.2.dev20260603
libtpu: 0.0.44.dev20260713+nightly
codegen_flags: <defaults>
</compile_context>

<pallas_src>
import functools

import jax
import jax.numpy as jnp
from jax import lax
from jax.experimental import pallas as pl
from jax.experimental.pallas import tpu as pltpu
from jax.experimental.pallas import tpu_sc as plsc

SCORE_THRESHOLD = 0.05
IOU_THRESHOLD = 0.5
MAX_DETECTIONS = 100
NEG = -1e30

_N = 5000
_C = 80
_NPAD = 5120
_SEG = 256
_W = 16
_SEG_PER_W = 100
_SLOT_PER_W = 112
_NSEG = _W * _SLOT_PER_W
_CHUNK = _SEG_PER_W * _SEG
_TOT = _W * _CHUNK
_LASTR = _N * _C - (_W - 1) * _CHUNK
_BIG = 2**30
_UNK = -1


@functools.lru_cache(maxsize=None)
def _get_mesh():
    return plsc.VectorSubcoreMesh(core_axis_name="c", subcore_axis_name="s",
                                  num_cores=2, num_subcores=16)


def _set1(ref, i, val):
    lane = lax.iota(jnp.int32, 16)
    base = (i // 16) * 16
    blk = ref[pl.ds(base, 16)]
    ref[pl.ds(base, 16)] = jnp.where(lane == i - base, val, blk)


def _get1(ref, i):
    idx = jnp.full((16,), 0, jnp.int32) + i
    return plsc.load_gather(ref, [idx])[0]


def _nms_body(scores_hbm, boxes4_hbm,
              out_b_hbm, out_s_hbm, out_l_hbm, out_v_hbm,
              spm_sc, spm_sm, spm_p1, spm_nx,
              chunk_v, smax_v, p1st_v, nxst_v,
              sm_v, l2_v, cp_v, lv_v, lp_v, nx_v, seg_v, bco_v,
              ay1_v, ax1_v, ay2_v, ax2_v, aar_v, ac_v,
              ob_v, os_v, ol_v, ov_v):
    cid = lax.axis_index("c")
    sid = lax.axis_index("s")
    lane = lax.iota(jnp.int32, 16)

    @pl.when(cid == 0)
    def _phase1():
        base = sid * _CHUNK

        @pl.when(sid < _W - 1)
        def _load_full():
            pltpu.sync_copy(scores_hbm.at[pl.ds(base, _CHUNK)], chunk_v)

        @pl.when(sid == _W - 1)
        def _load_tail():
            pltpu.sync_copy(scores_hbm.at[pl.ds(base, _LASTR)],
                            chunk_v.at[pl.ds(0, _LASTR)])

        @pl.when(sid == _W - 1)
        def _fill_tail():
            zf16 = jnp.zeros((16,), jnp.float32)

            def fill(j, _):
                for u in range(8):
                    chunk_v[pl.ds(_LASTR + (j * 8 + u) * 16, 16)] = zf16
                return 0

            lax.fori_loop(0, (_CHUNK - _LASTR) // 128, fill, 0)

        pltpu.sync_copy(chunk_v, spm_sc.at[pl.ds(base, _CHUNK)])

        def per_group(sg, _):
            slot = sg * 16 + lane
            real = slot < _SEG_PER_W
            lbase = jnp.where(real, slot * _SEG, 0)
            fbase = base + lbase

            def step(k16, carry):
                mv, pm, sv = carry
                lb = lbase + k16 * 16
                fb = fbase + k16 * 16
                for k2 in range(16):
                    g = plsc.load_gather(chunk_v, [lb + k2])
                    gt = g > mv
                    sv = jnp.where(gt, mv, jnp.maximum(sv, g))
                    pm = jnp.where(gt, fb + k2, pm)
                    mv = jnp.maximum(mv, g)
                return mv, pm, sv

            mv, pm, sv = lax.fori_loop(
                0, _SEG // 16, step,
                (jnp.full((16,), NEG, jnp.float32),
                 jnp.zeros((16,), jnp.int32),
                 jnp.full((16,), NEG, jnp.float32)))
            smax_v[pl.ds(sg * 16, 16)] = jnp.where(real, mv, NEG)
            p1st_v[pl.ds(sg * 16, 16)] = pm
            nxst_v[pl.ds(sg * 16, 16)] = jnp.where(real, sv, NEG)
            return 0

        lax.fori_loop(0, _SLOT_PER_W // 16, per_group, 0)
        off = sid * _SLOT_PER_W
        pltpu.sync_copy(smax_v, spm_sm.at[pl.ds(off, _SLOT_PER_W)])
        pltpu.sync_copy(p1st_v, spm_p1.at[pl.ds(off, _SLOT_PER_W)])
        pltpu.sync_copy(nxst_v, spm_nx.at[pl.ds(off, _SLOT_PER_W)])

    plsc.subcore_barrier()

    @pl.when((cid == 0) & (sid == 0))
    def _phase2():
        pltpu.sync_copy(spm_sm, sm_v)
        pltpu.sync_copy(spm_p1, cp_v)
        pltpu.sync_copy(spm_nx, nx_v)
        pltpu.sync_copy(boxes4_hbm, bco_v)

        def init_l2(gg, _):
            gidx = (gg * 16 + lane) * 16

            mvv = jnp.full((16,), NEG, jnp.float32)
            for k in range(16):
                mvv = jnp.maximum(mvv, plsc.load_gather(sm_v, [gidx + k]))
            l2_v[pl.ds(gg * 16, 16)] = mvv
            return 0

        lax.fori_loop(0, _NSEG // 256, init_l2, 0)

        zf = jnp.zeros((16,), jnp.float32)
        zi = jnp.zeros((16,), jnp.int32)

        def init_out(j, _):
            os_v[pl.ds(j * 16, 16)] = zf
            ol_v[pl.ds(j * 16, 16)] = zi
            ay1_v[pl.ds(j * 16, 16)] = zf
            ax1_v[pl.ds(j * 16, 16)] = zf
            ay2_v[pl.ds(j * 16, 16)] = zf
            ax2_v[pl.ds(j * 16, 16)] = zf
            aar_v[pl.ds(j * 16, 16)] = zf
            ac_v[pl.ds(j * 16, 16)] = jnp.full((16,), -1, jnp.int32)
            lv_v[pl.ds(j * 16, 16)] = zf
            lp_v[pl.ds(j * 16, 16)] = zi
            for k in range(4):
                ob_v[k, pl.ds(j * 16, 16)] = zf
            return 0

        lax.fori_loop(0, 8, init_out, 0)

        def zero_lvlp(j, _):
            lv_v[pl.ds(j * 16, 16)] = zf
            lp_v[pl.ds(j * 16, 16)] = zi
            return 0

        lax.fori_loop(8, _NSEG // 16, zero_lvlp, 0)

        def best():
            mvv = l2_v[pl.ds(0, 16)]
            for g in range(1, 7):
                mvv = jnp.maximum(mvv, l2_v[pl.ds(g * 16, 16)])
            m = jnp.max(mvv)

            gm = jnp.full((16,), _BIG, jnp.int32)
            for g in range(7):
                blk = l2_v[pl.ds(g * 16, 16)]
                gm = jnp.minimum(gm, jnp.where(blk == m, g * 16 + lane,
                                               _BIG))
            g_star = jnp.min(gm)
            blk = sm_v[pl.ds(g_star * 16, 16)]
            seg = jnp.min(jnp.where(blk == m, g_star * 16 + lane, _BIG))
            return m, seg

        m0, seg0 = best()

        def cond(carry):
            cnt, m, _ = carry
            return (cnt < MAX_DETECTIONS) & (m > SCORE_THRESHOLD)

        def body(carry):
            cnt, m, seg = carry
            cp = _get1(cp_v, seg)

            def fast(_):
                return cp, _get1(nx_v, seg)

            def slow(_):
                lv = _get1(lv_v, seg)
                lp = _get1(lp_v, seg)
                ebase = ((seg // _SLOT_PER_W) * _CHUNK
                         + (seg % _SLOT_PER_W) * _SEG)
                pltpu.sync_copy(spm_sc.at[pl.ds(ebase, _SEG)], seg_v)

                def find(j, pm):
                    v = seg_v[pl.ds(j * 16, 16)]
                    pos = ebase + j * 16 + lane
                    elig = (v < lv) | ((v == lv) & (pos > lp))
                    return jnp.minimum(pm, jnp.where(elig & (v == m), pos,
                                                     _BIG))

                p_cur = jnp.min(lax.fori_loop(
                    0, _SEG // 16, find, jnp.full((16,), _BIG, jnp.int32)))

                def nxt(j, nv):
                    v = seg_v[pl.ds(j * 16, 16)]
                    pos = ebase + j * 16 + lane
                    elig = ((v < lv) | ((v == lv) & (pos > lp))) & \
                           ((v < m) | ((v == m) & (pos > p_cur)))
                    return jnp.maximum(nv, jnp.where(elig, v, NEG))

                v_next = jnp.max(lax.fori_loop(
                    0, _SEG // 16, nxt,
                    jnp.full((16,), NEG, jnp.float32)))
                return p_cur, v_next

            p_cur, v_next = lax.cond(cp != _UNK, fast, slow, 0)

            _set1(lv_v, seg, m)
            _set1(lp_v, seg, p_cur)
            _set1(cp_v, seg, _UNK)
            _set1(sm_v, seg, v_next)
            g = seg // 16
            _set1(l2_v, g, jnp.max(sm_v[pl.ds(g * 16, 16)]))

            b = p_cur // _C
            c = p_cur % _C

            gidx = b * 4 + jnp.where(lane < 4, lane, 0)
            bco = plsc.load_gather(bco_v, [gidx])
            y1 = bco[0]
            x1 = bco[1]
            y2 = bco[2]
            x2 = bco[3]
            a2 = (y2 - y1) * (x2 - x1)

            def chk(k, nv):
                qy1 = jnp.maximum(y1, ay1_v[pl.ds(k * 16, 16)])
                qx1 = jnp.maximum(x1, ax1_v[pl.ds(k * 16, 16)])
                qy2 = jnp.minimum(y2, ay2_v[pl.ds(k * 16, 16)])
                qx2 = jnp.minimum(x2, ax2_v[pl.ds(k * 16, 16)])
                inter = (jnp.maximum(qy2 - qy1, 0.0)
                         * jnp.maximum(qx2 - qx1, 0.0))
                denom = jnp.maximum(aar_v[pl.ds(k * 16, 16)] + a2 - inter,
                                    1e-9)
                iou = inter / denom
                hit = (iou > IOU_THRESHOLD) & (ac_v[pl.ds(k * 16, 16)] == c)
                return nv + hit.astype(jnp.int32)

            nviol = lax.fori_loop(0, (cnt + 15) // 16, chk,
                                  jnp.zeros((16,), jnp.int32))
            accept = jnp.sum(nviol) == 0
            slot = jnp.where(accept, cnt, 127)

            _set1(ay1_v, slot, y1)
            _set1(ax1_v, slot, x1)
            _set1(ay2_v, slot, y2)
            _set1(ax2_v, slot, x2)
            _set1(aar_v, slot, a2)
            _set1(ac_v, slot, c)
            _set1(os_v, slot, m)
            _set1(ol_v, slot, c)
            sbase = (slot // 16) * 16
            soff = slot - sbase
            for k, cv in enumerate((y1, x1, y2, x2)):
                blk = ob_v[k, pl.ds(sbase, 16)]
                ob_v[k, pl.ds(sbase, 16)] = jnp.where(lane == soff, cv, blk)

            m2, seg2 = best()
            return cnt + accept.astype(jnp.int32), m2, seg2

        cnt, _, _ = lax.while_loop(cond, body, (jnp.int32(0), m0, seg0))

        ov_v[...] = jnp.where(lane == 0, cnt, 0)
        for k in range(4):
            pltpu.sync_copy(ob_v.at[k], out_b_hbm.at[k])
        pltpu.sync_copy(os_v, out_s_hbm)
        pltpu.sync_copy(ol_v, out_l_hbm)
        pltpu.sync_copy(ov_v, out_v_hbm)


@jax.jit
def kernel(boxes, scores):
    sflat = scores[0].reshape(-1)
    boxes4 = boxes[0].reshape(-1)

    k = pl.kernel(
        _nms_body,
        out_type=(
            jax.ShapeDtypeStruct((4, 128), jnp.float32),
            jax.ShapeDtypeStruct((128,), jnp.float32),
            jax.ShapeDtypeStruct((128,), jnp.int32),
            jax.ShapeDtypeStruct((16,), jnp.int32),
        ),
        mesh=_get_mesh(),
        scratch_types=[
            pltpu.VMEM_SHARED((_TOT,), jnp.float32),
            pltpu.VMEM_SHARED((_NSEG,), jnp.float32),
            pltpu.VMEM_SHARED((_NSEG,), jnp.int32),
            pltpu.VMEM_SHARED((_NSEG,), jnp.float32),
            pltpu.VMEM((_CHUNK,), jnp.float32),
            pltpu.VMEM((_SLOT_PER_W,), jnp.float32),
            pltpu.VMEM((_SLOT_PER_W,), jnp.int32),
            pltpu.VMEM((_SLOT_PER_W,), jnp.float32),
            pltpu.VMEM((_NSEG,), jnp.float32),
            pltpu.VMEM((_NSEG // 16,), jnp.float32),
            pltpu.VMEM((_NSEG,), jnp.int32),
            pltpu.VMEM((_NSEG,), jnp.float32),
            pltpu.VMEM((_NSEG,), jnp.int32),
            pltpu.VMEM((_NSEG,), jnp.float32),
            pltpu.VMEM((_SEG,), jnp.float32),
            pltpu.VMEM((4 * _N,), jnp.float32),
            pltpu.VMEM((128,), jnp.float32),
            pltpu.VMEM((128,), jnp.float32),
            pltpu.VMEM((128,), jnp.float32),
            pltpu.VMEM((128,), jnp.float32),
            pltpu.VMEM((128,), jnp.float32),
            pltpu.VMEM((128,), jnp.int32),
            pltpu.VMEM((4, 128), jnp.float32),
            pltpu.VMEM((128,), jnp.float32),
            pltpu.VMEM((128,), jnp.int32),
            pltpu.VMEM((16,), jnp.int32),
        ],
        compiler_params=pltpu.CompilerParams(needs_layout_passes=False,
                                     skip_device_barrier=True),
    )
    ob4, osc, ol, ov = k(sflat, boxes4)

    return (ob4.T[:MAX_DETECTIONS].reshape(1, MAX_DETECTIONS, 4),
            osc[:MAX_DETECTIONS].reshape(1, MAX_DETECTIONS),
            ol[:MAX_DETECTIONS].reshape(1, MAX_DETECTIONS),
            ov[0].reshape(1))

# --- scband reference (transcript-rebuilt; emitter-appended) ---
"""Pipeline reference for scband-multi-class-nms-63943473103309 (READ-ONLY COPY).

The authoritative reference and input builder live on the scoring server;
editing this copy changes nothing except your own understanding.
"""

import jax, jax.numpy as jnp
import numpy as np

SCORE_THRESHOLD = 0.05
IOU_THRESHOLD = 0.5
MAX_DETECTIONS = 100
NEG = jnp.float32(-1e30)


def setup_inputs(seed: int = 0) -> dict:
    key = jax.random.key(seed)
    k1, k2 = jax.random.split(key)
    # Build valid corner boxes (y_min, x_min, y_max, x_max)
    r = jax.random.uniform(k1, (1, 5000, 4), dtype=jnp.float32)
    ymin = r[..., 0] * 448.0
    xmin = r[..., 1] * 448.0
    h = r[..., 2] * 64.0 + 1.0
    w = r[..., 3] * 64.0 + 1.0
    boxes = jnp.stack([ymin, xmin, ymin + h, xmin + w], axis=-1)
    scores = jax.random.uniform(k2, (1, 5000, 80), dtype=jnp.float32)
    return {"boxes": boxes, "scores": scores}


def _iou(box, boxes):
    # box: [4], boxes: [N,4] in (y_min, x_min, y_max, x_max)
    y1 = jnp.maximum(box[0], boxes[:, 0])
    x1 = jnp.maximum(box[1], boxes[:, 1])
    y2 = jnp.minimum(box[2], boxes[:, 2])
    x2 = jnp.minimum(box[3], boxes[:, 3])
    inter = jnp.maximum(y2 - y1, 0.0) * jnp.maximum(x2 - x1, 0.0)
    a1 = (box[2] - box[0]) * (box[3] - box[1])
    a2 = (boxes[:, 2] - boxes[:, 0]) * (boxes[:, 3] - boxes[:, 1])
    return inter / jnp.maximum(a1 + a2 - inter, 1e-9)


def _nms_single(boxes, scores):
    # boxes: [N,4], scores: [N,C] -> class-aware greedy NMS, fixed max_detections output
    N, C = scores.shape
    class_ids = jnp.arange(C)

    def step(s, _):
        flat = s.reshape(-1)
        idx = jnp.argmax(flat)
        b = idx // C
        c = idx % C
        best = flat[idx]
        valid = best > SCORE_THRESHOLD
        box = boxes[b]
        iou = _iou(box, boxes)
        suppress = (iou > IOU_THRESHOLD)[:, None] & (class_ids == c)[None, :]
        s_new = jnp.where(suppress, NEG, s)
        s_new = s_new.at[b, c].set(NEG)
        out_box = jnp.where(valid, box, jnp.zeros_like(box))
        out_score = jnp.where(valid, best, jnp.float32(0.0))
        out_label = jnp.where(valid, c, 0).astype(jnp.int32)
        return s_new, (out_box, out_score, out_label, valid)

    init = jnp.where(scores > SCORE_THRESHOLD, scores, NEG)
    _, (ob, osc, ol, vmask) = jax.lax.scan(step, init, None, length=MAX_DETECTIONS)
    valid_detections = jnp.sum(vmask.astype(jnp.int32))
    return ob, osc, ol, valid_detections


def reference(boxes, scores):
    # boxes: [B, N, 4], scores: [B, N, C]
    ob, osc, ol, vd = jax.vmap(_nms_single)(boxes, scores)
    # boxes [B, max_det, 4], scores [B, max_det], labels [B, max_det], valid_detections [B]
    return ob, osc, ol, vd

if __name__ == "__main__":
    import jax
    _d = setup_inputs()
    print(jax.jit(kernel)(*tuple(_d.values())))

</pallas_src>

<mosaic_0001>
#map = affine_map<(d0, d1) -> (0)>
#map1 = affine_map<(d0, d1) -> (0, 0)>
module attributes {stable_mosaic.version = 14 : i64} {
  func.func @_rewritten_body(%arg0: i32, %arg1: i32, %arg2: memref<400000xf32, #tpu.memory_space<hbm>>, %arg3: memref<20000xf32, #tpu.memory_space<hbm>>, %arg4: memref<1xf32, #tpu.memory_space<hbm>>, %arg5: memref<4x128xf32, #tpu.memory_space<hbm>>, %arg6: memref<128xf32, #tpu.memory_space<hbm>>, %arg7: memref<128xi32, #tpu.memory_space<hbm>>, %arg8: memref<16xi32, #tpu.memory_space<hbm>>, %arg9: memref<409600xf32, #tpu.memory_space<vmem_shared>>, %arg10: memref<1792xf32, #tpu.memory_space<vmem_shared>>, %arg11: memref<1792xi32, #tpu.memory_space<vmem_shared>>, %arg12: memref<1792xf32, #tpu.memory_space<vmem_shared>>, %arg13: memref<25600xf32, #tpu.memory_space<vmem>>, %arg14: memref<112xf32, #tpu.memory_space<vmem>>, %arg15: memref<112xi32, #tpu.memory_space<vmem>>, %arg16: memref<112xf32, #tpu.memory_space<vmem>>, %arg17: memref<1792xf32, #tpu.memory_space<vmem>>, %arg18: memref<112xf32, #tpu.memory_space<vmem>>, %arg19: memref<1792xi32, #tpu.memory_space<vmem>>, %arg20: memref<1792xf32, #tpu.memory_space<vmem>>, %arg21: memref<1792xi32, #tpu.memory_space<vmem>>, %arg22: memref<1792xf32, #tpu.memory_space<vmem>>, %arg23: memref<256xf32, #tpu.memory_space<vmem>>, %arg24: memref<20000xf32, #tpu.memory_space<vmem>>, %arg25: memref<128xf32, #tpu.memory_space<vmem>>, %arg26: memref<128xf32, #tpu.memory_space<vmem>>, %arg27: memref<128xf32, #tpu.memory_space<vmem>>, %arg28: memref<128xf32, #tpu.memory_space<vmem>>, %arg29: memref<128xf32, #tpu.memory_space<vmem>>, %arg30: memref<128xi32, #tpu.memory_space<vmem>>, %arg31: memref<4x128xf32, #tpu.memory_space<vmem>>, %arg32: memref<128xf32, #tpu.memory_space<vmem>>, %arg33: memref<128xi32, #tpu.memory_space<vmem>>, %arg34: memref<16xi32, #tpu.memory_space<vmem>>) attributes {dimension_semantics = [#tpu.dimension_semantics<core_parallel>, #tpu.dimension_semantics<subcore_parallel>], iteration_bounds = array<i64: 2, 16>, scalar_prefetch = 0 : i64, scratch_operands = 26 : i64, tpu.core_type = #tpu.core_type<sc_vector_subcore>, window_params = [{transform_indices = #map}, {transform_indices = #map}, {transform_indices = #map}, {transform_indices = #map1}, {transform_indices = #map}, {transform_indices = #map}, {transform_indices = #map}]} {
    %empty_ref3A = memref.alloca() : memref<16xf32, #tpu.memory_space<vmem>>
    "tpu.region"() ({
      %run_scoped3A = tpu.sem_alloc : memref<!tpu.dma_semaphore, #tpu.memory_space<semaphore_mem>>
      %dma_start3A = arith.constant 0 : i32
      %dma_start3A_10 = tpu.memref_slice %empty_ref3A[%dma_start3A] : memref<16xf32, #tpu.memory_space<vmem>> -> memref<1xf32, #tpu.memory_space<vmem>>
      %dma_start3A_11 = arith.constant 0 : i32
      %dma_start3A_12 = tpu.memref_slice %empty_ref3A[%dma_start3A_11] : memref<16xf32, #tpu.memory_space<vmem>> -> memref<1xf32, #tpu.memory_space<vmem>>
      tpu.enqueue_dma source(%arg4 : memref<1xf32, #tpu.memory_space<hbm>>) target(%dma_start3A_12 : memref<1xf32, #tpu.memory_space<vmem>>) target_semaphore(%run_scoped3A : memref<!tpu.dma_semaphore, #tpu.memory_space<semaphore_mem>>)
      %dma_wait3A = arith.constant 0 : i32
      %dma_wait3A_13 = tpu.memref_slice %empty_ref3A[%dma_wait3A] : memref<16xf32, #tpu.memory_space<vmem>> -> memref<1xf32, #tpu.memory_space<vmem>>
      %dma_wait3A_14 = arith.constant 0 : i32
      %dma_wait3A_15 = tpu.memref_slice %empty_ref3A[%dma_wait3A_14] : memref<16xf32, #tpu.memory_space<vmem>> -> memref<1xf32, #tpu.memory_space<vmem>>
      tpu.wait_dma2 semaphore(%run_scoped3A : memref<!tpu.dma_semaphore, #tpu.memory_space<semaphore_mem>>) src(%arg4 : memref<1xf32, #tpu.memory_space<hbm>>) dst(%dma_wait3A_15 : memref<1xf32, #tpu.memory_space<vmem>>)
      tpu.yield
    }) : () -> ()
    %get3A = arith.constant 0 : index
    %get3A_0 = tpu.vector_load %empty_ref3A[%get3A] {strides = array<i32>} : memref<16xf32, #tpu.memory_space<vmem>>, vector<16xf32>,
    %slice3A = vector.extract_strided_slice %get3A_0 {offsets = [0], sizes = [1], strides = [1]} : vector<16xf32> to vector<1xf32>
    %squeeze3A = vector.extract %slice3A[0] : f32 from vector<1xf32>
    %iota3A = tpu.iota {dimensions = array<i32: 0>} : vector<16xi32>
    %eq3A = arith.constant 0 : i32
    %eq3A_1 = arith.cmpi eq, %arg0, %eq3A : i32
    %convert_element_type3A = arith.extui %eq3A_1 : i1 to i32
    %cond3A = arith.constant 0 : i32
    %cond3A_2 = arith.cmpi ne, %convert_element_type3A, %cond3A : i32
    scf.if %cond3A_2 {
      %mul3A = arith.constant 25600 : i32
      %mul3A_10 = arith.muli %arg1, %mul3A : i32
      %lt3A = arith.constant 15 : i32
      %lt3A_11 = arith.cmpi slt, %arg1, %lt3A : i32
      %convert_element_type3A_12 = arith.extui %lt3A_11 : i1 to i32
      %cond3A_13 = arith.constant 0 : i32
      %cond3A_14 = arith.cmpi ne, %convert_element_type3A_12, %cond3A_13 : i32
      scf.if %cond3A_14 {
        "tpu.region"() ({
          %run_scoped3A = tpu.sem_alloc : memref<!tpu.dma_semaphore, #tpu.memory_space<semaphore_mem>>
          %dma_start3A = tpu.memref_slice %arg2[%mul3A_10] : memref<400000xf32, #tpu.memory_space<hbm>> -> memref<25600xf32, #tpu.memory_space<hbm>>
          %dma_start3A_33 = tpu.memref_slice %arg2[%mul3A_10] : memref<400000xf32, #tpu.memory_space<hbm>> -> memref<25600xf32, #tpu.memory_space<hbm>>
          tpu.enqueue_dma source(%dma_start3A_33 : memref<25600xf32, #tpu.memory_space<hbm>>) target(%arg13 : memref<25600xf32, #tpu.memory_space<vmem>>) target_semaphore(%run_scoped3A : memref<!tpu.dma_semaphore, #tpu.memory_space<semaphore_mem>>)
          %dma_wait3A = tpu.memref_slice %arg2[%mul3A_10] : memref<400000xf32, #tpu.memory_space<hbm>> -> memref<25600xf32, #tpu.memory_space<hbm>>
          %dma_wait3A_34 = tpu.memref_slice %arg2[%mul3A_10] : memref<400000xf32, #tpu.memory_space<hbm>> -> memref<25600xf32, #tpu.memory_space<hbm>>
          tpu.wait_dma2 semaphore(%run_scoped3A : memref<!tpu.dma_semaphore, #tpu.memory_space<semaphore_mem>>) src(%dma_wait3A_34 : memref<25600xf32, #tpu.memory_space<hbm>>) dst(%arg13 : memref<25600xf32, #tpu.memory_space<vmem>>)
          tpu.yield
        }) : () -> ()
      } else {
      }
      %eq3A_15 = arith.constant 15 : i32
      %eq3A_16 = arith.cmpi eq, %arg1, %eq3A_15 : i32
      %convert_element_type3A_17 = arith.extui %eq3A_16 : i1 to i32
      %cond3A_18 = arith.constant 0 : i32
      %cond3A_19 = arith.cmpi ne, %convert_element_type3A_17, %cond3A_18 : i32
      scf.if %cond3A_19 {
        "tpu.region"() ({
          %run_scoped3A = tpu.sem_alloc : memref<!tpu.dma_semaphore, #tpu.memory_space<semaphore_mem>>
          %dma_start3A = arith.constant 0 : i32
          %dma_start3A_33 = tpu.memref_slice %arg13[%dma_start3A] : memref<25600xf32, #tpu.memory_space<vmem>> -> memref<16000xf32, #tpu.memory_space<vmem>>
          %dma_start3A_34 = tpu.memref_slice %arg2[%mul3A_10] : memref<400000xf32, #tpu.memory_space<hbm>> -> memref<16000xf32, #tpu.memory_space<hbm>>
          %dma_start3A_35 = arith.constant 0 : i32
          %dma_start3A_36 = tpu.memref_slice %arg13[%dma_start3A_35] : memref<25600xf32, #tpu.memory_space<vmem>> -> memref<16000xf32, #tpu.memory_space<vmem>>
          %dma_start3A_37 = tpu.memref_slice %arg2[%mul3A_10] : memref<400000xf32, #tpu.memory_space<hbm>> -> memref<16000xf32, #tpu.memory_space<hbm>>
          tpu.enqueue_dma source(%dma_start3A_37 : memref<16000xf32, #tpu.memory_space<hbm>>) target(%dma_start3A_36 : memref<16000xf32, #tpu.memory_space<vmem>>) target_semaphore(%run_scoped3A : memref<!tpu.dma_semaphore, #tpu.memory_space<semaphore_mem>>)
          %dma_wait3A = arith.constant 0 : i32
          %dma_wait3A_38 = tpu.memref_slice %arg13[%dma_wait3A] : memref<25600xf32, #tpu.memory_space<vmem>> -> memref<16000xf32, #tpu.memory_space<vmem>>
          %dma_wait3A_39 = tpu.memref_slice %arg2[%mul3A_10] : memref<400000xf32, #tpu.memory_space<hbm>> -> memref<16000xf32, #tpu.memory_space<hbm>>
          %dma_wait3A_40 = arith.constant 0 : i32
          %dma_wait3A_41 = tpu.memref_slice %arg13[%dma_wait3A_40] : memref<25600xf32, #tpu.memory_space<vmem>> -> memref<16000xf32, #tpu.memory_space<vmem>>
          %dma_wait3A_42 = tpu.memref_slice %arg2[%mul3A_10] : memref<400000xf32, #tpu.memory_space<hbm>> -> memref<16000xf32, #tpu.memory_space<hbm>>
          tpu.wait_dma2 semaphore(%run_scoped3A : memref<!tpu.dma_semaphore, #tpu.memory_space<semaphore_mem>>) src(%dma_wait3A_42 : memref<16000xf32, #tpu.memory_space<hbm>>) dst(%dma_wait3A_41 : memref<16000xf32, #tpu.memory_space<vmem>>)
          tpu.yield
        }) : () -> ()
      } else {
      }
      %eq3A_20 = arith.constant 15 : i32
      %eq3A_21 = arith.cmpi eq, %arg1, %eq3A_20 : i32
      %convert_element_type3A_22 = arith.extui %eq3A_21 : i1 to i32
      %cond3A_23 = arith.constant 0 : i32
      %cond3A_24 = arith.cmpi ne, %convert_element_type3A_22, %cond3A_23 : i32
      scf.if %cond3A_24 {
        %broadcast_in_dim3A = arith.constant 0.000000e+00 : f32
        %broadcast_in_dim3A_33 = vector.broadcast %broadcast_in_dim3A : f32 to vector<16xf32>
        %scan3A_34 = arith.constant 0 : i32
        %scan3A_35 = arith.constant 0 : i32
        %scan3A_36 = arith.constant 75 : i32
        %scan3A_37 = arith.addi %scan3A_35, %scan3A_36 : i32
        %scan3A_38 = arith.constant 1 : i32
        %scan3A_39 = scf.for %scan3A_41 = %scan3A_35 to %scan3A_37 step %scan3A_38 iter_args(%scan3A_42 = %scan3A_34) -> (i32)  : i32 {
          %mul3A_43 = arith.constant 8 : i32
          %mul3A_44 = arith.muli %scan3A_41, %mul3A_43 : i32
          %add3A = arith.constant 0 : i32
          %add3A_45 = arith.addi %mul3A_44, %add3A : i32
          %mul3A_46 = arith.constant 16 : i32
          %mul3A_47 = arith.muli %add3A_45, %mul3A_46 : i32
          %add3A_48 = arith.constant 16000 : i32
          %add3A_49 = arith.addi %add3A_48, %mul3A_47 : i32
          %swap3A = arith.index_cast %add3A_49 : i32 to index
          %swap3A_50 = tpu.vector_load %arg13[%swap3A] {strides = array<i32>} : memref<25600xf32, #tpu.memory_space<vmem>>, vector<16xf32>,
          tpu.vector_store %arg13[%swap3A], %broadcast_in_dim3A_33 {strides = array<i32>} : memref<25600xf32, #tpu.memory_space<vmem>>, vector<16xf32>,
          %mul3A_51 = arith.constant 8 : i32
          %mul3A_52 = arith.muli %scan3A_41, %mul3A_51 : i32
          %add3A_53 = arith.constant 1 : i32
          %add3A_54 = arith.addi %mul3A_52, %add3A_53 : i32
          %mul3A_55 = arith.constant 16 : i32
          %mul3A_56 = arith.muli %add3A_54, %mul3A_55 : i32
          %add3A_57 = arith.constant 16000 : i32
          %add3A_58 = arith.addi %add3A_57, %mul3A_56 : i32
          %swap3A_59 = arith.index_cast %add3A_58 : i32 to index
          %swap3A_60 = tpu.vector_load %arg13[%swap3A_59] {strides = array<i32>} : memref<25600xf32, #tpu.memory_space<vmem>>, vector<16xf32>,
          tpu.vector_store %arg13[%swap3A_59], %broadcast_in_dim3A_33 {strides = array<i32>} : memref<25600xf32, #tpu.memory_space<vmem>>, vector<16xf32>,
          %mul3A_61 = arith.constant 8 : i32
          %mul3A_62 = arith.muli %scan3A_41, %mul3A_61 : i32
          %add3A_63 = arith.constant 2 : i32
          %add3A_64 = arith.addi %mul3A_62, %add3A_63 : i32
          %mul3A_65 = arith.constant 16 : i32
          %mul3A_66 = arith.muli %add3A_64, %mul3A_65 : i32
          %add3A_67 = arith.constant 16000 : i32
          %add3A_68 = arith.addi %add3A_67, %mul3A_66 : i32
          %swap3A_69 = arith.index_cast %add3A_68 : i32 to index
          %swap3A_70 = tpu.vector_load %arg13[%swap3A_69] {strides = array<i32>} : memref<25600xf32, #tpu.memory_space<vmem>>, vector<16xf32>,
          tpu.vector_store %arg13[%swap3A_69], %broadcast_in_dim3A_33 {strides = array<i32>} : memref<25600xf32, #tpu.memory_space<vmem>>, vector<16xf32>,
          %mul3A_71 = arith.constant 8 : i32
          %mul3A_72 = arith.muli %scan3A_41, %mul3A_71 : i32
          %add3A_73 = arith.constant 3 : i32
          %add3A_74 = arith.addi %mul3A_72, %add3A_73 : i32
          %mul3A_75 = arith.constant 16 : i32
          %mul3A_76 = arith.muli %add3A_74, %mul3A_75 : i32
          %add3A_77 = arith.constant 16000 : i32
          %add3A_78 = arith.addi %add3A_77, %mul3A_76 : i32
          %swap3A_79 = arith.index_cast %add3A_78 : i32 to index
          %swap3A_80 = tpu.vector_load %arg13[%swap3A_79] {strides = array<i32>} : memref<25600xf32, #tpu.memory_space<vmem>>, vector<16xf32>,
          tpu.vector_store %arg13[%swap3A_79], %broadcast_in_dim3A_33 {strides = array<i32>} : memref<25600xf32, #tpu.memory_space<vmem>>, vector<16xf32>,
          %mul3A_81 = arith.constant 8 : i32
          %mul3A_82 = arith.muli %scan3A_41, %mul3A_81 : i32
          %add3A_83 = arith.constant 4 : i32
          %add3A_84 = arith.addi %mul3A_82, %add3A_83 : i32
          %mul3A_85 = arith.constant 16 : i32
          %mul3A_86 = arith.muli %add3A_84, %mul3A_85 : i32
          %add3A_87 = arith.constant 16000 : i32
          %add3A_88 = arith.addi %add3A_87, %mul3A_86 : i32
          %swap3A_89 = arith.index_cast %add3A_88 : i32 to index
          %swap3A_90 = tpu.vector_load %arg13[%swap3A_89] {strides = array<i32>} : memref<25600xf32, #tpu.memory_space<vmem>>, vector<16xf32>,
          tpu.vector_store %arg13[%swap3A_89], %broadcast_in_dim3A_33 {strides = array<i32>} : memref<25600xf32, #tpu.memory_space<vmem>>, vector<16xf32>,
          %mul3A_91 = arith.constant 8 : i32
          %mul3A_92 = arith.muli %scan3A_41, %mul3A_91 : i32
          %add3A_93 = arith.constant 5 : i32
          %add3A_94 = arith.addi %mul3A_92, %add3A_93 : i32
          %mul3A_95 = arith.constant 16 : i32
          %mul3A_96 = arith.muli %add3A_94, %mul3A_95 : i32
          %add3A_97 = arith.constant 16000 : i32
          %add3A_98 = arith.addi %add3A_97, %mul3A_96 : i32
          %swap3A_99 = arith.index_cast %add3A_98 : i32 to index
          %swap3A_100 = tpu.vector_load %arg13[%swap3A_99] {strides = array<i32>} : memref<25600xf32, #tpu.memory_space<vmem>>, vector<16xf32>,
          tpu.vector_store %arg13[%swap3A_99], %broadcast_in_dim3A_33 {strides = array<i32>} : memref<25600xf32, #tpu.memory_space<vmem>>, vector<16xf32>,
          %mul3A_101 = arith.constant 8 : i32
          %mul3A_102 = arith.muli %scan3A_41, %mul3A_101 : i32
          %add3A_103 = arith.constant 6 : i32
          %add3A_104 = arith.addi %mul3A_102, %add3A_103 : i32
          %mul3A_105 = arith.constant 16 : i32
          %mul3A_106 = arith.muli %add3A_104, %mul3A_105 : i32
          %add3A_107 = arith.constant 16000 : i32
          %add3A_108 = arith.addi %add3A_107, %mul3A_106 : i32
          %swap3A_109 = arith.index_cast %add3A_108 : i32 to index
          %swap3A_110 = tpu.vector_load %arg13[%swap3A_109] {strides = array<i32>} : memref<25600xf32, #tpu.memory_space<vmem>>, vector<16xf32>,
          tpu.vector_store %arg13[%swap3A_109], %broadcast_in_dim3A_33 {strides = array<i32>} : memref<25600xf32, #tpu.memory_space<vmem>>, vector<16xf32>,
          %mul3A_111 = arith.constant 8 : i32
          %mul3A_112 = arith.muli %scan3A_41, %mul3A_111 : i32
          %add3A_113 = arith.constant 7 : i32
          %add3A_114 = arith.addi %mul3A_112, %add3A_113 : i32
          %mul3A_115 = arith.constant 16 : i32
          %mul3A_116 = arith.muli %add3A_114, %mul3A_115 : i32
          %add3A_117 = arith.constant 16000 : i32
          %add3A_118 = arith.addi %add3A_117, %mul3A_116 : i32
          %swap3A_119 = arith.index_cast %add3A_118 : i32 to index
          %swap3A_120 = tpu.vector_load %arg13[%swap3A_119] {strides = array<i32>} : memref<25600xf32, #tpu.memory_space<vmem>>, vector<16xf32>,
          tpu.vector_store %arg13[%swap3A_119], %broadcast_in_dim3A_33 {strides = array<i32>} : memref<25600xf32, #tpu.memory_space<vmem>>, vector<16xf32>,
          %scan3A_121 = arith.constant 0 : i32
          scf.yield %scan3A_121 : i32
        }
        %scan3A_40 = arith.constant 75 : i32
      } else {
      }
      "tpu.region"() ({
        %run_scoped3A = tpu.sem_alloc : memref<!tpu.dma_semaphore, #tpu.memory_space<semaphore_mem>>
        %dma_start3A = tpu.memref_slice %arg9[%mul3A_10] : memref<409600xf32, #tpu.memory_space<vmem_shared>> -> memref<25600xf32, #tpu.memory_space<vmem_shared>>
        %dma_start3A_33 = tpu.memref_slice %arg9[%mul3A_10] : memref<409600xf32, #tpu.memory_space<vmem_shared>> -> memref<25600xf32, #tpu.memory_space<vmem_shared>>
        tpu.enqueue_dma source(%arg13 : memref<25600xf32, #tpu.memory_space<vmem>>) target(%dma_start3A_33 : memref<25600xf32, #tpu.memory_space<vmem_shared>>) target_semaphore(%run_scoped3A : memref<!tpu.dma_semaphore, #tpu.memory_space<semaphore_mem>>)
        %dma_wait3A = tpu.memref_slice %arg9[%mul3A_10] : memref<409600xf32, #tpu.memory_space<vmem_shared>> -> memref<25600xf32, #tpu.memory_space<vmem_shared>>
        %dma_wait3A_34 = tpu.memref_slice %arg9[%mul3A_10] : memref<409600xf32, #tpu.memory_space<vmem_shared>> -> memref<25600xf32, #tpu.memory_space<vmem_shared>>
        tpu.wait_dma2 semaphore(%run_scoped3A : memref<!tpu.dma_semaphore, #tpu.memory_space<semaphore_mem>>) src(%arg13 : memref<25600xf32, #tpu.memory_space<vmem>>) dst(%dma_wait3A_34 : memref<25600xf32, #tpu.memory_space<vmem_shared>>)
        tpu.yield
      }) : () -> ()
      %scan3A = arith.constant 0 : i32
      %scan3A_25 = arith.constant 0 : i32
      %scan3A_26 = arith.constant 7 : i32
      %scan3A_27 = arith.addi %scan3A_25, %scan3A_26 : i32
      %scan3A_28 = arith.constant 1 : i32
      %scan3A_29 = scf.for %scan3A_33 = %scan3A_25 to %scan3A_27 step %scan3A_28 iter_args(%scan3A_34 = %scan3A) -> (i32)  : i32 {
        %mul3A_35 = arith.constant 16 : i32
        %mul3A_36 = arith.muli %scan3A_33, %mul3A_35 : i32
        %add3A = vector.broadcast %mul3A_36 : i32 to vector<16xi32>
        %add3A_37 = arith.addi %add3A, %iota3A : vector<16xi32>
        %lt3A_38 = arith.constant 100 : i32
        %lt3A_39 = vector.broadcast %lt3A_38 : i32 to vector<16xi32>
        %lt3A_40 = arith.cmpi slt, %add3A_37, %lt3A_39 : vector<16xi32>
        %mul3A_41 = arith.constant 256 : i32
        %mul3A_42 = vector.broadcast %mul3A_41 : i32 to vector<16xi32>
        %mul3A_43 = arith.muli %add3A_37, %mul3A_42 : vector<16xi32>
        %jit3A = arith.constant 0 : i32
        %broadcast_in_dim3A = vector.broadcast %jit3A : i32 to vector<16xi32>
        %select_n3A = arith.select %lt3A_40, %mul3A_43, %broadcast_in_dim3A : vector<16xi1>, vector<16xi32>
        %add3A_44 = vector.broadcast %mul3A_10 : i32 to vector<16xi32>
        %add3A_45 = arith.addi %add3A_44, %select_n3A : vector<16xi32>
        %broadcast_in_dim3A_46 = vector.broadcast %squeeze3A : f32 to vector<16xf32>
        %broadcast_in_dim3A_47 = arith.constant 0 : i32
        %broadcast_in_dim3A_48 = vector.broadcast %broadcast_in_dim3A_47 : i32 to vector<16xi32>
        %broadcast_in_dim3A_49 = vector.broadcast %squeeze3A : f32 to vector<16xf32>
        %scan3A_50 = arith.constant 0 : i32
        %scan3A_51 = arith.constant 16 : i32
        %scan3A_52 = arith.addi %scan3A_50, %scan3A_51 : i32
        %scan3A_53 = arith.constant 1 : i32
        %scan3A_54:3 = scf.for %scan3A_72 = %scan3A_50 to %scan3A_52 step %scan3A_53 iter_args(%scan3A_73 = %broadcast_in_dim3A_46, %scan3A_74 = %broadcast_in_dim3A_48, %scan3A_75 = %broadcast_in_dim3A_49) -> (vector<16xf32>, vector<16xi32>, vector<16xf32>)  : i32 {
          %mul3A_76 = arith.constant 16 : i32
          %mul3A_77 = arith.muli %scan3A_72, %mul3A_76 : i32
          %add3A_78 = vector.broadcast %mul3A_77 : i32 to vector<16xi32>
          %add3A_79 = arith.addi %select_n3A, %add3A_78 : vector<16xi32>
          %mul3A_80 = arith.constant 16 : i32
          %mul3A_81 = arith.muli %scan3A_72, %mul3A_80 : i32
          %add3A_82 = vector.broadcast %mul3A_81 : i32 to vector<16xi32>
          %add3A_83 = arith.addi %add3A_45, %add3A_82 : vector<16xi32>
          %add3A_84 = arith.constant 0 : i32
          %add3A_85 = vector.broadcast %add3A_84 : i32 to vector<16xi32>
          %add3A_86 = arith.addi %add3A_79, %add3A_85 : vector<16xi32>
          %gather3A = tpu.vector_load_idx %arg13[%add3A_86] : memref<25600xf32, #tpu.memory_space<vmem>>[vector<16xi32>], vector<16xf32>,
          %gt3A = arith.cmpf ogt, %gather3A, %scan3A_73 : vector<16xf32>
          %max3A = arith.maximumf %scan3A_75, %gather3A : vector<16xf32>
          %select_n3A_87 = arith.select %gt3A, %scan3A_73, %max3A : vector<16xi1>, vector<16xf32>
          %add3A_88 = arith.constant 0 : i32
          %add3A_89 = vector.broadcast %add3A_88 : i32 to vector<16xi32>
          %add3A_90 = arith.addi %add3A_83, %add3A_89 : vector<16xi32>
          %select_n3A_91 = arith.select %gt3A, %add3A_90, %scan3A_74 : vector<16xi1>, vector<16xi32>
          %max3A_92 = arith.maximumf %scan3A_73, %gather3A : vector<16xf32>
          %add3A_93 = arith.constant 1 : i32
          %add3A_94 = vector.broadcast %add3A_93 : i32 to vector<16xi32>
          %add3A_95 = arith.addi %add3A_79, %add3A_94 : vector<16xi32>
          %gather3A_96 = tpu.vector_load_idx %arg13[%add3A_95] : memref<25600xf32, #tpu.memory_space<vmem>>[vector<16xi32>], vector<16xf32>,
          %gt3A_97 = arith.cmpf ogt, %gather3A_96, %max3A_92 : vector<16xf32>
          %max3A_98 = arith.maximumf %select_n3A_87, %gather3A_96 : vector<16xf32>
          %select_n3A_99 = arith.select %gt3A_97, %max3A_92, %max3A_98 : vector<16xi1>, vector<16xf32>
          %add3A_100 = arith.constant 1 : i32
          %add3A_101 = vector.broadcast %add3A_100 : i32 to vector<16xi32>
          %add3A_102 = arith.addi %add3A_83, %add3A_101 : vector<16xi32>
          %select_n3A_103 = arith.select %gt3A_97, %add3A_102, %select_n3A_91 : vector<16xi1>, vector<16xi32>
          %max3A_104 = arith.maximumf %max3A_92, %gather3A_96 : vector<16xf32>
          %add3A_105 = arith.constant 2 : i32
          %add3A_106 = vector.broadcast %add3A_105 : i32 to vector<16xi32>
          %add3A_107 = arith.addi %add3A_79, %add3A_106 : vector<16xi32>
          %gather3A_108 = tpu.vector_load_idx %arg13[%add3A_107] : memref<25600xf32, #tpu.memory_space<vmem>>[vector<16xi32>], vector<16xf32>,
          %gt3A_109 = arith.cmpf ogt, %gather3A_108, %max3A_104 : vector<16xf32>
          %max3A_110 = arith.maximumf %select_n3A_99, %gather3A_108 : vector<16xf32>
          %select_n3A_111 = arith.select %gt3A_109, %max3A_104, %max3A_110 : vector<16xi1>, vector<16xf32>
          %add3A_112 = arith.constant 2 : i32
          %add3A_113 = vector.broadcast %add3A_112 : i32 to vector<16xi32>
          %add3A_114 = arith.addi %add3A_83, %add3A_113 : vector<16xi32>
          %select_n3A_115 = arith.select %gt3A_109, %add3A_114, %select_n3A_103 : vector<16xi1>, vector<16xi32>
          %max3A_116 = arith.maximumf %max3A_104, %gather3A_108 : vector<16xf32>
          %add3A_117 = arith.constant 3 : i32
          %add3A_118 = vector.broadcast %add3A_117 : i32 to vector<16xi32>
          %add3A_119 = arith.addi %add3A_79, %add3A_118 : vector<16xi32>
          %gather3A_120 = tpu.vector_load_idx %arg13[%add3A_119] : memref<25600xf32, #tpu.memory_space<vmem>>[vector<16xi32>], vector<16xf32>,
          %gt3A_121 = arith.cmpf ogt, %gather3A_120, %max3A_116 : vector<16xf32>
          %max3A_122 = arith.maximumf %select_n3A_111, %gather3A_120 : vector<16xf32>
          %select_n3A_123 = arith.select %gt3A_121, %max3A_116, %max3A_122 : vector<16xi1>, vector<16xf32>
          %add3A_124 = arith.constant 3 : i32
          %add3A_125 = vector.broadcast %add3A_124 : i32 to vector<16xi32>
          %add3A_126 = arith.addi %add3A_83, %add3A_125 : vector<16xi32>
          %select_n3A_127 = arith.select %gt3A_121, %add3A_126, %select_n3A_115 : vector<16xi1>, vector<16xi32>
          %max3A_128 = arith.maximumf %max3A_116, %gather3A_120 : vector<16xf32>
          %add3A_129 = arith.constant 4 : i32
          %add3A_130 = vector.broadcast %add3A_129 : i32 to vector<16xi32>
          %add3A_131 = arith.addi %add3A_79, %add3A_130 : vector<16xi32>
          %gather3A_132 = tpu.vector_load_idx %arg13[%add3A_131] : memref<25600xf32, #tpu.memory_space<vmem>>[vector<16xi32>], vector<16xf32>,
          %gt3A_133 = arith.cmpf ogt, %gather3A_132, %max3A_128 : vector<16xf32>
          %max3A_134 = arith.maximumf %select_n3A_123, %gather3A_132 : vector<16xf32>
          %select_n3A_135 = arith.select %gt3A_133, %max3A_128, %max3A_134 : vector<16xi1>, vector<16xf32>
          %add3A_136 = arith.constant 4 : i32
          %add3A_137 = vector.broadcast %add3A_136 : i32 to vector<16xi32>
          %add3A_138 = arith.addi %add3A_83, %add3A_137 : vector<16xi32>
          %select_n3A_139 = arith.select %gt3A_133, %add3A_138, %select_n3A_127 : vector<16xi1>, vector<16xi32>
          %max3A_140 = arith.maximumf %max3A_128, %gather3A_132 : vector<16xf32>
          %add3A_141 = arith.constant 5 : i32
          %add3A_142 = vector.broadcast %add3A_141 : i32 to vector<16xi32>
          %add3A_143 = arith.addi %add3A_79, %add3A_142 : vector<16xi32>
          %gather3A_144 = tpu.vector_load_idx %arg13[%add3A_143] : memref<25600xf32, #tpu.memory_space<vmem>>[vector<16xi32>], vector<16xf32>,
          %gt3A_145 = arith.cmpf ogt, %gather3A_144, %max3A_140 : vector<16xf32>
          %max3A_146 = arith.maximumf %select_n3A_135, %gather3A_144 : vector<16xf32>
          %select_n3A_147 = arith.select %gt3A_145, %max3A_140, %max3A_146 : vector<16xi1>, vector<16xf32>
          %add3A_148 = arith.constant 5 : i32
          %add3A_149 = vector.broadcast %add3A_148 : i32 to vector<16xi32>
          %add3A_150 = arith.addi %add3A_83, %add3A_149 : vector<16xi32>
          %select_n3A_151 = arith.select %gt3A_145, %add3A_150, %select_n3A_139 : vector<16xi1>, vector<16xi32>
          %max3A_152 = arith.maximumf %max3A_140, %gather3A_144 : vector<16xf32>
          %add3A_153 = arith.constant 6 : i32
          %add3A_154 = vector.broadcast %add3A_153 : i32 to vector<16xi32>
          %add3A_155 = arith.addi %add3A_79, %add3A_154 : vector<16xi32>
          %gather3A_156 = tpu.vector_load_idx %arg13[%add3A_155] : memref<25600xf32, #tpu.memory_space<vmem>>[vector<16xi32>], vector<16xf32>,
          %gt3A_157 = arith.cmpf ogt, %gather3A_156, %max3A_152 : vector<16xf32>
          %max3A_158 = arith.maximumf %select_n3A_147, %gather3A_156 : vector<16xf32>
          %select_n3A_159 = arith.select %gt3A_157, %max3A_152, %max3A_158 : vector<16xi1>, vector<16xf32>
          %add3A_160 = arith.constant 6 : i32
          %add3A_161 = vector.broadcast %add3A_160 : i32 to vector<16xi32>
          %add3A_162 = arith.addi %add3A_83, %add3A_161 : vector<16xi32>
          %select_n3A_163 = arith.select %gt3A_157, %add3A_162, %select_n3A_151 : vector<16xi1>, vector<16xi32>
          %max3A_164 = arith.maximumf %max3A_152, %gather3A_156 : vector<16xf32>
          %add3A_165 = arith.constant 7 : i32
          %add3A_166 = vector.broadcast %add3A_165 : i32 to vector<16xi32>
          %add3A_167 = arith.addi %add3A_79, %add3A_166 : vector<16xi32>
          %gather3A_168 = tpu.vector_load_idx %arg13[%add3A_167] : memref<25600xf32, #tpu.memory_space<vmem>>[vector<16xi32>], vector<16xf32>,
          %gt3A_169 = arith.cmpf ogt, %gather3A_168, %max3A_164 : vector<16xf32>
          %max3A_170 = arith.maximumf %select_n3A_159, %gather3A_168 : vector<16xf32>
          %select_n3A_171 = arith.select %gt3A_169, %max3A_164, %max3A_170 : vector<16xi1>, vector<16xf32>
          %add3A_172 = arith.constant 7 : i32
          %add3A_173 = vector.broadcast %add3A_172 : i32 to vector<16xi32>
          %add3A_174 = arith.addi %add3A_83, %add3A_173 : vector<16xi32>
          %select_n3A_175 = arith.select %gt3A_169, %add3A_174, %select_n3A_163 : vector<16xi1>, vector<16xi32>
          %max3A_176 = arith.maximumf %max3A_164, %gather3A_168 : vector<16xf32>
          %add3A_177 = arith.constant 8 : i32
          %add3A_178 = vector.broadcast %add3A_177 : i32 to vector<16xi32>
          %add3A_179 = arith.addi %add3A_79, %add3A_178 : vector<16xi32>
          %gather3A_180 = tpu.vector_load_idx %arg13[%add3A_179] : memref<25600xf32, #tpu.memory_space<vmem>>[vector<16xi32>], vector<16xf32>,
          %gt3A_181 = arith.cmpf ogt, %gather3A_180, %max3A_176 : vector<16xf32>
          %max3A_182 = arith.maximumf %select_n3A_171, %gather3A_180 : vector<16xf32>
          %select_n3A_183 = arith.select %gt3A_181, %max3A_176, %max3A_182 : vector<16xi1>, vector<16xf32>
          %add3A_184 = arith.constant 8 : i32
          %add3A_185 = vector.broadcast %add3A_184 : i32 to vector<16xi32>
          %add3A_186 = arith.addi %add3A_83, %add3A_185 : vector<16xi32>
          %select_n3A_187 = arith.select %gt3A_181, %add3A_186, %select_n3A_175 : vector<16xi1>, vector<16xi32>
          %max3A_188 = arith.maximumf %max3A_176, %gather3A_180 : vector<16xf32>
          %add3A_189 = arith.constant 9 : i32
          %add3A_190 = vector.broadcast %add3A_189 : i32 to vector<16xi32>
          %add3A_191 = arith.addi %add3A_79, %add3A_190 : vector<16xi32>
          %gather3A_192 = tpu.vector_load_idx %arg13[%add3A_191] : memref<25600xf32, #tpu.memory_space<vmem>>[vector<16xi32>], vector<16xf32>,
          %gt3A_193 = arith.cmpf ogt, %gather3A_192, %max3A_188 : vector<16xf32>
          %max3A_194 = arith.maximumf %select_n3A_183, %gather3A_192 : vector<16xf32>
          %select_n3A_195 = arith.select %gt3A_193, %max3A_188, %max3A_194 : vector<16xi1>, vector<16xf32>
          %add3A_196 = arith.constant 9 : i32
          %add3A_197 = vector.broadcast %add3A_196 : i32 to vector<16xi32>
          %add3A_198 = arith.addi %add3A_83, %add3A_197 : vector<16xi32>
          %select_n3A_199 = arith.select %gt3A_193, %add3A_198, %select_n3A_187 : vector<16xi1>, vector<16xi32>
          %max3A_200 = arith.maximumf %max3A_188, %gather3A_192 : vector<16xf32>
          %add3A_201 = arith.constant 10 : i32
          %add3A_202 = vector.broadcast %add3A_201 : i32 to vector<16xi32>
          %add3A_203 = arith.addi %add3A_79, %add3A_202 : vector<16xi32>
          %gather3A_204 = tpu.vector_load_idx %arg13[%add3A_203] : memref<25600xf32, #tpu.memory_space<vmem>>[vector<16xi32>], vector<16xf32>,
          %gt3A_205 = arith.cmpf ogt, %gather3A_204, %max3A_200 : vector<16xf32>
          %max3A_206 = arith.maximumf %select_n3A_195, %gather3A_204 : vector<16xf32>
          %select_n3A_207 = arith.select %gt3A_205, %max3A_200, %max3A_206 : vector<16xi1>, vector<16xf32>
          %add3A_208 = arith.constant 10 : i32
          %add3A_209 = vector.broadcast %add3A_208 : i32 to vector<16xi32>
          %add3A_210 = arith.addi %add3A_83, %add3A_209 : vector<16xi32>
          %select_n3A_211 = arith.select %gt3A_205, %add3A_210, %select_n3A_199 : vector<16xi1>, vector<16xi32>
          %max3A_212 = arith.maximumf %max3A_200, %gather3A_204 : vector<16xf32>
          %add3A_213 = arith.constant 11 : i32
          %add3A_214 = vector.broadcast %add3A_213 : i32 to vector<16xi32>
          %add3A_215 = arith.addi %add3A_79, %add3A_214 : vector<16xi32>
          %gather3A_216 = tpu.vector_load_idx %arg13[%add3A_215] : memref<25600xf32, #tpu.memory_space<vmem>>[vector<16xi32>], vector<16xf32>,
          %gt3A_217 = arith.cmpf ogt, %gather3A_216, %max3A_212 : vector<16xf32>
          %max3A_218 = arith.maximumf %select_n3A_207, %gather3A_216 : vector<16xf32>
          %select_n3A_219 = arith.select %gt3A_217, %max3A_212, %max3A_218 : vector<16xi1>, vector<16xf32>
          %add3A_220 = arith.constant 11 : i32
          %add3A_221 = vector.broadcast %add3A_220 : i32 to vector<16xi32>
          %add3A_222 = arith.addi %add3A_83, %add3A_221 : vector<16xi32>
          %select_n3A_223 = arith.select %gt3A_217, %add3A_222, %select_n3A_211 : vector<16xi1>, vector<16xi32>
          %max3A_224 = arith.maximumf %max3A_212, %gather3A_216 : vector<16xf32>
          %add3A_225 = arith.constant 12 : i32
          %add3A_226 = vector.broadcast %add3A_225 : i32 to vector<16xi32>
          %add3A_227 = arith.addi %add3A_79, %add3A_226 : vector<16xi32>
          %gather3A_228 = tpu.vector_load_idx %arg13[%add3A_227] : memref<25600xf32, #tpu.memory_space<vmem>>[vector<16xi32>], vector<16xf32>,
          %gt3A_229 = arith.cmpf ogt, %gather3A_228, %max3A_224 : vector<16xf32>
          %max3A_230 = arith.maximumf %select_n3A_219, %gather3A_228 : vector<16xf32>
          %select_n3A_231 = arith.select %gt3A_229, %max3A_224, %max3A_230 : vector<16xi1>, vector<16xf32>
          %add3A_232 = arith.constant 12 : i32
          %add3A_233 = vector.broadcast %add3A_232 : i32 to vector<16xi32>
          %add3A_234 = arith.addi %add3A_83, %add3A_233 : vector<16xi32>
          %select_n3A_235 = arith.select %gt3A_229, %add3A_234, %select_n3A_223 : vector<16xi1>, vector<16xi32>
          %max3A_236 = arith.maximumf %max3A_224, %gather3A_228 : vector<16xf32>
          %add3A_237 = arith.constant 13 : i32
          %add3A_238 = vector.broadcast %add3A_237 : i32 to vector<16xi32>
          %add3A_239 = arith.addi %add3A_79, %add3A_238 : vector<16xi32>
          %gather3A_240 = tpu.vector_load_idx %arg13[%add3A_239] : memref<25600xf32, #tpu.memory_space<vmem>>[vector<16xi32>], vector<16xf32>,
          %gt3A_241 = arith.cmpf ogt, %gather3A_240, %max3A_236 : vector<16xf32>
          %max3A_242 = arith.maximumf %select_n3A_231, %gather3A_240 : vector<16xf32>
          %select_n3A_243 = arith.select %gt3A_241, %max3A_236, %max3A_242 : vector<16xi1>, vector<16xf32>
          %add3A_244 = arith.constant 13 : i32
          %add3A_245 = vector.broadcast %add3A_244 : i32 to vector<16xi32>
          %add3A_246 = arith.addi %add3A_83, %add3A_245 : vector<16xi32>
          %select_n3A_247 = arith.select %gt3A_241, %add3A_246, %select_n3A_235 : vector<16xi1>, vector<16xi32>
          %max3A_248 = arith.maximumf %max3A_236, %gather3A_240 : vector<16xf32>
          %add3A_249 = arith.constant 14 : i32
          %add3A_250 = vector.broadcast %add3A_249 : i32 to vector<16xi32>
          %add3A_251 = arith.addi %add3A_79, %add3A_250 : vector<16xi32>
          %gather3A_252 = tpu.vector_load_idx %arg13[%add3A_251] : memref<25600xf32, #tpu.memory_space<vmem>>[vector<16xi32>], vector<16xf32>,
          %gt3A_253 = arith.cmpf ogt, %gather3A_252, %max3A_248 : vector<16xf32>
          %max3A_254 = arith.maximumf %select_n3A_243, %gather3A_252 : vector<16xf32>
          %select_n3A_255 = arith.select %gt3A_253, %max3A_248, %max3A_254 : vector<16xi1>, vector<16xf32>
          %add3A_256 = arith.constant 14 : i32
          %add3A_257 = vector.broadcast %add3A_256 : i32 to vector<16xi32>
          %add3A_258 = arith.addi %add3A_83, %add3A_257 : vector<16xi32>
          %select_n3A_259 = arith.select %gt3A_253, %add3A_258, %select_n3A_247 : vector<16xi1>, vector<16xi32>
          %max3A_260 = arith.maximumf %max3A_248, %gather3A_252 : vector<16xf32>
          %add3A_261 = arith.constant 15 : i32
          %add3A_262 = vector.broadcast %add3A_261 : i32 to vector<16xi32>
          %add3A_263 = arith.addi %add3A_79, %add3A_262 : vector<16xi32>
          %gather3A_264 = tpu.vector_load_idx %arg13[%add3A_263] : memref<25600xf32, #tpu.memory_space<vmem>>[vector<16xi32>], vector<16xf32>,
          %gt3A_265 = arith.cmpf ogt, %gather3A_264, %max3A_260 : vector<16xf32>
          %max3A_266 = arith.maximumf %select_n3A_255, %gather3A_264 : vector<16xf32>
          %select_n3A_267 = arith.select %gt3A_265, %max3A_260, %max3A_266 : vector<16xi1>, vector<16xf32>
          %add3A_268 = arith.constant 15 : i32
          %add3A_269 = vector.broadcast %add3A_268 : i32 to vector<16xi32>
          %add3A_270 = arith.addi %add3A_83, %add3A_269 : vector<16xi32>
          %select_n3A_271 = arith.select %gt3A_265, %add3A_270, %select_n3A_259 : vector<16xi1>, vector<16xi32>
          %max3A_272 = arith.maximumf %max3A_260, %gather3A_264 : vector<16xf32>
          scf.yield %max3A_272, %select_n3A_271, %select_n3A_267 : vector<16xf32>, vector<16xi32>, vector<16xf32>
        }
        %scan3A_55 = arith.constant 16 : i32
        %broadcast_in_dim3A_56 = vector.broadcast %squeeze3A : f32 to vector<16xf32>
        %select_n3A_57 = arith.select %lt3A_40, %scan3A_54#0, %broadcast_in_dim3A_56 : vector<16xi1>, vector<16xf32>
        %mul3A_58 = arith.constant 16 : i32
        %mul3A_59 = arith.muli %scan3A_33, %mul3A_58 : i32
        %swap3A = arith.index_cast %mul3A_59 : i32 to index
        %swap3A_60 = tpu.vector_load %arg14[%swap3A] {strides = array<i32>} : memref<112xf32, #tpu.memory_space<vmem>>, vector<16xf32>,
        tpu.vector_store %arg14[%swap3A], %select_n3A_57 {strides = array<i32>} : memref<112xf32, #tpu.memory_space<vmem>>, vector<16xf32>,
        %mul3A_61 = arith.constant 16 : i32
        %mul3A_62 = arith.muli %scan3A_33, %mul3A_61 : i32
        %swap3A_63 = arith.index_cast %mul3A_62 : i32 to index
        %swap3A_64 = tpu.vector_load %arg15[%swap3A_63] {strides = array<i32>} : memref<112xi32, #tpu.memory_space<vmem>>, vector<16xi32>,
        tpu.vector_store %arg15[%swap3A_63], %scan3A_54#1 {strides = array<i32>} : memref<112xi32, #tpu.memory_space<vmem>>, vector<16xi32>,
        %broadcast_in_dim3A_65 = vector.broadcast %squeeze3A : f32 to vector<16xf32>
        %select_n3A_66 = arith.select %lt3A_40, %scan3A_54#2, %broadcast_in_dim3A_65 : vector<16xi1>, vector<16xf32>
        %mul3A_67 = arith.constant 16 : i32
        %mul3A_68 = arith.muli %scan3A_33, %mul3A_67 : i32
        %swap3A_69 = arith.index_cast %mul3A_68 : i32 to index
        %swap3A_70 = tpu.vector_load %arg16[%swap3A_69] {strides = array<i32>} : memref<112xf32, #tpu.memory_space<vmem>>, vector<16xf32>,
        tpu.vector_store %arg16[%swap3A_69], %select_n3A_66 {strides = array<i32>} : memref<112xf32, #tpu.memory_space<vmem>>, vector<16xf32>,
        %scan3A_71 = arith.constant 0 : i32
        scf.yield %scan3A_71 : i32
      }
      %scan3A_30 = arith.constant 7 : i32
      %mul3A_31 = arith.constant 112 : i32
      %mul3A_32 = arith.muli %arg1, %mul3A_31 : i32
      "tpu.region"() ({
        %run_scoped3A = tpu.sem_alloc : memref<!tpu.dma_semaphore, #tpu.memory_space<semaphore_mem>>
        %dma_start3A = tpu.memref_slice %arg10[%mul3A_32] : memref<1792xf32, #tpu.memory_space<vmem_shared>> -> memref<112xf32, #tpu.memory_space<vmem_shared>>
        %dma_start3A_33 = tpu.memref_slice %arg10[%mul3A_32] : memref<1792xf32, #tpu.memory_space<vmem_shared>> -> memref<112xf32, #tpu.memory_space<vmem_shared>>
        tpu.enqueue_dma source(%arg14 : memref<112xf32, #tpu.memory_space<vmem>>) target(%dma_start3A_33 : memref<112xf32, #tpu.memory_space<vmem_shared>>) target_semaphore(%run_scoped3A : memref<!tpu.dma_semaphore, #tpu.memory_space<semaphore_mem>>)
        %dma_wait3A = tpu.memref_slice %arg10[%mul3A_32] : memref<1792xf32, #tpu.memory_space<vmem_shared>> -> memref<112xf32, #tpu.memory_space<vmem_shared>>
        %dma_wait3A_34 = tpu.memref_slice %arg10[%mul3A_32] : memref<1792xf32, #tpu.memory_space<vmem_shared>> -> memref<112xf32, #tpu.memory_space<vmem_shared>>
        tpu.wait_dma2 semaphore(%run_scoped3A : memref<!tpu.dma_semaphore, #tpu.memory_space<semaphore_mem>>) src(%arg14 : memref<112xf32, #tpu.memory_space<vmem>>) dst(%dma_wait3A_34 : memref<112xf32, #tpu.memory_space<vmem_shared>>)
        tpu.yield
      }) : () -> ()
      "tpu.region"() ({
        %run_scoped3A = tpu.sem_alloc : memref<!tpu.dma_semaphore, #tpu.memory_space<semaphore_mem>>
        %dma_start3A = tpu.memref_slice %arg11[%mul3A_32] : memref<1792xi32, #tpu.memory_space<vmem_shared>> -> memref<112xi32, #tpu.memory_space<vmem_shared>>
        %dma_start3A_33 = tpu.memref_slice %arg11[%mul3A_32] : memref<1792xi32, #tpu.memory_space<vmem_shared>> -> memref<112xi32, #tpu.memory_space<vmem_shared>>
        tpu.enqueue_dma source(%arg15 : memref<112xi32, #tpu.memory_space<vmem>>) target(%dma_start3A_33 : memref<112xi32, #tpu.memory_space<vmem_shared>>) target_semaphore(%run_scoped3A : memref<!tpu.dma_semaphore, #tpu.memory_space<semaphore_mem>>)
        %dma_wait3A = tpu.memref_slice %arg11[%mul3A_32] : memref<1792xi32, #tpu.memory_space<vmem_shared>> -> memref<112xi32, #tpu.memory_space<vmem_shared>>
        %dma_wait3A_34 = tpu.memref_slice %arg11[%mul3A_32] : memref<1792xi32, #tpu.memory_space<vmem_shared>> -> memref<112xi32, #tpu.memory_space<vmem_shared>>
        tpu.wait_dma2 semaphore(%run_scoped3A : memref<!tpu.dma_semaphore, #tpu.memory_space<semaphore_mem>>) src(%arg15 : memref<112xi32, #tpu.memory_space<vmem>>) dst(%dma_wait3A_34 : memref<112xi32, #tpu.memory_space<vmem_shared>>)
        tpu.yield
      }) : () -> ()
      "tpu.region"() ({
        %run_scoped3A = tpu.sem_alloc : memref<!tpu.dma_semaphore, #tpu.memory_space<semaphore_mem>>
        %dma_start3A = tpu.memref_slice %arg12[%mul3A_32] : memref<1792xf32, #tpu.memory_space<vmem_shared>> -> memref<112xf32, #tpu.memory_space<vmem_shared>>
        %dma_start3A_33 = tpu.memref_slice %arg12[%mul3A_32] : memref<1792xf32, #tpu.memory_space<vmem_shared>> -> memref<112xf32, #tpu.memory_space<vmem_shared>>
        tpu.enqueue_dma source(%arg16 : memref<112xf32, #tpu.memory_space<vmem>>) target(%dma_start3A_33 : memref<112xf32, #tpu.memory_space<vmem_shared>>) target_semaphore(%run_scoped3A : memref<!tpu.dma_semaphore, #tpu.memory_space<semaphore_mem>>)
        %dma_wait3A = tpu.memref_slice %arg12[%mul3A_32] : memref<1792xf32, #tpu.memory_space<vmem_shared>> -> memref<112xf32, #tpu.memory_space<vmem_shared>>
        %dma_wait3A_34 = tpu.memref_slice %arg12[%mul3A_32] : memref<1792xf32, #tpu.memory_space<vmem_shared>> -> memref<112xf32, #tpu.memory_space<vmem_shared>>
        tpu.wait_dma2 semaphore(%run_scoped3A : memref<!tpu.dma_semaphore, #tpu.memory_space<semaphore_mem>>) src(%arg16 : memref<112xf32, #tpu.memory_space<vmem>>) dst(%dma_wait3A_34 : memref<112xf32, #tpu.memory_space<vmem_shared>>)
        tpu.yield
      }) : () -> ()
    } else {
    }
    %barrier3A = arith.constant 0 : index
    tpu.barrier barrier_id(%barrier3A)
    %eq3A_3 = arith.constant 0 : i32
    %eq3A_4 = arith.cmpi eq, %arg0, %eq3A_3 : i32
    %eq3A_5 = arith.constant 0 : i32
    %eq3A_6 = arith.cmpi eq, %arg1, %eq3A_5 : i32
    %and3A = arith.andi %eq3A_4, %eq3A_6 : i1
    %convert_element_type3A_7 = arith.extui %and3A : i1 to i32
    %cond3A_8 = arith.constant 0 : i32
    %cond3A_9 = arith.cmpi ne, %convert_element_type3A_7, %cond3A_8 : i32
    scf.if %cond3A_9 {
      "tpu.region"() ({
        %run_scoped3A_173 = tpu.sem_alloc : memref<!tpu.dma_semaphore, #tpu.memory_space<semaphore_mem>>
        tpu.enqueue_dma source(%arg10 : memref<1792xf32, #tpu.memory_space<vmem_shared>>) target(%arg17 : memref<1792xf32, #tpu.memory_space<vmem>>) target_semaphore(%run_scoped3A_173 : memref<!tpu.dma_semaphore, #tpu.memory_space<semaphore_mem>>)
        tpu.wait_dma2 semaphore(%run_scoped3A_173 : memref<!tpu.dma_semaphore, #tpu.memory_space<semaphore_mem>>) src(%arg10 : memref<1792xf32, #tpu.memory_space<vmem_shared>>) dst(%arg17 : memref<1792xf32, #tpu.memory_space<vmem>>)
        tpu.yield
      }) : () -> ()
      "tpu.region"() ({
        %run_scoped3A_173 = tpu.sem_alloc : memref<!tpu.dma_semaphore, #tpu.memory_space<semaphore_mem>>
        tpu.enqueue_dma source(%arg11 : memref<1792xi32, #tpu.memory_space<vmem_shared>>) target(%arg19 : memref<1792xi32, #tpu.memory_space<vmem>>) target_semaphore(%run_scoped3A_173 : memref<!tpu.dma_semaphore, #tpu.memory_space<semaphore_mem>>)
        tpu.wait_dma2 semaphore(%run_scoped3A_173 : memref<!tpu.dma_semaphore, #tpu.memory_space<semaphore_mem>>) src(%arg11 : memref<1792xi32, #tpu.memory_space<vmem_shared>>) dst(%arg19 : memref<1792xi32, #tpu.memory_space<vmem>>)
        tpu.yield
      }) : () -> ()
      "tpu.region"() ({
        %run_scoped3A_173 = tpu.sem_alloc : memref<!tpu.dma_semaphore, #tpu.memory_space<semaphore_mem>>
        tpu.enqueue_dma source(%arg12 : memref<1792xf32, #tpu.memory_space<vmem_shared>>) target(%arg22 : memref<1792xf32, #tpu.memory_space<vmem>>) target_semaphore(%run_scoped3A_173 : memref<!tpu.dma_semaphore, #tpu.memory_space<semaphore_mem>>)
        tpu.wait_dma2 semaphore(%run_scoped3A_173 : memref<!tpu.dma_semaphore, #tpu.memory_space<semaphore_mem>>) src(%arg12 : memref<1792xf32, #tpu.memory_space<vmem_shared>>) dst(%arg22 : memref<1792xf32, #tpu.memory_space<vmem>>)
        tpu.yield
      }) : () -> ()
      "tpu.region"() ({
        %run_scoped3A_173 = tpu.sem_alloc : memref<!tpu.dma_semaphore, #tpu.memory_space<semaphore_mem>>
        tpu.enqueue_dma source(%arg3 : memref<20000xf32, #tpu.memory_space<hbm>>) target(%arg24 : memref<20000xf32, #tpu.memory_space<vmem>>) target_semaphore(%run_scoped3A_173 : memref<!tpu.dma_semaphore, #tpu.memory_space<semaphore_mem>>)
        tpu.wait_dma2 semaphore(%run_scoped3A_173 : memref<!tpu.dma_semaphore, #tpu.memory_space<semaphore_mem>>) src(%arg3 : memref<20000xf32, #tpu.memory_space<hbm>>) dst(%arg24 : memref<20000xf32, #tpu.memory_space<vmem>>)
        tpu.yield
      }) : () -> ()
      %scan3A = arith.constant 0 : i32
      %scan3A_10 = arith.constant 0 : i32
      %scan3A_11 = arith.constant 7 : i32
      %scan3A_12 = arith.addi %scan3A_10, %scan3A_11 : i32
      %scan3A_13 = arith.constant 1 : i32
      %scan3A_14 = scf.for %scan3A_173 = %scan3A_10 to %scan3A_12 step %scan3A_13 iter_args(%scan3A_174 = %scan3A) -> (i32)  : i32 {
        %mul3A_175 = arith.constant 16 : i32
        %mul3A_176 = arith.muli %scan3A_173, %mul3A_175 : i32
        %add3A_177 = vector.broadcast %mul3A_176 : i32 to vector<16xi32>
        %add3A_178 = arith.addi %add3A_177, %iota3A : vector<16xi32>
        %mul3A_179 = arith.constant 16 : i32
        %mul3A_180 = vector.broadcast %mul3A_179 : i32 to vector<16xi32>
        %mul3A_181 = arith.muli %add3A_178, %mul3A_180 : vector<16xi32>
        %broadcast_in_dim3A_182 = vector.broadcast %squeeze3A : f32 to vector<16xf32>
        %add3A_183 = arith.constant 0 : i32
        %add3A_184 = vector.broadcast %add3A_183 : i32 to vector<16xi32>
        %add3A_185 = arith.addi %mul3A_181, %add3A_184 : vector<16xi32>
        %gather3A = tpu.vector_load_idx %arg17[%add3A_185] : memref<1792xf32, #tpu.memory_space<vmem>>[vector<16xi32>], vector<16xf32>,
        %max3A_186 = arith.maximumf %broadcast_in_dim3A_182, %gather3A : vector<16xf32>
        %add3A_187 = arith.constant 1 : i32
        %add3A_188 = vector.broadcast %add3A_187 : i32 to vector<16xi32>
        %add3A_189 = arith.addi %mul3A_181, %add3A_188 : vector<16xi32>
        %gather3A_190 = tpu.vector_load_idx %arg17[%add3A_189] : memref<1792xf32, #tpu.memory_space<vmem>>[vector<16xi32>], vector<16xf32>,
        %max3A_191 = arith.maximumf %max3A_186, %gather3A_190 : vector<16xf32>
        %add3A_192 = arith.constant 2 : i32
        %add3A_193 = vector.broadcast %add3A_192 : i32 to vector<16xi32>
        %add3A_194 = arith.addi %mul3A_181, %add3A_193 : vector<16xi32>
        %gather3A_195 = tpu.vector_load_idx %arg17[%add3A_194] : memref<1792xf32, #tpu.memory_space<vmem>>[vector<16xi32>], vector<16xf32>,
        %max3A_196 = arith.maximumf %max3A_191, %gather3A_195 : vector<16xf32>
        %add3A_197 = arith.constant 3 : i32
        %add3A_198 = vector.broadcast %add3A_197 : i32 to vector<16xi32>
        %add3A_199 = arith.addi %mul3A_181, %add3A_198 : vector<16xi32>
        %gather3A_200 = tpu.vector_load_idx %arg17[%add3A_199] : memref<1792xf32, #tpu.memory_space<vmem>>[vector<16xi32>], vector<16xf32>,
        %max3A_201 = arith.maximumf %max3A_196, %gather3A_200 : vector<16xf32>
        %add3A_202 = arith.constant 4 : i32
        %add3A_203 = vector.broadcast %add3A_202 : i32 to vector<16xi32>
        %add3A_204 = arith.addi %mul3A_181, %add3A_203 : vector<16xi32>
        %gather3A_205 = tpu.vector_load_idx %arg17[%add3A_204] : memref<1792xf32, #tpu.memory_space<vmem>>[vector<16xi32>], vector<16xf32>,
        %max3A_206 = arith.maximumf %max3A_201, %gather3A_205 : vector<16xf32>
        %add3A_207 = arith.constant 5 : i32
        %add3A_208 = vector.broadcast %add3A_207 : i32 to vector<16xi32>
        %add3A_209 = arith.addi %mul3A_181, %add3A_208 : vector<16xi32>
        %gather3A_210 = tpu.vector_load_idx %arg17[%add3A_209] : memref<1792xf32, #tpu.memory_space<vmem>>[vector<16xi32>], vector<16xf32>,
        %max3A_211 = arith.maximumf %max3A_206, %gather3A_210 : vector<16xf32>
        %add3A_212 = arith.constant 6 : i32
        %add3A_213 = vector.broadcast %add3A_212 : i32 to vector<16xi32>
        %add3A_214 = arith.addi %mul3A_181, %add3A_213 : vector<16xi32>
        %gather3A_215 = tpu.vector_load_idx %arg17[%add3A_214] : memref<1792xf32, #tpu.memory_space<vmem>>[vector<16xi32>], vector<16xf32>,
        %max3A_216 = arith.maximumf %max3A_211, %gather3A_215 : vector<16xf32>
        %add3A_217 = arith.constant 7 : i32
        %add3A_218 = vector.broadcast %add3A_217 : i32 to vector<16xi32>
        %add3A_219 = arith.addi %mul3A_181, %add3A_218 : vector<16xi32>
        %gather3A_220 = tpu.vector_load_idx %arg17[%add3A_219] : memref<1792xf32, #tpu.memory_space<vmem>>[vector<16xi32>], vector<16xf32>,
        %max3A_221 = arith.maximumf %max3A_216, %gather3A_220 : vector<16xf32>
        %add3A_222 = arith.constant 8 : i32
        %add3A_223 = vector.broadcast %add3A_222 : i32 to vector<16xi32>
        %add3A_224 = arith.addi %mul3A_181, %add3A_223 : vector<16xi32>
        %gather3A_225 = tpu.vector_load_idx %arg17[%add3A_224] : memref<1792xf32, #tpu.memory_space<vmem>>[vector<16xi32>], vector<16xf32>,
        %max3A_226 = arith.maximumf %max3A_221, %gather3A_225 : vector<16xf32>
        %add3A_227 = arith.constant 9 : i32
        %add3A_228 = vector.broadcast %add3A_227 : i32 to vector<16xi32>
        %add3A_229 = arith.addi %mul3A_181, %add3A_228 : vector<16xi32>
        %gather3A_230 = tpu.vector_load_idx %arg17[%add3A_229] : memref<1792xf32, #tpu.memory_space<vmem>>[vector<16xi32>], vector<16xf32>,
        %max3A_231 = arith.maximumf %max3A_226, %gather3A_230 : vector<16xf32>
        %add3A_232 = arith.constant 10 : i32
        %add3A_233 = vector.broadcast %add3A_232 : i32 to vector<16xi32>
        %add3A_234 = arith.addi %mul3A_181, %add3A_233 : vector<16xi32>
        %gather3A_235 = tpu.vector_load_idx %arg17[%add3A_234] : memref<1792xf32, #tpu.memory_space<vmem>>[vector<16xi32>], vector<16xf32>,
        %max3A_236 = arith.maximumf %max3A_231, %gather3A_235 : vector<16xf32>
        %add3A_237 = arith.constant 11 : i32
        %add3A_238 = vector.broadcast %add3A_237 : i32 to vector<16xi32>
        %add3A_239 = arith.addi %mul3A_181, %add3A_238 : vector<16xi32>
        %gather3A_240 = tpu.vector_load_idx %arg17[%add3A_239] : memref<1792xf32, #tpu.memory_space<vmem>>[vector<16xi32>], vector<16xf32>,
        %max3A_241 = arith.maximumf %max3A_236, %gather3A_240 : vector<16xf32>
        %add3A_242 = arith.constant 12 : i32
        %add3A_243 = vector.broadcast %add3A_242 : i32 to vector<16xi32>
        %add3A_244 = arith.addi %mul3A_181, %add3A_243 : vector<16xi32>
        %gather3A_245 = tpu.vector_load_idx %arg17[%add3A_244] : memref<1792xf32, #tpu.memory_space<vmem>>[vector<16xi32>], vector<16xf32>,
        %max3A_246 = arith.maximumf %max3A_241, %gather3A_245 : vector<16xf32>
        %add3A_247 = arith.constant 13 : i32
        %add3A_248 = vector.broadcast %add3A_247 : i32 to vector<16xi32>
        %add3A_249 = arith.addi %mul3A_181, %add3A_248 : vector<16xi32>
        %gather3A_250 = tpu.vector_load_idx %arg17[%add3A_249] : memref<1792xf32, #tpu.memory_space<vmem>>[vector<16xi32>], vector<16xf32>,
        %max3A_251 = arith.maximumf %max3A_246, %gather3A_250 : vector<16xf32>
        %add3A_252 = arith.constant 14 : i32
        %add3A_253 = vector.broadcast %add3A_252 : i32 to vector<16xi32>
        %add3A_254 = arith.addi %mul3A_181, %add3A_253 : vector<16xi32>
        %gather3A_255 = tpu.vector_load_idx %arg17[%add3A_254] : memref<1792xf32, #tpu.memory_space<vmem>>[vector<16xi32>], vector<16xf32>,
        %max3A_256 = arith.maximumf %max3A_251, %gather3A_255 : vector<16xf32>
        %add3A_257 = arith.constant 15 : i32
        %add3A_258 = vector.broadcast %add3A_257 : i32 to vector<16xi32>
        %add3A_259 = arith.addi %mul3A_181, %add3A_258 : vector<16xi32>
        %gather3A_260 = tpu.vector_load_idx %arg17[%add3A_259] : memref<1792xf32, #tpu.memory_space<vmem>>[vector<16xi32>], vector<16xf32>,
        %max3A_261 = arith.maximumf %max3A_256, %gather3A_260 : vector<16xf32>
        %mul3A_262 = arith.constant 16 : i32
        %mul3A_263 = arith.muli %scan3A_173, %mul3A_262 : i32
        %swap3A_264 = arith.index_cast %mul3A_263 : i32 to index
        %swap3A_265 = tpu.vector_load %arg18[%swap3A_264] {strides = array<i32>} : memref<112xf32, #tpu.memory_space<vmem>>, vector<16xf32>,
        tpu.vector_store %arg18[%swap3A_264], %max3A_261 {strides = array<i32>} : memref<112xf32, #tpu.memory_space<vmem>>, vector<16xf32>,
        %scan3A_266 = arith.constant 0 : i32
        scf.yield %scan3A_266 : i32
      }
      %scan3A_15 = arith.constant 7 : i32
      %broadcast_in_dim3A = arith.constant 0.000000e+00 : f32
      %broadcast_in_dim3A_16 = vector.broadcast %broadcast_in_dim3A : f32 to vector<16xf32>
      %broadcast_in_dim3A_17 = arith.constant 0 : i32
      %broadcast_in_dim3A_18 = vector.broadcast %broadcast_in_dim3A_17 : i32 to vector<16xi32>
      %scan3A_19 = arith.constant 0 : i32
      %scan3A_20 = arith.constant 0 : i32
      %scan3A_21 = arith.constant 8 : i32
      %scan3A_22 = arith.addi %scan3A_20, %scan3A_21 : i32
      %scan3A_23 = arith.constant 1 : i32
      %scan3A_24 = scf.for %scan3A_173 = %scan3A_20 to %scan3A_22 step %scan3A_23 iter_args(%scan3A_174 = %scan3A_19) -> (i32)  : i32 {
        %mul3A_175 = arith.constant 16 : i32
        %mul3A_176 = arith.muli %scan3A_173, %mul3A_175 : i32
        %swap3A_177 = arith.index_cast %mul3A_176 : i32 to index
        %swap3A_178 = tpu.vector_load %arg32[%swap3A_177] {strides = array<i32>} : memref<128xf32, #tpu.memory_space<vmem>>, vector<16xf32>,
        tpu.vector_store %arg32[%swap3A_177], %broadcast_in_dim3A_16 {strides = array<i32>} : memref<128xf32, #tpu.memory_space<vmem>>, vector<16xf32>,
        %mul3A_179 = arith.constant 16 : i32
        %mul3A_180 = arith.muli %scan3A_173, %mul3A_179 : i32
        %swap3A_181 = arith.index_cast %mul3A_180 : i32 to index
        %swap3A_182 = tpu.vector_load %arg33[%swap3A_181] {strides = array<i32>} : memref<128xi32, #tpu.memory_space<vmem>>, vector<16xi32>,
        tpu.vector_store %arg33[%swap3A_181], %broadcast_in_dim3A_18 {strides = array<i32>} : memref<128xi32, #tpu.memory_space<vmem>>, vector<16xi32>,
        %mul3A_183 = arith.constant 16 : i32
        %mul3A_184 = arith.muli %scan3A_173, %mul3A_183 : i32
        %swap3A_185 = arith.index_cast %mul3A_184 : i32 to index
        %swap3A_186 = tpu.vector_load %arg25[%swap3A_185] {strides = array<i32>} : memref<128xf32, #tpu.memory_space<vmem>>, vector<16xf32>,
        tpu.vector_store %arg25[%swap3A_185], %broadcast_in_dim3A_16 {strides = array<i32>} : memref<128xf32, #tpu.memory_space<vmem>>, vector<16xf32>,
        %mul3A_187 = arith.constant 16 : i32
        %mul3A_188 = arith.muli %scan3A_173, %mul3A_187 : i32
        %swap3A_189 = arith.index_cast %mul3A_188 : i32 to index
        %swap3A_190 = tpu.vector_load %arg26[%swap3A_189] {strides = array<i32>} : memref<128xf32, #tpu.memory_space<vmem>>, vector<16xf32>,
        tpu.vector_store %arg26[%swap3A_189], %broadcast_in_dim3A_16 {strides = array<i32>} : memref<128xf32, #tpu.memory_space<vmem>>, vector<16xf32>,
        %mul3A_191 = arith.constant 16 : i32
        %mul3A_192 = arith.muli %scan3A_173, %mul3A_191 : i32
        %swap3A_193 = arith.index_cast %mul3A_192 : i32 to index
        %swap3A_194 = tpu.vector_load %arg27[%swap3A_193] {strides = array<i32>} : memref<128xf32, #tpu.memory_space<vmem>>, vector<16xf32>,
        tpu.vector_store %arg27[%swap3A_193], %broadcast_in_dim3A_16 {strides = array<i32>} : memref<128xf32, #tpu.memory_space<vmem>>, vector<16xf32>,
        %mul3A_195 = arith.constant 16 : i32
        %mul3A_196 = arith.muli %scan3A_173, %mul3A_195 : i32
        %swap3A_197 = arith.index_cast %mul3A_196 : i32 to index
        %swap3A_198 = tpu.vector_load %arg28[%swap3A_197] {strides = array<i32>} : memref<128xf32, #tpu.memory_space<vmem>>, vector<16xf32>,
        tpu.vector_store %arg28[%swap3A_197], %broadcast_in_dim3A_16 {strides = array<i32>} : memref<128xf32, #tpu.memory_space<vmem>>, vector<16xf32>,
        %mul3A_199 = arith.constant 16 : i32
        %mul3A_200 = arith.muli %scan3A_173, %mul3A_199 : i32
        %swap3A_201 = arith.index_cast %mul3A_200 : i32 to index
        %swap3A_202 = tpu.vector_load %arg29[%swap3A_201] {strides = array<i32>} : memref<128xf32, #tpu.memory_space<vmem>>, vector<16xf32>,
        tpu.vector_store %arg29[%swap3A_201], %broadcast_in_dim3A_16 {strides = array<i32>} : memref<128xf32, #tpu.memory_space<vmem>>, vector<16xf32>,
        %broadcast_in_dim3A_203 = arith.constant -1 : i32
        %broadcast_in_dim3A_204 = vector.broadcast %broadcast_in_dim3A_203 : i32 to vector<16xi32>
        %mul3A_205 = arith.constant 16 : i32
        %mul3A_206 = arith.muli %scan3A_173, %mul3A_205 : i32
        %swap3A_207 = arith.index_cast %mul3A_206 : i32 to index
        %swap3A_208 = tpu.vector_load %arg30[%swap3A_207] {strides = array<i32>} : memref<128xi32, #tpu.memory_space<vmem>>, vector<16xi32>,
        tpu.vector_store %arg30[%swap3A_207], %broadcast_in_dim3A_204 {strides = array<i32>} : memref<128xi32, #tpu.memory_space<vmem>>, vector<16xi32>,
        %mul3A_209 = arith.constant 16 : i32
        %mul3A_210 = arith.muli %scan3A_173, %mul3A_209 : i32
        %swap3A_211 = arith.index_cast %mul3A_210 : i32 to index
        %swap3A_212 = tpu.vector_load %arg20[%swap3A_211] {strides = array<i32>} : memref<1792xf32, #tpu.memory_space<vmem>>, vector<16xf32>,
        tpu.vector_store %arg20[%swap3A_211], %broadcast_in_dim3A_16 {strides = array<i32>} : memref<1792xf32, #tpu.memory_space<vmem>>, vector<16xf32>,
        %mul3A_213 = arith.constant 16 : i32
        %mul3A_214 = arith.muli %scan3A_173, %mul3A_213 : i32
        %swap3A_215 = arith.index_cast %mul3A_214 : i32 to index
        %swap3A_216 = tpu.vector_load %arg21[%swap3A_215] {strides = array<i32>} : memref<1792xi32, #tpu.memory_space<vmem>>, vector<16xi32>,
        tpu.vector_store %arg21[%swap3A_215], %broadcast_in_dim3A_18 {strides = array<i32>} : memref<1792xi32, #tpu.memory_space<vmem>>, vector<16xi32>,
        %mul3A_217 = arith.constant 16 : i32
        %mul3A_218 = arith.muli %scan3A_173, %mul3A_217 : i32
        %swap3A_219 = arith.constant 0 : i32
        %swap3A_220 = arith.index_cast %swap3A_219 : i32 to index
        %swap3A_221 = arith.index_cast %mul3A_218 : i32 to index
        %swap3A_222 = tpu.vector_load %arg31[%swap3A_220, %swap3A_221] {strides = array<i32>} : memref<4x128xf32, #tpu.memory_space<vmem>>, vector<16xf32>,
        tpu.vector_store %arg31[%swap3A_220, %swap3A_221], %broadcast_in_dim3A_16 {strides = array<i32>} : memref<4x128xf32, #tpu.memory_space<vmem>>, vector<16xf32>,
        %mul3A_223 = arith.constant 16 : i32
        %mul3A_224 = arith.muli %scan3A_173, %mul3A_223 : i32
        %swap3A_225 = arith.constant 1 : i32
        %swap3A_226 = arith.index_cast %swap3A_225 : i32 to index
        %swap3A_227 = arith.index_cast %mul3A_224 : i32 to index
        %swap3A_228 = tpu.vector_load %arg31[%swap3A_226, %swap3A_227] {strides = array<i32>} : memref<4x128xf32, #tpu.memory_space<vmem>>, vector<16xf32>,
        tpu.vector_store %arg31[%swap3A_226, %swap3A_227], %broadcast_in_dim3A_16 {strides = array<i32>} : memref<4x128xf32, #tpu.memory_space<vmem>>, vector<16xf32>,
        %mul3A_229 = arith.constant 16 : i32
        %mul3A_230 = arith.muli %scan3A_173, %mul3A_229 : i32
        %swap3A_231 = arith.constant 2 : i32
        %swap3A_232 = arith.index_cast %swap3A_231 : i32 to index
        %swap3A_233 = arith.index_cast %mul3A_230 : i32 to index
        %swap3A_234 = tpu.vector_load %arg31[%swap3A_232, %swap3A_233] {strides = array<i32>} : memref<4x128xf32, #tpu.memory_space<vmem>>, vector<16xf32>,
        tpu.vector_store %arg31[%swap3A_232, %swap3A_233], %broadcast_in_dim3A_16 {strides = array<i32>} : memref<4x128xf32, #tpu.memory_space<vmem>>, vector<16xf32>,
        %mul3A_235 = arith.constant 16 : i32
        %mul3A_236 = arith.muli %scan3A_173, %mul3A_235 : i32
        %swap3A_237 = arith.constant 3 : i32
        %swap3A_238 = arith.index_cast %swap3A_237 : i32 to index
        %swap3A_239 = arith.index_cast %mul3A_236 : i32 to index
        %swap3A_240 = tpu.vector_load %arg31[%swap3A_238, %swap3A_239] {strides = array<i32>} : memref<4x128xf32, #tpu.memory_space<vmem>>, vector<16xf32>,
        tpu.vector_store %arg31[%swap3A_238, %swap3A_239], %broadcast_in_dim3A_16 {strides = array<i32>} : memref<4x128xf32, #tpu.memory_space<vmem>>, vector<16xf32>,
        %scan3A_241 = arith.constant 0 : i32
        scf.yield %scan3A_241 : i32
      }
      %scan3A_25 = arith.constant 8 : i32
      %scan3A_26 = arith.constant 0 : i32
      %scan3A_27 = arith.constant 8 : i32
      %scan3A_28 = arith.constant 104 : i32
      %scan3A_29 = arith.addi %scan3A_27, %scan3A_28 : i32
      %scan3A_30 = arith.constant 1 : i32
      %scan3A_31 = scf.for %scan3A_173 = %scan3A_27 to %scan3A_29 step %scan3A_30 iter_args(%scan3A_174 = %scan3A_26) -> (i32)  : i32 {
        %mul3A_175 = arith.constant 16 : i32
        %mul3A_176 = arith.muli %scan3A_173, %mul3A_175 : i32
        %swap3A_177 = arith.index_cast %mul3A_176 : i32 to index
        %swap3A_178 = tpu.vector_load %arg20[%swap3A_177] {strides = array<i32>} : memref<1792xf32, #tpu.memory_space<vmem>>, vector<16xf32>,
        tpu.vector_store %arg20[%swap3A_177], %broadcast_in_dim3A_16 {strides = array<i32>} : memref<1792xf32, #tpu.memory_space<vmem>>, vector<16xf32>,
        %mul3A_179 = arith.constant 16 : i32
        %mul3A_180 = arith.muli %scan3A_173, %mul3A_179 : i32
        %swap3A_181 = arith.index_cast %mul3A_180 : i32 to index
        %swap3A_182 = tpu.vector_load %arg21[%swap3A_181] {strides = array<i32>} : memref<1792xi32, #tpu.memory_space<vmem>>, vector<16xi32>,
        tpu.vector_store %arg21[%swap3A_181], %broadcast_in_dim3A_18 {strides = array<i32>} : memref<1792xi32, #tpu.memory_space<vmem>>, vector<16xi32>,
        %scan3A_183 = arith.constant 0 : i32
        scf.yield %scan3A_183 : i32
      }
      %scan3A_32 = arith.constant 104 : i32
      %get3A_33 = arith.constant 0 : index
      %get3A_34 = tpu.vector_load %arg18[%get3A_33] {strides = array<i32>} : memref<112xf32, #tpu.memory_space<vmem>>, vector<16xf32>,
      %get3A_35 = arith.constant 16 : index
      %get3A_36 = tpu.vector_load %arg18[%get3A_35] {strides = array<i32>} : memref<112xf32, #tpu.memory_space<vmem>>, vector<16xf32>,
      %max3A = arith.maximumf %get3A_34, %get3A_36 : vector<16xf32>
      %get3A_37 = arith.constant 32 : index
      %get3A_38 = tpu.vector_load %arg18[%get3A_37] {strides = array<i32>} : memref<112xf32, #tpu.memory_space<vmem>>, vector<16xf32>,
      %max3A_39 = arith.maximumf %max3A, %get3A_38 : vector<16xf32>
      %get3A_40 = arith.constant 48 : index
      %get3A_41 = tpu.vector_load %arg18[%get3A_40] {strides = array<i32>} : memref<112xf32, #tpu.memory_space<vmem>>, vector<16xf32>,
      %max3A_42 = arith.maximumf %max3A_39, %get3A_41 : vector<16xf32>
      %get3A_43 = arith.constant 64 : index
      %get3A_44 = tpu.vector_load %arg18[%get3A_43] {strides = array<i32>} : memref<112xf32, #tpu.memory_space<vmem>>, vector<16xf32>,
      %max3A_45 = arith.maximumf %max3A_42, %get3A_44 : vector<16xf32>
      %get3A_46 = arith.constant 80 : index
      %get3A_47 = tpu.vector_load %arg18[%get3A_46] {strides = array<i32>} : memref<112xf32, #tpu.memory_space<vmem>>, vector<16xf32>,
      %max3A_48 = arith.maximumf %max3A_45, %get3A_47 : vector<16xf32>
      %get3A_49 = arith.constant 96 : index
      %get3A_50 = tpu.vector_load %arg18[%get3A_49] {strides = array<i32>} : memref<112xf32, #tpu.memory_space<vmem>>, vector<16xf32>,
      %max3A_51 = arith.maximumf %max3A_48, %get3A_50 : vector<16xf32>
      %reduce_max3A = arith.constant true
      %reduce_max3A_52 = vector.broadcast %reduce_max3A : i1 to vector<16xi1>
      %reduce_max3A_53 = tpu.scan <max>, %max3A_51 masked %reduce_max3A_52 : vector<16xf32>, vector<16xi1> -> vector<16xf32>
      %reduce_max3A_54 = vector.extract %reduce_max3A_53[15] : f32 from vector<16xf32>
      %broadcast_in_dim3A_55 = arith.constant 1073741824 : i32
      %broadcast_in_dim3A_56 = vector.broadcast %broadcast_in_dim3A_55 : i32 to vector<16xi32>
      %get3A_57 = arith.constant 0 : index
      %get3A_58 = tpu.vector_load %arg18[%get3A_57] {strides = array<i32>} : memref<112xf32, #tpu.memory_space<vmem>>, vector<16xf32>,
      %eq3A_59 = vector.broadcast %reduce_max3A_54 : f32 to vector<16xf32>
      %eq3A_60 = arith.cmpf oeq, %get3A_58, %eq3A_59 : vector<16xf32>
      %add3A = arith.constant 0 : i32
      %add3A_61 = vector.broadcast %add3A : i32 to vector<16xi32>
      %add3A_62 = arith.addi %add3A_61, %iota3A : vector<16xi32>
      %jit3A = arith.constant 1073741824 : i32
      %broadcast_in_dim3A_63 = vector.broadcast %jit3A : i32 to vector<16xi32>
      %select_n3A = arith.select %eq3A_60, %add3A_62, %broadcast_in_dim3A_63 : vector<16xi1>, vector<16xi32>
      %min3A = arith.minsi %broadcast_in_dim3A_56, %select_n3A : vector<16xi32>
      %get3A_64 = arith.constant 16 : index
      %get3A_65 = tpu.vector_load %arg18[%get3A_64] {strides = array<i32>} : memref<112xf32, #tpu.memory_space<vmem>>, vector<16xf32>,
      %eq3A_66 = vector.broadcast %reduce_max3A_54 : f32 to vector<16xf32>
      %eq3A_67 = arith.cmpf oeq, %get3A_65, %eq3A_66 : vector<16xf32>
      %add3A_68 = arith.constant 16 : i32
      %add3A_69 = vector.broadcast %add3A_68 : i32 to vector<16xi32>
      %add3A_70 = arith.addi %add3A_69, %iota3A : vector<16xi32>
      %jit3A_71 = arith.constant 1073741824 : i32
      %broadcast_in_dim3A_72 = vector.broadcast %jit3A_71 : i32 to vector<16xi32>
      %select_n3A_73 = arith.select %eq3A_67, %add3A_70, %broadcast_in_dim3A_72 : vector<16xi1>, vector<16xi32>
      %min3A_74 = arith.minsi %min3A, %select_n3A_73 : vector<16xi32>
      %get3A_75 = arith.constant 32 : index
      %get3A_76 = tpu.vector_load %arg18[%get3A_75] {strides = array<i32>} : memref<112xf32, #tpu.memory_space<vmem>>, vector<16xf32>,
      %eq3A_77 = vector.broadcast %reduce_max3A_54 : f32 to vector<16xf32>
      %eq3A_78 = arith.cmpf oeq, %get3A_76, %eq3A_77 : vector<16xf32>
      %add3A_79 = arith.constant 32 : i32
      %add3A_80 = vector.broadcast %add3A_79 : i32 to vector<16xi32>
      %add3A_81 = arith.addi %add3A_80, %iota3A : vector<16xi32>
      %jit3A_82 = arith.constant 1073741824 : i32
      %broadcast_in_dim3A_83 = vector.broadcast %jit3A_82 : i32 to vector<16xi32>
      %select_n3A_84 = arith.select %eq3A_78, %add3A_81, %broadcast_in_dim3A_83 : vector<16xi1>, vector<16xi32>
      %min3A_85 = arith.minsi %min3A_74, %select_n3A_84 : vector<16xi32>
      %get3A_86 = arith.constant 48 : index
      %get3A_87 = tpu.vector_load %arg18[%get3A_86] {strides = array<i32>} : memref<112xf32, #tpu.memory_space<vmem>>, vector<16xf32>,
      %eq3A_88 = vector.broadcast %reduce_max3A_54 : f32 to vector<16xf32>
      %eq3A_89 = arith.cmpf oeq, %get3A_87, %eq3A_88 : vector<16xf32>
      %add3A_90 = arith.constant 48 : i32
      %add3A_91 = vector.broadcast %add3A_90 : i32 to vector<16xi32>
      %add3A_92 = arith.addi %add3A_91, %iota3A : vector<16xi32>
      %jit3A_93 = arith.constant 1073741824 : i32
      %broadcast_in_dim3A_94 = vector.broadcast %jit3A_93 : i32 to vector<16xi32>
      %select_n3A_95 = arith.select %eq3A_89, %add3A_92, %broadcast_in_dim3A_94 : vector<16xi1>, vector<16xi32>
      %min3A_96 = arith.minsi %min3A_85, %select_n3A_95 : vector<16xi32>
      %get3A_97 = arith.constant 64 : index
      %get3A_98 = tpu.vector_load %arg18[%get3A_97] {strides = array<i32>} : memref<112xf32, #tpu.memory_space<vmem>>, vector<16xf32>,
      %eq3A_99 = vector.broadcast %reduce_max3A_54 : f32 to vector<16xf32>
      %eq3A_100 = arith.cmpf oeq, %get3A_98, %eq3A_99 : vector<16xf32>
      %add3A_101 = arith.constant 64 : i32
      %add3A_102 = vector.broadcast %add3A_101 : i32 to vector<16xi32>
      %add3A_103 = arith.addi %add3A_102, %iota3A : vector<16xi32>
      %jit3A_104 = arith.constant 1073741824 : i32
      %broadcast_in_dim3A_105 = vector.broadcast %jit3A_104 : i32 to vector<16xi32>
      %select_n3A_106 = arith.select %eq3A_100, %add3A_103, %broadcast_in_dim3A_105 : vector<16xi1>, vector<16xi32>
      %min3A_107 = arith.minsi %min3A_96, %select_n3A_106 : vector<16xi32>
      %get3A_108 = arith.constant 80 : index
      %get3A_109 = tpu.vector_load %arg18[%get3A_108] {strides = array<i32>} : memref<112xf32, #tpu.memory_space<vmem>>, vector<16xf32>,
      %eq3A_110 = vector.broadcast %reduce_max3A_54 : f32 to vector<16xf32>
      %eq3A_111 = arith.cmpf oeq, %get3A_109, %eq3A_110 : vector<16xf32>
      %add3A_112 = arith.constant 80 : i32
      %add3A_113 = vector.broadcast %add3A_112 : i32 to vector<16xi32>
      %add3A_114 = arith.addi %add3A_113, %iota3A : vector<16xi32>
      %jit3A_115 = arith.constant 1073741824 : i32
      %broadcast_in_dim3A_116 = vector.broadcast %jit3A_115 : i32 to vector<16xi32>
      %select_n3A_117 = arith.select %eq3A_111, %add3A_114, %broadcast_in_dim3A_116 : vector<16xi1>, vector<16xi32>
      %min3A_118 = arith.minsi %min3A_107, %select_n3A_117 : vector<16xi32>
      %get3A_119 = arith.constant 96 : index
      %get3A_120 = tpu.vector_load %arg18[%get3A_119] {strides = array<i32>} : memref<112xf32, #tpu.memory_space<vmem>>, vector<16xf32>,
      %eq3A_121 = vector.broadcast %reduce_max3A_54 : f32 to vector<16xf32>
      %eq3A_122 = arith.cmpf oeq, %get3A_120, %eq3A_121 : vector<16xf32>
      %add3A_123 = arith.constant 96 : i32
      %add3A_124 = vector.broadcast %add3A_123 : i32 to vector<16xi32>
      %add3A_125 = arith.addi %add3A_124, %iota3A : vector<16xi32>
      %jit3A_126 = arith.constant 1073741824 : i32
      %broadcast_in_dim3A_127 = vector.broadcast %jit3A_126 : i32 to vector<16xi32>
      %select_n3A_128 = arith.select %eq3A_122, %add3A_125, %broadcast_in_dim3A_127 : vector<16xi1>, vector<16xi32>
      %min3A_129 = arith.minsi %min3A_118, %select_n3A_128 : vector<16xi32>
      %reduce_min3A = arith.constant true
      %reduce_min3A_130 = vector.broadcast %reduce_min3A : i1 to vector<16xi1>
      %reduce_min3A_131 = arith.constant -2147483648 : i32
      %reduce_min3A_132 = vector.broadcast %reduce_min3A_131 : i32 to vector<16xi32>
      %reduce_min3A_133 = arith.xori %min3A_129, %reduce_min3A_132 : vector<16xi32>
      %reduce_min3A_134 = tpu.scan <min>, %reduce_min3A_133 masked %reduce_min3A_130 : vector<16xi32>, vector<16xi1> -> vector<16xi32>
      %reduce_min3A_135 = arith.xori %reduce_min3A_134, %reduce_min3A_132 : vector<16xi32>
      %reduce_min3A_136 = vector.extract %reduce_min3A_135[15] : i32 from vector<16xi32>
      %mul3A = arith.constant 16 : i32
      %mul3A_137 = arith.muli %reduce_min3A_136, %mul3A : i32
      %get3A_138 = arith.index_cast %mul3A_137 : i32 to index
      %get3A_139 = tpu.vector_load %arg17[%get3A_138] {strides = array<i32>} : memref<1792xf32, #tpu.memory_space<vmem>>, vector<16xf32>,
      %eq3A_140 = vector.broadcast %reduce_max3A_54 : f32 to vector<16xf32>
      %eq3A_141 = arith.cmpf oeq, %get3A_139, %eq3A_140 : vector<16xf32>
      %mul3A_142 = arith.constant 16 : i32
      %mul3A_143 = arith.muli %reduce_min3A_136, %mul3A_142 : i32
      %add3A_144 = vector.broadcast %mul3A_143 : i32 to vector<16xi32>
      %add3A_145 = arith.addi %add3A_144, %iota3A : vector<16xi32>
      %jit3A_146 = arith.constant 1073741824 : i32
      %broadcast_in_dim3A_147 = vector.broadcast %jit3A_146 : i32 to vector<16xi32>
      %select_n3A_148 = arith.select %eq3A_141, %add3A_145, %broadcast_in_dim3A_147 : vector<16xi1>, vector<16xi32>
      %reduce_min3A_149 = arith.constant true
      %reduce_min3A_150 = vector.broadcast %reduce_min3A_149 : i1 to vector<16xi1>
      %reduce_min3A_151 = arith.constant -2147483648 : i32
      %reduce_min3A_152 = vector.broadcast %reduce_min3A_151 : i32 to vector<16xi32>
      %reduce_min3A_153 = arith.xori %select_n3A_148, %reduce_min3A_152 : vector<16xi32>
      %reduce_min3A_154 = tpu.scan <min>, %reduce_min3A_153 masked %reduce_min3A_150 : vector<16xi32>, vector<16xi1> -> vector<16xi32>
      %reduce_min3A_155 = arith.xori %reduce_min3A_154, %reduce_min3A_152 : vector<16xi32>
      %reduce_min3A_156 = vector.extract %reduce_min3A_155[15] : i32 from vector<16xi32>
      %while3A = arith.constant 0 : i32
      %while3A_157:3 = scf.while (%while3A_173 = %while3A, %while3A_174 = %reduce_max3A_54, %while3A_175 = %reduce_min3A_156) : (i32, f32, i32) -> (i32, f32, i32) {
        %lt3A = arith.constant 100 : i32
        %lt3A_176 = arith.cmpi slt, %while3A_173, %lt3A : i32
        %gt3A = arith.constant 5.000000e-02 : f32
        %gt3A_177 = arith.cmpf ogt, %while3A_174, %gt3A : f32
        %and3A_178 = arith.andi %lt3A_176, %gt3A_177 : i1
        scf.condition(%and3A_178) %while3A_173, %while3A_174, %while3A_175 : i32, f32, i32
      } do {
      ^bb0(%while3A_173: i32, %while3A_174: f32, %while3A_175: i32):
        %broadcast_in_dim3A_176 = arith.constant 0 : i32
        %broadcast_in_dim3A_177 = vector.broadcast %broadcast_in_dim3A_176 : i32 to vector<16xi32>
        %add3A_178 = vector.broadcast %while3A_175 : i32 to vector<16xi32>
        %add3A_179 = arith.addi %broadcast_in_dim3A_177, %add3A_178 : vector<16xi32>
        %gather3A = tpu.vector_load_idx %arg19[%add3A_179] : memref<1792xi32, #tpu.memory_space<vmem>>[vector<16xi32>], vector<16xi32>,
        %slice3A_180 = vector.extract_strided_slice %gather3A {offsets = [0], sizes = [1], strides = [1]} : vector<16xi32> to vector<1xi32>
        %squeeze3A_181 = vector.extract %slice3A_180[0] : i32 from vector<1xi32>
        %ne3A = arith.constant -1 : i32
        %ne3A_182 = arith.cmpi ne, %squeeze3A_181, %ne3A : i32
        %convert_element_type3A_183 = arith.extui %ne3A_182 : i1 to i32
        %cond3A_184 = arith.constant 0 : i32
        %cond3A_185 = arith.constant 0 : i32
        %cond3A_186 = arith.cmpi ne, %convert_element_type3A_183, %cond3A_185 : i32
        %cond3A_187:2 = scf.if %cond3A_186 -> (i32, f32) {
          %broadcast_in_dim3A_1001 = arith.constant 0 : i32
          %broadcast_in_dim3A_1002 = vector.broadcast %broadcast_in_dim3A_1001 : i32 to vector<16xi32>
          %add3A_1003 = vector.broadcast %while3A_175 : i32 to vector<16xi32>
          %add3A_1004 = arith.addi %broadcast_in_dim3A_1002, %add3A_1003 : vector<16xi32>
          %gather3A_1005 = tpu.vector_load_idx %arg22[%add3A_1004] : memref<1792xf32, #tpu.memory_space<vmem>>[vector<16xi32>], vector<16xf32>,
          %slice3A_1006 = vector.extract_strided_slice %gather3A_1005 {offsets = [0], sizes = [1], strides = [1]} : vector<16xf32> to vector<1xf32>
          %squeeze3A_1007 = vector.extract %slice3A_1006[0] : f32 from vector<1xf32>
          scf.yield %squeeze3A_181, %squeeze3A_1007 : i32, f32
        } else {
          %broadcast_in_dim3A_1001 = arith.constant 0 : i32
          %broadcast_in_dim3A_1002 = vector.broadcast %broadcast_in_dim3A_1001 : i32 to vector<16xi32>
          %add3A_1003 = vector.broadcast %while3A_175 : i32 to vector<16xi32>
          %add3A_1004 = arith.addi %broadcast_in_dim3A_1002, %add3A_1003 : vector<16xi32>
          %gather3A_1005 = tpu.vector_load_idx %arg20[%add3A_1004] : memref<1792xf32, #tpu.memory_space<vmem>>[vector<16xi32>], vector<16xf32>,
          %slice3A_1006 = vector.extract_strided_slice %gather3A_1005 {offsets = [0], sizes = [1], strides = [1]} : vector<16xf32> to vector<1xf32>
          %squeeze3A_1007 = vector.extract %slice3A_1006[0] : f32 from vector<1xf32>
          %broadcast_in_dim3A_1008 = arith.constant 0 : i32
          %broadcast_in_dim3A_1009 = vector.broadcast %broadcast_in_dim3A_1008 : i32 to vector<16xi32>
          %add3A_1010 = vector.broadcast %while3A_175 : i32 to vector<16xi32>
          %add3A_1011 = arith.addi %broadcast_in_dim3A_1009, %add3A_1010 : vector<16xi32>
          %gather3A_1012 = tpu.vector_load_idx %arg21[%add3A_1011] : memref<1792xi32, #tpu.memory_space<vmem>>[vector<16xi32>], vector<16xi32>,
          %slice3A_1013 = vector.extract_strided_slice %gather3A_1012 {offsets = [0], sizes = [1], strides = [1]} : vector<16xi32> to vector<1xi32>
          %squeeze3A_1014 = vector.extract %slice3A_1013[0] : i32 from vector<1xi32>
          %jit3A_1015 = arith.constant 112 : i32
          %div3A_1016 = arith.divsi %while3A_175, %jit3A_1015 : i32
          %sign3A_1017 = arith.constant 0 : i32
          %sign3A_1018 = arith.cmpi sgt, %while3A_175, %sign3A_1017 : i32
          %sign3A_1019 = arith.extui %sign3A_1018 : i1 to i32
          %sign3A_1020 = arith.constant 0 : i32
          %sign3A_1021 = arith.cmpi slt, %while3A_175, %sign3A_1020 : i32
          %sign3A_1022 = arith.extui %sign3A_1021 : i1 to i32
          %sign3A_1023 = arith.subi %sign3A_1019, %sign3A_1022 : i32
          %sign3A_1024 = arith.constant 0 : i32
          %sign3A_1025 = arith.cmpi sgt, %jit3A_1015, %sign3A_1024 : i32
          %sign3A_1026 = arith.extui %sign3A_1025 : i1 to i32
          %sign3A_1027 = arith.constant 0 : i32
          %sign3A_1028 = arith.cmpi slt, %jit3A_1015, %sign3A_1027 : i32
          %sign3A_1029 = arith.extui %sign3A_1028 : i1 to i32
          %sign3A_1030 = arith.subi %sign3A_1026, %sign3A_1029 : i32
          %ne3A_1031 = arith.cmpi ne, %sign3A_1023, %sign3A_1030 : i32
          %rem3A_1032 = arith.remsi %while3A_175, %jit3A_1015 : i32
          %ne3A_1033 = arith.constant 0 : i32
          %ne3A_1034 = arith.cmpi ne, %rem3A_1032, %ne3A_1033 : i32
          %and3A_1035 = arith.andi %ne3A_1031, %ne3A_1034 : i1
          %sub3A_1036 = arith.constant 1 : i32
          %sub3A_1037 = arith.subi %div3A_1016, %sub3A_1036 : i32
          %select_n3A_1038 = arith.select %and3A_1035, %sub3A_1037, %div3A_1016 : i32
          %mul3A_1039 = arith.constant 25600 : i32
          %mul3A_1040 = arith.muli %select_n3A_1038, %mul3A_1039 : i32
          %jit3A_1041 = arith.constant 112 : i32
          %eq3A_1042 = arith.constant 0 : i32
          %eq3A_1043 = arith.cmpi eq, %jit3A_1041, %eq3A_1042 : i32
          %jit3A_1044 = arith.constant 1 : i32
          %select_n3A_1045 = arith.select %eq3A_1043, %jit3A_1044, %jit3A_1041 : i32
          %rem3A_1046 = arith.remsi %while3A_175, %select_n3A_1045 : i32
          %ne3A_1047 = arith.constant 0 : i32
          %ne3A_1048 = arith.cmpi ne, %rem3A_1046, %ne3A_1047 : i32
          %lt3A_1049 = arith.constant 0 : i32
          %lt3A_1050 = arith.cmpi slt, %rem3A_1046, %lt3A_1049 : i32
          %lt3A_1051 = arith.constant 0 : i32
          %lt3A_1052 = arith.cmpi slt, %select_n3A_1045, %lt3A_1051 : i32
          %ne3A_1053 = arith.xori %lt3A_1050, %lt3A_1052 : i1
          %and3A_1054 = arith.andi %ne3A_1053, %ne3A_1048 : i1
          %add3A_1055 = arith.addi %rem3A_1046, %select_n3A_1045 : i32
          %select_n3A_1056 = arith.select %and3A_1054, %add3A_1055, %rem3A_1046 : i32
          %mul3A_1057 = arith.constant 256 : i32
          %mul3A_1058 = arith.muli %select_n3A_1056, %mul3A_1057 : i32
          %add3A_1059 = arith.addi %mul3A_1040, %mul3A_1058 : i32
          "tpu.region"() ({
            %run_scoped3A_1087 = tpu.sem_alloc : memref<!tpu.dma_semaphore, #tpu.memory_space<semaphore_mem>>
            %dma_start3A = tpu.memref_slice %arg9[%add3A_1059] : memref<409600xf32, #tpu.memory_space<vmem_shared>> -> memref<256xf32, #tpu.memory_space<vmem_shared>>
            %dma_start3A_1088 = tpu.memref_slice %arg9[%add3A_1059] : memref<409600xf32, #tpu.memory_space<vmem_shared>> -> memref<256xf32, #tpu.memory_space<vmem_shared>>
            tpu.enqueue_dma source(%dma_start3A_1088 : memref<256xf32, #tpu.memory_space<vmem_shared>>) target(%arg23 : memref<256xf32, #tpu.memory_space<vmem>>) target_semaphore(%run_scoped3A_1087 : memref<!tpu.dma_semaphore, #tpu.memory_space<semaphore_mem>>)
            %dma_wait3A = tpu.memref_slice %arg9[%add3A_1059] : memref<409600xf32, #tpu.memory_space<vmem_shared>> -> memref<256xf32, #tpu.memory_space<vmem_shared>>
            %dma_wait3A_1089 = tpu.memref_slice %arg9[%add3A_1059] : memref<409600xf32, #tpu.memory_space<vmem_shared>> -> memref<256xf32, #tpu.memory_space<vmem_shared>>
            tpu.wait_dma2 semaphore(%run_scoped3A_1087 : memref<!tpu.dma_semaphore, #tpu.memory_space<semaphore_mem>>) src(%dma_wait3A_1089 : memref<256xf32, #tpu.memory_space<vmem_shared>>) dst(%arg23 : memref<256xf32, #tpu.memory_space<vmem>>)
            tpu.yield
          }) : () -> ()
          %broadcast_in_dim3A_1060 = arith.constant 1073741824 : i32
          %broadcast_in_dim3A_1061 = vector.broadcast %broadcast_in_dim3A_1060 : i32 to vector<16xi32>
          %scan3A_1062 = arith.constant 0 : i32
          %scan3A_1063 = arith.constant 16 : i32
          %scan3A_1064 = arith.addi %scan3A_1062, %scan3A_1063 : i32
          %scan3A_1065 = arith.constant 1 : i32
          %scan3A_1066 = scf.for %scan3A_1087 = %scan3A_1062 to %scan3A_1064 step %scan3A_1065 iter_args(%scan3A_1088 = %broadcast_in_dim3A_1061) -> (vector<16xi32>)  : i32 {
            %mul3A_1089 = arith.constant 16 : i32
            %mul3A_1090 = arith.muli %scan3A_1087, %mul3A_1089 : i32
            %get3A_1091 = arith.index_cast %mul3A_1090 : i32 to index
            %get3A_1092 = tpu.vector_load %arg23[%get3A_1091] {strides = array<i32>} : memref<256xf32, #tpu.memory_space<vmem>>, vector<16xf32>,
            %mul3A_1093 = arith.constant 16 : i32
            %mul3A_1094 = arith.muli %scan3A_1087, %mul3A_1093 : i32
            %add3A_1095 = arith.addi %add3A_1059, %mul3A_1094 : i32
            %add3A_1096 = vector.broadcast %add3A_1095 : i32 to vector<16xi32>
            %add3A_1097 = arith.addi %add3A_1096, %iota3A : vector<16xi32>
            %lt3A_1098 = vector.broadcast %squeeze3A_1007 : f32 to vector<16xf32>
            %lt3A_1099 = arith.cmpf olt, %get3A_1092, %lt3A_1098 : vector<16xf32>
            %eq3A_1100 = vector.broadcast %squeeze3A_1007 : f32 to vector<16xf32>
            %eq3A_1101 = arith.cmpf oeq, %get3A_1092, %eq3A_1100 : vector<16xf32>
            %gt3A = vector.broadcast %squeeze3A_1014 : i32 to vector<16xi32>
            %gt3A_1102 = arith.cmpi sgt, %add3A_1097, %gt3A : vector<16xi32>
            %and3A_1103 = arith.andi %eq3A_1101, %gt3A_1102 : vector<16xi1>
            %or3A = arith.ori %lt3A_1099, %and3A_1103 : vector<16xi1>
            %eq3A_1104 = vector.broadcast %while3A_174 : f32 to vector<16xf32>
            %eq3A_1105 = arith.cmpf oeq, %get3A_1092, %eq3A_1104 : vector<16xf32>
            %and3A_1106 = arith.andi %or3A, %eq3A_1105 : vector<16xi1>
            %jit3A_1107 = arith.constant 1073741824 : i32
            %broadcast_in_dim3A_1108 = vector.broadcast %jit3A_1107 : i32 to vector<16xi32>
            %select_n3A_1109 = arith.select %and3A_1106, %add3A_1097, %broadcast_in_dim3A_1108 : vector<16xi1>, vector<16xi32>
            %min3A_1110 = arith.minsi %scan3A_1088, %select_n3A_1109 : vector<16xi32>
            scf.yield %min3A_1110 : vector<16xi32>
          }
          %scan3A_1067 = arith.constant 16 : i32
          %reduce_min3A_1068 = arith.constant true
          %reduce_min3A_1069 = vector.broadcast %reduce_min3A_1068 : i1 to vector<16xi1>
          %reduce_min3A_1070 = arith.constant -2147483648 : i32
          %reduce_min3A_1071 = vector.broadcast %reduce_min3A_1070 : i32 to vector<16xi32>
          %reduce_min3A_1072 = arith.xori %scan3A_1066, %reduce_min3A_1071 : vector<16xi32>
          %reduce_min3A_1073 = tpu.scan <min>, %reduce_min3A_1072 masked %reduce_min3A_1069 : vector<16xi32>, vector<16xi1> -> vector<16xi32>
          %reduce_min3A_1074 = arith.xori %reduce_min3A_1073, %reduce_min3A_1071 : vector<16xi32>
          %reduce_min3A_1075 = vector.extract %reduce_min3A_1074[15] : i32 from vector<16xi32>
          %broadcast_in_dim3A_1076 = vector.broadcast %squeeze3A : f32 to vector<16xf32>
          %scan3A_1077 = arith.constant 0 : i32
          %scan3A_1078 = arith.constant 16 : i32
          %scan3A_1079 = arith.addi %scan3A_1077, %scan3A_1078 : i32
          %scan3A_1080 = arith.constant 1 : i32
          %scan3A_1081 = scf.for %scan3A_1087 = %scan3A_1077 to %scan3A_1079 step %scan3A_1080 iter_args(%scan3A_1088 = %broadcast_in_dim3A_1076) -> (vector<16xf32>)  : i32 {
            %mul3A_1089 = arith.constant 16 : i32
            %mul3A_1090 = arith.muli %scan3A_1087, %mul3A_1089 : i32
            %get3A_1091 = arith.index_cast %mul3A_1090 : i32 to index
            %get3A_1092 = tpu.vector_load %arg23[%get3A_1091] {strides = array<i32>} : memref<256xf32, #tpu.memory_space<vmem>>, vector<16xf32>,
            %mul3A_1093 = arith.constant 16 : i32
            %mul3A_1094 = arith.muli %scan3A_1087, %mul3A_1093 : i32
            %add3A_1095 = arith.addi %add3A_1059, %mul3A_1094 : i32
            %add3A_1096 = vector.broadcast %add3A_1095 : i32 to vector<16xi32>
            %add3A_1097 = arith.addi %add3A_1096, %iota3A : vector<16xi32>
            %lt3A_1098 = vector.broadcast %squeeze3A_1007 : f32 to vector<16xf32>
            %lt3A_1099 = arith.cmpf olt, %get3A_1092, %lt3A_1098 : vector<16xf32>
            %eq3A_1100 = vector.broadcast %squeeze3A_1007 : f32 to vector<16xf32>
            %eq3A_1101 = arith.cmpf oeq, %get3A_1092, %eq3A_1100 : vector<16xf32>
            %gt3A = vector.broadcast %squeeze3A_1014 : i32 to vector<16xi32>
            %gt3A_1102 = arith.cmpi sgt, %add3A_1097, %gt3A : vector<16xi32>
            %and3A_1103 = arith.andi %eq3A_1101, %gt3A_1102 : vector<16xi1>
            %or3A = arith.ori %lt3A_1099, %and3A_1103 : vector<16xi1>
            %lt3A_1104 = vector.broadcast %while3A_174 : f32 to vector<16xf32>
            %lt3A_1105 = arith.cmpf olt, %get3A_1092, %lt3A_1104 : vector<16xf32>
            %eq3A_1106 = vector.broadcast %while3A_174 : f32 to vector<16xf32>
            %eq3A_1107 = arith.cmpf oeq, %get3A_1092, %eq3A_1106 : vector<16xf32>
            %gt3A_1108 = vector.broadcast %reduce_min3A_1075 : i32 to vector<16xi32>
            %gt3A_1109 = arith.cmpi sgt, %add3A_1097, %gt3A_1108 : vector<16xi32>
            %and3A_1110 = arith.andi %eq3A_1107, %gt3A_1109 : vector<16xi1>
            %or3A_1111 = arith.ori %lt3A_1105, %and3A_1110 : vector<16xi1>
            %and3A_1112 = arith.andi %or3A, %or3A_1111 : vector<16xi1>
            %broadcast_in_dim3A_1113 = vector.broadcast %squeeze3A : f32 to vector<16xf32>
            %select_n3A_1114 = arith.select %and3A_1112, %get3A_1092, %broadcast_in_dim3A_1113 : vector<16xi1>, vector<16xf32>
            %max3A_1115 = arith.maximumf %scan3A_1088, %select_n3A_1114 : vector<16xf32>
            scf.yield %max3A_1115 : vector<16xf32>
          }
          %scan3A_1082 = arith.constant 16 : i32
          %reduce_max3A_1083 = arith.constant true
          %reduce_max3A_1084 = vector.broadcast %reduce_max3A_1083 : i1 to vector<16xi1>
          %reduce_max3A_1085 = tpu.scan <max>, %scan3A_1081 masked %reduce_max3A_1084 : vector<16xf32>, vector<16xi1> -> vector<16xf32>
          %reduce_max3A_1086 = vector.extract %reduce_max3A_1085[15] : f32 from vector<16xf32>
          scf.yield %reduce_min3A_1075, %reduce_max3A_1086 : i32, f32
        }
        %iota3A_188 = tpu.iota {dimensions = array<i32: 0>} : vector<16xi32>
        %jit3A_189 = arith.constant 16 : i32
        %div3A = arith.divsi %while3A_175, %jit3A_189 : i32
        %sign3A = arith.constant 0 : i32
        %sign3A_190 = arith.cmpi sgt, %while3A_175, %sign3A : i32
        %sign3A_191 = arith.extui %sign3A_190 : i1 to i32
        %sign3A_192 = arith.constant 0 : i32
        %sign3A_193 = arith.cmpi slt, %while3A_175, %sign3A_192 : i32
        %sign3A_194 = arith.extui %sign3A_193 : i1 to i32
        %sign3A_195 = arith.subi %sign3A_191, %sign3A_194 : i32
        %sign3A_196 = arith.constant 0 : i32
        %sign3A_197 = arith.cmpi sgt, %jit3A_189, %sign3A_196 : i32
        %sign3A_198 = arith.extui %sign3A_197 : i1 to i32
        %sign3A_199 = arith.constant 0 : i32
        %sign3A_200 = arith.cmpi slt, %jit3A_189, %sign3A_199 : i32
        %sign3A_201 = arith.extui %sign3A_200 : i1 to i32
        %sign3A_202 = arith.subi %sign3A_198, %sign3A_201 : i32
        %ne3A_203 = arith.cmpi ne, %sign3A_195, %sign3A_202 : i32
        %rem3A = arith.remsi %while3A_175, %jit3A_189 : i32
        %ne3A_204 = arith.constant 0 : i32
        %ne3A_205 = arith.cmpi ne, %rem3A, %ne3A_204 : i32
        %and3A_206 = arith.andi %ne3A_203, %ne3A_205 : i1
        %sub3A = arith.constant 1 : i32
        %sub3A_207 = arith.subi %div3A, %sub3A : i32
        %select_n3A_208 = arith.select %and3A_206, %sub3A_207, %div3A : i32
        %mul3A_209 = arith.constant 16 : i32
        %mul3A_210 = arith.muli %select_n3A_208, %mul3A_209 : i32
        %get3A_211 = arith.index_cast %mul3A_210 : i32 to index
        %get3A_212 = tpu.vector_load %arg20[%get3A_211] {strides = array<i32>} : memref<1792xf32, #tpu.memory_space<vmem>>, vector<16xf32>,
        %sub3A_213 = arith.subi %while3A_175, %mul3A_210 : i32
        %eq3A_214 = vector.broadcast %sub3A_213 : i32 to vector<16xi32>
        %eq3A_215 = arith.cmpi eq, %iota3A_188, %eq3A_214 : vector<16xi32>
        %broadcast_in_dim3A_216 = vector.broadcast %while3A_174 : f32 to vector<16xf32>
        %select_n3A_217 = arith.select %eq3A_215, %broadcast_in_dim3A_216, %get3A_212 : vector<16xi1>, vector<16xf32>
        %swap3A_218 = arith.index_cast %mul3A_210 : i32 to index
        %swap3A_219 = tpu.vector_load %arg20[%swap3A_218] {strides = array<i32>} : memref<1792xf32, #tpu.memory_space<vmem>>, vector<16xf32>,
        tpu.vector_store %arg20[%swap3A_218], %select_n3A_217 {strides = array<i32>} : memref<1792xf32, #tpu.memory_space<vmem>>, vector<16xf32>,
        %iota3A_220 = tpu.iota {dimensions = array<i32: 0>} : vector<16xi32>
        %jit3A_221 = arith.constant 16 : i32
        %div3A_222 = arith.divsi %while3A_175, %jit3A_221 : i32
        %sign3A_223 = arith.constant 0 : i32
        %sign3A_224 = arith.cmpi sgt, %while3A_175, %sign3A_223 : i32
        %sign3A_225 = arith.extui %sign3A_224 : i1 to i32
        %sign3A_226 = arith.constant 0 : i32
        %sign3A_227 = arith.cmpi slt, %while3A_175, %sign3A_226 : i32
        %sign3A_228 = arith.extui %sign3A_227 : i1 to i32
        %sign3A_229 = arith.subi %sign3A_225, %sign3A_228 : i32
        %sign3A_230 = arith.constant 0 : i32
        %sign3A_231 = arith.cmpi sgt, %jit3A_221, %sign3A_230 : i32
        %sign3A_232 = arith.extui %sign3A_231 : i1 to i32
        %sign3A_233 = arith.constant 0 : i32
        %sign3A_234 = arith.cmpi slt, %jit3A_221, %sign3A_233 : i32
        %sign3A_235 = arith.extui %sign3A_234 : i1 to i32
        %sign3A_236 = arith.subi %sign3A_232, %sign3A_235 : i32
        %ne3A_237 = arith.cmpi ne, %sign3A_229, %sign3A_236 : i32
        %rem3A_238 = arith.remsi %while3A_175, %jit3A_221 : i32
        %ne3A_239 = arith.constant 0 : i32
        %ne3A_240 = arith.cmpi ne, %rem3A_238, %ne3A_239 : i32
        %and3A_241 = arith.andi %ne3A_237, %ne3A_240 : i1
        %sub3A_242 = arith.constant 1 : i32
        %sub3A_243 = arith.subi %div3A_222, %sub3A_242 : i32
        %select_n3A_244 = arith.select %and3A_241, %sub3A_243, %div3A_222 : i32
        %mul3A_245 = arith.constant 16 : i32
        %mul3A_246 = arith.muli %select_n3A_244, %mul3A_245 : i32
        %get3A_247 = arith.index_cast %mul3A_246 : i32 to index
        %get3A_248 = tpu.vector_load %arg21[%get3A_247] {strides = array<i32>} : memref<1792xi32, #tpu.memory_space<vmem>>, vector<16xi32>,
        %sub3A_249 = arith.subi %while3A_175, %mul3A_246 : i32
        %eq3A_250 = vector.broadcast %sub3A_249 : i32 to vector<16xi32>
        %eq3A_251 = arith.cmpi eq, %iota3A_220, %eq3A_250 : vector<16xi32>
        %broadcast_in_dim3A_252 = vector.broadcast %cond3A_187#0 : i32 to vector<16xi32>
        %select_n3A_253 = arith.select %eq3A_251, %broadcast_in_dim3A_252, %get3A_248 : vector<16xi1>, vector<16xi32>
        %swap3A_254 = arith.index_cast %mul3A_246 : i32 to index
        %swap3A_255 = tpu.vector_load %arg21[%swap3A_254] {strides = array<i32>} : memref<1792xi32, #tpu.memory_space<vmem>>, vector<16xi32>,
        tpu.vector_store %arg21[%swap3A_254], %select_n3A_253 {strides = array<i32>} : memref<1792xi32, #tpu.memory_space<vmem>>, vector<16xi32>,
        %iota3A_256 = tpu.iota {dimensions = array<i32: 0>} : vector<16xi32>
        %jit3A_257 = arith.constant 16 : i32
        %div3A_258 = arith.divsi %while3A_175, %jit3A_257 : i32
        %sign3A_259 = arith.constant 0 : i32
        %sign3A_260 = arith.cmpi sgt, %while3A_175, %sign3A_259 : i32
        %sign3A_261 = arith.extui %sign3A_260 : i1 to i32
        %sign3A_262 = arith.constant 0 : i32
        %sign3A_263 = arith.cmpi slt, %while3A_175, %sign3A_262 : i32
        %sign3A_264 = arith.extui %sign3A_263 : i1 to i32
        %sign3A_265 = arith.subi %sign3A_261, %sign3A_264 : i32
        %sign3A_266 = arith.constant 0 : i32
        %sign3A_267 = arith.cmpi sgt, %jit3A_257, %sign3A_266 : i32
        %sign3A_268 = arith.extui %sign3A_267 : i1 to i32
        %sign3A_269 = arith.constant 0 : i32
        %sign3A_270 = arith.cmpi slt, %jit3A_257, %sign3A_269 : i32
        %sign3A_271 = arith.extui %sign3A_270 : i1 to i32
        %sign3A_272 = arith.subi %sign3A_268, %sign3A_271 : i32
        %ne3A_273 = arith.cmpi ne, %sign3A_265, %sign3A_272 : i32
        %rem3A_274 = arith.remsi %while3A_175, %jit3A_257 : i32
        %ne3A_275 = arith.constant 0 : i32
        %ne3A_276 = arith.cmpi ne, %rem3A_274, %ne3A_275 : i32
        %and3A_277 = arith.andi %ne3A_273, %ne3A_276 : i1
        %sub3A_278 = arith.constant 1 : i32
        %sub3A_279 = arith.subi %div3A_258, %sub3A_278 : i32
        %select_n3A_280 = arith.select %and3A_277, %sub3A_279, %div3A_258 : i32
        %mul3A_281 = arith.constant 16 : i32
        %mul3A_282 = arith.muli %select_n3A_280, %mul3A_281 : i32
        %get3A_283 = arith.index_cast %mul3A_282 : i32 to index
        %get3A_284 = tpu.vector_load %arg19[%get3A_283] {strides = array<i32>} : memref<1792xi32, #tpu.memory_space<vmem>>, vector<16xi32>,
        %sub3A_285 = arith.subi %while3A_175, %mul3A_282 : i32
        %eq3A_286 = vector.broadcast %sub3A_285 : i32 to vector<16xi32>
        %eq3A_287 = arith.cmpi eq, %iota3A_256, %eq3A_286 : vector<16xi32>
        %jit3A_288 = arith.constant -1 : i32
        %broadcast_in_dim3A_289 = vector.broadcast %jit3A_288 : i32 to vector<16xi32>
        %select_n3A_290 = arith.select %eq3A_287, %broadcast_in_dim3A_289, %get3A_284 : vector<16xi1>, vector<16xi32>
        %swap3A_291 = arith.index_cast %mul3A_282 : i32 to index
        %swap3A_292 = tpu.vector_load %arg19[%swap3A_291] {strides = array<i32>} : memref<1792xi32, #tpu.memory_space<vmem>>, vector<16xi32>,
        tpu.vector_store %arg19[%swap3A_291], %select_n3A_290 {strides = array<i32>} : memref<1792xi32, #tpu.memory_space<vmem>>, vector<16xi32>,
        %iota3A_293 = tpu.iota {dimensions = array<i32: 0>} : vector<16xi32>
        %jit3A_294 = arith.constant 16 : i32
        %div3A_295 = arith.divsi %while3A_175, %jit3A_294 : i32
        %sign3A_296 = arith.constant 0 : i32
        %sign3A_297 = arith.cmpi sgt, %while3A_175, %sign3A_296 : i32
        %sign3A_298 = arith.extui %sign3A_297 : i1 to i32
        %sign3A_299 = arith.constant 0 : i32
        %sign3A_300 = arith.cmpi slt, %while3A_175, %sign3A_299 : i32
        %sign3A_301 = arith.extui %sign3A_300 : i1 to i32
        %sign3A_302 = arith.subi %sign3A_298, %sign3A_301 : i32
        %sign3A_303 = arith.constant 0 : i32
        %sign3A_304 = arith.cmpi sgt, %jit3A_294, %sign3A_303 : i32
        %sign3A_305 = arith.extui %sign3A_304 : i1 to i32
        %sign3A_306 = arith.constant 0 : i32
        %sign3A_307 = arith.cmpi slt, %jit3A_294, %sign3A_306 : i32
        %sign3A_308 = arith.extui %sign3A_307 : i1 to i32
        %sign3A_309 = arith.subi %sign3A_305, %sign3A_308 : i32
        %ne3A_310 = arith.cmpi ne, %sign3A_302, %sign3A_309 : i32
        %rem3A_311 = arith.remsi %while3A_175, %jit3A_294 : i32
        %ne3A_312 = arith.constant 0 : i32
        %ne3A_313 = arith.cmpi ne, %rem3A_311, %ne3A_312 : i32
        %and3A_314 = arith.andi %ne3A_310, %ne3A_313 : i1
        %sub3A_315 = arith.constant 1 : i32
        %sub3A_316 = arith.subi %div3A_295, %sub3A_315 : i32
        %select_n3A_317 = arith.select %and3A_314, %sub3A_316, %div3A_295 : i32
        %mul3A_318 = arith.constant 16 : i32
        %mul3A_319 = arith.muli %select_n3A_317, %mul3A_318 : i32
        %get3A_320 = arith.index_cast %mul3A_319 : i32 to index
        %get3A_321 = tpu.vector_load %arg17[%get3A_320] {strides = array<i32>} : memref<1792xf32, #tpu.memory_space<vmem>>, vector<16xf32>,
        %sub3A_322 = arith.subi %while3A_175, %mul3A_319 : i32
        %eq3A_323 = vector.broadcast %sub3A_322 : i32 to vector<16xi32>
        %eq3A_324 = arith.cmpi eq, %iota3A_293, %eq3A_323 : vector<16xi32>
        %broadcast_in_dim3A_325 = vector.broadcast %cond3A_187#1 : f32 to vector<16xf32>
        %select_n3A_326 = arith.select %eq3A_324, %broadcast_in_dim3A_325, %get3A_321 : vector<16xi1>, vector<16xf32>
        %swap3A_327 = arith.index_cast %mul3A_319 : i32 to index
        %swap3A_328 = tpu.vector_load %arg17[%swap3A_327] {strides = array<i32>} : memref<1792xf32, #tpu.memory_space<vmem>>, vector<16xf32>,
        tpu.vector_store %arg17[%swap3A_327], %select_n3A_326 {strides = array<i32>} : memref<1792xf32, #tpu.memory_space<vmem>>, vector<16xf32>,
        %jit3A_329 = arith.constant 16 : i32
        %div3A_330 = arith.divsi %while3A_175, %jit3A_329 : i32
        %sign3A_331 = arith.constant 0 : i32
        %sign3A_332 = arith.cmpi sgt, %while3A_175, %sign3A_331 : i32
        %sign3A_333 = arith.extui %sign3A_332 : i1 to i32
        %sign3A_334 = arith.constant 0 : i32
        %sign3A_335 = arith.cmpi slt, %while3A_175, %sign3A_334 : i32
        %sign3A_336 = arith.extui %sign3A_335 : i1 to i32
        %sign3A_337 = arith.subi %sign3A_333, %sign3A_336 : i32
        %sign3A_338 = arith.constant 0 : i32
        %sign3A_339 = arith.cmpi sgt, %jit3A_329, %sign3A_338 : i32
        %sign3A_340 = arith.extui %sign3A_339 : i1 to i32
        %sign3A_341 = arith.constant 0 : i32
        %sign3A_342 = arith.cmpi slt, %jit3A_329, %sign3A_341 : i32
        %sign3A_343 = arith.extui %sign3A_342 : i1 to i32
        %sign3A_344 = arith.subi %sign3A_340, %sign3A_343 : i32
        %ne3A_345 = arith.cmpi ne, %sign3A_337, %sign3A_344 : i32
        %rem3A_346 = arith.remsi %while3A_175, %jit3A_329 : i32
        %ne3A_347 = arith.constant 0 : i32
        %ne3A_348 = arith.cmpi ne, %rem3A_346, %ne3A_347 : i32
        %and3A_349 = arith.andi %ne3A_345, %ne3A_348 : i1
        %sub3A_350 = arith.constant 1 : i32
        %sub3A_351 = arith.subi %div3A_330, %sub3A_350 : i32
        %select_n3A_352 = arith.select %and3A_349, %sub3A_351, %div3A_330 : i32
        %mul3A_353 = arith.constant 16 : i32
        %mul3A_354 = arith.muli %select_n3A_352, %mul3A_353 : i32
        %get3A_355 = arith.index_cast %mul3A_354 : i32 to index
        %get3A_356 = tpu.vector_load %arg17[%get3A_355] {strides = array<i32>} : memref<1792xf32, #tpu.memory_space<vmem>>, vector<16xf32>,
        %reduce_max3A_357 = arith.constant true
        %reduce_max3A_358 = vector.broadcast %reduce_max3A_357 : i1 to vector<16xi1>
        %reduce_max3A_359 = tpu.scan <max>, %get3A_356 masked %reduce_max3A_358 : vector<16xf32>, vector<16xi1> -> vector<16xf32>
        %reduce_max3A_360 = vector.extract %reduce_max3A_359[15] : f32 from vector<16xf32>
        %iota3A_361 = tpu.iota {dimensions = array<i32: 0>} : vector<16xi32>
        %jit3A_362 = arith.constant 16 : i32
        %div3A_363 = arith.divsi %select_n3A_352, %jit3A_362 : i32
        %sign3A_364 = arith.constant 0 : i32
        %sign3A_365 = arith.cmpi sgt, %select_n3A_352, %sign3A_364 : i32
        %sign3A_366 = arith.extui %sign3A_365 : i1 to i32
        %sign3A_367 = arith.constant 0 : i32
        %sign3A_368 = arith.cmpi slt, %select_n3A_352, %sign3A_367 : i32
        %sign3A_369 = arith.extui %sign3A_368 : i1 to i32
        %sign3A_370 = arith.subi %sign3A_366, %sign3A_369 : i32
        %sign3A_371 = arith.constant 0 : i32
        %sign3A_372 = arith.cmpi sgt, %jit3A_362, %sign3A_371 : i32
        %sign3A_373 = arith.extui %sign3A_372 : i1 to i32
        %sign3A_374 = arith.constant 0 : i32
        %sign3A_375 = arith.cmpi slt, %jit3A_362, %sign3A_374 : i32
        %sign3A_376 = arith.extui %sign3A_375 : i1 to i32
        %sign3A_377 = arith.subi %sign3A_373, %sign3A_376 : i32
        %ne3A_378 = arith.cmpi ne, %sign3A_370, %sign3A_377 : i32
        %rem3A_379 = arith.remsi %select_n3A_352, %jit3A_362 : i32
        %ne3A_380 = arith.constant 0 : i32
        %ne3A_381 = arith.cmpi ne, %rem3A_379, %ne3A_380 : i32
        %and3A_382 = arith.andi %ne3A_378, %ne3A_381 : i1
        %sub3A_383 = arith.constant 1 : i32
        %sub3A_384 = arith.subi %div3A_363, %sub3A_383 : i32
        %select_n3A_385 = arith.select %and3A_382, %sub3A_384, %div3A_363 : i32
        %mul3A_386 = arith.constant 16 : i32
        %mul3A_387 = arith.muli %select_n3A_385, %mul3A_386 : i32
        %get3A_388 = arith.index_cast %mul3A_387 : i32 to index
        %get3A_389 = tpu.vector_load %arg18[%get3A_388] {strides = array<i32>} : memref<112xf32, #tpu.memory_space<vmem>>, vector<16xf32>,
        %sub3A_390 = arith.subi %select_n3A_352, %mul3A_387 : i32
        %eq3A_391 = vector.broadcast %sub3A_390 : i32 to vector<16xi32>
        %eq3A_392 = arith.cmpi eq, %iota3A_361, %eq3A_391 : vector<16xi32>
        %broadcast_in_dim3A_393 = vector.broadcast %reduce_max3A_360 : f32 to vector<16xf32>
        %select_n3A_394 = arith.select %eq3A_392, %broadcast_in_dim3A_393, %get3A_389 : vector<16xi1>, vector<16xf32>
        %swap3A_395 = arith.index_cast %mul3A_387 : i32 to index
        %swap3A_396 = tpu.vector_load %arg18[%swap3A_395] {strides = array<i32>} : memref<112xf32, #tpu.memory_space<vmem>>, vector<16xf32>,
        tpu.vector_store %arg18[%swap3A_395], %select_n3A_394 {strides = array<i32>} : memref<112xf32, #tpu.memory_space<vmem>>, vector<16xf32>,
        %jit3A_397 = arith.constant 80 : i32
        %div3A_398 = arith.divsi %cond3A_187#0, %jit3A_397 : i32
        %sign3A_399 = arith.constant 0 : i32
        %sign3A_400 = arith.cmpi sgt, %cond3A_187#0, %sign3A_399 : i32
        %sign3A_401 = arith.extui %sign3A_400 : i1 to i32
        %sign3A_402 = arith.constant 0 : i32
        %sign3A_403 = arith.cmpi slt, %cond3A_187#0, %sign3A_402 : i32
        %sign3A_404 = arith.extui %sign3A_403 : i1 to i32
        %sign3A_405 = arith.subi %sign3A_401, %sign3A_404 : i32
        %sign3A_406 = arith.constant 0 : i32
        %sign3A_407 = arith.cmpi sgt, %jit3A_397, %sign3A_406 : i32
        %sign3A_408 = arith.extui %sign3A_407 : i1 to i32
        %sign3A_409 = arith.constant 0 : i32
        %sign3A_410 = arith.cmpi slt, %jit3A_397, %sign3A_409 : i32
        %sign3A_411 = arith.extui %sign3A_410 : i1 to i32
        %sign3A_412 = arith.subi %sign3A_408, %sign3A_411 : i32
        %ne3A_413 = arith.cmpi ne, %sign3A_405, %sign3A_412 : i32
        %rem3A_414 = arith.remsi %cond3A_187#0, %jit3A_397 : i32
        %ne3A_415 = arith.constant 0 : i32
        %ne3A_416 = arith.cmpi ne, %rem3A_414, %ne3A_415 : i32
        %and3A_417 = arith.andi %ne3A_413, %ne3A_416 : i1
        %sub3A_418 = arith.constant 1 : i32
        %sub3A_419 = arith.subi %div3A_398, %sub3A_418 : i32
        %select_n3A_420 = arith.select %and3A_417, %sub3A_419, %div3A_398 : i32
        %jit3A_421 = arith.constant 80 : i32
        %eq3A_422 = arith.constant 0 : i32
        %eq3A_423 = arith.cmpi eq, %jit3A_421, %eq3A_422 : i32
        %jit3A_424 = arith.constant 1 : i32
        %select_n3A_425 = arith.select %eq3A_423, %jit3A_424, %jit3A_421 : i32
        %rem3A_426 = arith.remsi %cond3A_187#0, %select_n3A_425 : i32
        %ne3A_427 = arith.constant 0 : i32
        %ne3A_428 = arith.cmpi ne, %rem3A_426, %ne3A_427 : i32
        %lt3A = arith.constant 0 : i32
        %lt3A_429 = arith.cmpi slt, %rem3A_426, %lt3A : i32
        %lt3A_430 = arith.constant 0 : i32
        %lt3A_431 = arith.cmpi slt, %select_n3A_425, %lt3A_430 : i32
        %ne3A_432 = arith.xori %lt3A_429, %lt3A_431 : i1
        %and3A_433 = arith.andi %ne3A_432, %ne3A_428 : i1
        %add3A_434 = arith.addi %rem3A_426, %select_n3A_425 : i32
        %select_n3A_435 = arith.select %and3A_433, %add3A_434, %rem3A_426 : i32
        %mul3A_436 = arith.constant 4 : i32
        %mul3A_437 = arith.muli %select_n3A_420, %mul3A_436 : i32
        %lt3A_438 = arith.constant 4 : i32
        %lt3A_439 = vector.broadcast %lt3A_438 : i32 to vector<16xi32>
        %lt3A_440 = arith.cmpi slt, %iota3A, %lt3A_439 : vector<16xi32>
        %jit3A_441 = arith.constant 0 : i32
        %broadcast_in_dim3A_442 = vector.broadcast %jit3A_441 : i32 to vector<16xi32>
        %select_n3A_443 = arith.select %lt3A_440, %iota3A, %broadcast_in_dim3A_442 : vector<16xi1>, vector<16xi32>
        %add3A_444 = vector.broadcast %mul3A_437 : i32 to vector<16xi32>
        %add3A_445 = arith.addi %add3A_444, %select_n3A_443 : vector<16xi32>
        %gather3A_446 = tpu.vector_load_idx %arg24[%add3A_445] : memref<20000xf32, #tpu.memory_space<vmem>>[vector<16xi32>], vector<16xf32>,
        %slice3A_447 = vector.extract_strided_slice %gather3A_446 {offsets = [0], sizes = [1], strides = [1]} : vector<16xf32> to vector<1xf32>
        %squeeze3A_448 = vector.extract %slice3A_447[0] : f32 from vector<1xf32>
        %slice3A_449 = vector.extract_strided_slice %gather3A_446 {offsets = [1], sizes = [1], strides = [1]} : vector<16xf32> to vector<1xf32>
        %squeeze3A_450 = vector.extract %slice3A_449[0] : f32 from vector<1xf32>
        %slice3A_451 = vector.extract_strided_slice %gather3A_446 {offsets = [2], sizes = [1], strides = [1]} : vector<16xf32> to vector<1xf32>
        %squeeze3A_452 = vector.extract %slice3A_451[0] : f32 from vector<1xf32>
        %slice3A_453 = vector.extract_strided_slice %gather3A_446 {offsets = [3], sizes = [1], strides = [1]} : vector<16xf32> to vector<1xf32>
        %squeeze3A_454 = vector.extract %slice3A_453[0] : f32 from vector<1xf32>
        %sub3A_455 = arith.subf %squeeze3A_452, %squeeze3A_448 : f32
        %sub3A_456 = arith.subf %squeeze3A_454, %squeeze3A_450 : f32
        %mul3A_457 = arith.mulf %sub3A_455, %sub3A_456 : f32
        %add3A_458 = arith.constant 15 : i32
        %add3A_459 = arith.addi %while3A_173, %add3A_458 : i32
        %jit3A_460 = arith.constant 16 : i32
        %div3A_461 = arith.divsi %add3A_459, %jit3A_460 : i32
        %sign3A_462 = arith.constant 0 : i32
        %sign3A_463 = arith.cmpi sgt, %add3A_459, %sign3A_462 : i32
        %sign3A_464 = arith.extui %sign3A_463 : i1 to i32
        %sign3A_465 = arith.constant 0 : i32
        %sign3A_466 = arith.cmpi slt, %add3A_459, %sign3A_465 : i32
        %sign3A_467 = arith.extui %sign3A_466 : i1 to i32
        %sign3A_468 = arith.subi %sign3A_464, %sign3A_467 : i32
        %sign3A_469 = arith.constant 0 : i32
        %sign3A_470 = arith.cmpi sgt, %jit3A_460, %sign3A_469 : i32
        %sign3A_471 = arith.extui %sign3A_470 : i1 to i32
        %sign3A_472 = arith.constant 0 : i32
        %sign3A_473 = arith.cmpi slt, %jit3A_460, %sign3A_472 : i32
        %sign3A_474 = arith.extui %sign3A_473 : i1 to i32
        %sign3A_475 = arith.subi %sign3A_471, %sign3A_474 : i32
        %ne3A_476 = arith.cmpi ne, %sign3A_468, %sign3A_475 : i32
        %rem3A_477 = arith.remsi %add3A_459, %jit3A_460 : i32
        %ne3A_478 = arith.constant 0 : i32
        %ne3A_479 = arith.cmpi ne, %rem3A_477, %ne3A_478 : i32
        %and3A_480 = arith.andi %ne3A_476, %ne3A_479 : i1
        %sub3A_481 = arith.constant 1 : i32
        %sub3A_482 = arith.subi %div3A_461, %sub3A_481 : i32
        %select_n3A_483 = arith.select %and3A_480, %sub3A_482, %div3A_461 : i32
        %broadcast_in_dim3A_484 = arith.constant 0 : i32
        %broadcast_in_dim3A_485 = vector.broadcast %broadcast_in_dim3A_484 : i32 to vector<16xi32>
        %while3A_486 = arith.constant 0 : i32
        %while3A_487 = arith.subi %select_n3A_483, %while3A_486 : i32
        %while3A_488 = arith.addi %while3A_486, %while3A_487 : i32
        %while3A_489 = arith.constant 1 : i32
        %while3A_490 = arith.divsi %while3A_487, %while3A_489 : i32
        %while3A_491 = arith.muli %while3A_490, %while3A_489 : i32
        %while3A_492 = arith.addi %while3A_486, %while3A_491 : i32
        %while3A_493 = arith.constant 1 : i32
        %while3A_494 = scf.for %while3A_1001 = %while3A_486 to %while3A_492 step %while3A_493 iter_args(%while3A_1002 = %broadcast_in_dim3A_485) -> (vector<16xi32>)  : i32 {
          %mul3A_1003 = arith.constant 16 : i32
          %mul3A_1004 = arith.muli %while3A_1001, %mul3A_1003 : i32
          %get3A_1005 = arith.index_cast %mul3A_1004 : i32 to index
          %get3A_1006 = tpu.vector_load %arg25[%get3A_1005] {strides = array<i32>} : memref<128xf32, #tpu.memory_space<vmem>>, vector<16xf32>,
          %max3A_1007 = vector.broadcast %squeeze3A_448 : f32 to vector<16xf32>
          %max3A_1008 = arith.maximumf %max3A_1007, %get3A_1006 : vector<16xf32>
          %mul3A_1009 = arith.constant 16 : i32
          %mul3A_1010 = arith.muli %while3A_1001, %mul3A_1009 : i32
          %get3A_1011 = arith.index_cast %mul3A_1010 : i32 to index
          %get3A_1012 = tpu.vector_load %arg26[%get3A_1011] {strides = array<i32>} : memref<128xf32, #tpu.memory_space<vmem>>, vector<16xf32>,
          %max3A_1013 = vector.broadcast %squeeze3A_450 : f32 to vector<16xf32>
          %max3A_1014 = arith.maximumf %max3A_1013, %get3A_1012 : vector<16xf32>
          %mul3A_1015 = arith.constant 16 : i32
          %mul3A_1016 = arith.muli %while3A_1001, %mul3A_1015 : i32
          %get3A_1017 = arith.index_cast %mul3A_1016 : i32 to index
          %get3A_1018 = tpu.vector_load %arg27[%get3A_1017] {strides = array<i32>} : memref<128xf32, #tpu.memory_space<vmem>>, vector<16xf32>,
          %min3A_1019 = vector.broadcast %squeeze3A_452 : f32 to vector<16xf32>
          %min3A_1020 = arith.minimumf %min3A_1019, %get3A_1018 : vector<16xf32>
          %mul3A_1021 = arith.constant 16 : i32
          %mul3A_1022 = arith.muli %while3A_1001, %mul3A_1021 : i32
          %get3A_1023 = arith.index_cast %mul3A_1022 : i32 to index
          %get3A_1024 = tpu.vector_load %arg28[%get3A_1023] {strides = array<i32>} : memref<128xf32, #tpu.memory_space<vmem>>, vector<16xf32>,
          %min3A_1025 = vector.broadcast %squeeze3A_454 : f32 to vector<16xf32>
          %min3A_1026 = arith.minimumf %min3A_1025, %get3A_1024 : vector<16xf32>
          %sub3A_1027 = arith.subf %min3A_1020, %max3A_1008 : vector<16xf32>
          %max3A_1028 = arith.constant 0.000000e+00 : f32
          %max3A_1029 = vector.broadcast %max3A_1028 : f32 to vector<16xf32>
          %max3A_1030 = arith.maximumf %sub3A_1027, %max3A_1029 : vector<16xf32>
          %sub3A_1031 = arith.subf %min3A_1026, %max3A_1014 : vector<16xf32>
          %max3A_1032 = arith.constant 0.000000e+00 : f32
          %max3A_1033 = vector.broadcast %max3A_1032 : f32 to vector<16xf32>
          %max3A_1034 = arith.maximumf %sub3A_1031, %max3A_1033 : vector<16xf32>
          %mul3A_1035 = arith.mulf %max3A_1030, %max3A_1034 : vector<16xf32>
          %mul3A_1036 = arith.constant 16 : i32
          %mul3A_1037 = arith.muli %while3A_1001, %mul3A_1036 : i32
          %get3A_1038 = arith.index_cast %mul3A_1037 : i32 to index
          %get3A_1039 = tpu.vector_load %arg29[%get3A_1038] {strides = array<i32>} : memref<128xf32, #tpu.memory_space<vmem>>, vector<16xf32>,
          %add3A_1040 = vector.broadcast %mul3A_457 : f32 to vector<16xf32>
          %add3A_1041 = arith.addf %get3A_1039, %add3A_1040 : vector<16xf32>
          %sub3A_1042 = arith.subf %add3A_1041, %mul3A_1035 : vector<16xf32>
          %max3A_1043 = arith.constant 9.99999971E-10 : f32
          %max3A_1044 = vector.broadcast %max3A_1043 : f32 to vector<16xf32>
          %max3A_1045 = arith.maximumf %sub3A_1042, %max3A_1044 : vector<16xf32>
          %div3A_1046 = arith.divf %mul3A_1035, %max3A_1045 : vector<16xf32>
          %gt3A = arith.constant 5.000000e-01 : f32
          %gt3A_1047 = vector.broadcast %gt3A : f32 to vector<16xf32>
          %gt3A_1048 = arith.cmpf ogt, %div3A_1046, %gt3A_1047 : vector<16xf32>
          %mul3A_1049 = arith.constant 16 : i32
          %mul3A_1050 = arith.muli %while3A_1001, %mul3A_1049 : i32
          %get3A_1051 = arith.index_cast %mul3A_1050 : i32 to index
          %get3A_1052 = tpu.vector_load %arg30[%get3A_1051] {strides = array<i32>} : memref<128xi32, #tpu.memory_space<vmem>>, vector<16xi32>,
          %eq3A_1053 = vector.broadcast %select_n3A_435 : i32 to vector<16xi32>
          %eq3A_1054 = arith.cmpi eq, %get3A_1052, %eq3A_1053 : vector<16xi32>
          %and3A_1055 = arith.andi %gt3A_1048, %eq3A_1054 : vector<16xi1>
          %convert_element_type3A_1056 = arith.extui %and3A_1055 : vector<16xi1> to vector<16xi32>
          %add3A_1057 = arith.addi %while3A_1002, %convert_element_type3A_1056 : vector<16xi32>
          scf.yield %add3A_1057 : vector<16xi32>
        }
        %while3A_495 = arith.constant 1 : i32
        %while3A_496 = scf.for %while3A_1001 = %while3A_492 to %while3A_488 step %while3A_495 iter_args(%while3A_1002 = %while3A_494) -> (vector<16xi32>)  : i32 {
          %mul3A_1003 = arith.constant 16 : i32
          %mul3A_1004 = arith.muli %while3A_1001, %mul3A_1003 : i32
          %get3A_1005 = arith.index_cast %mul3A_1004 : i32 to index
          %get3A_1006 = tpu.vector_load %arg25[%get3A_1005] {strides = array<i32>} : memref<128xf32, #tpu.memory_space<vmem>>, vector<16xf32>,
          %max3A_1007 = vector.broadcast %squeeze3A_448 : f32 to vector<16xf32>
          %max3A_1008 = arith.maximumf %max3A_1007, %get3A_1006 : vector<16xf32>
          %mul3A_1009 = arith.constant 16 : i32
          %mul3A_1010 = arith.muli %while3A_1001, %mul3A_1009 : i32
          %get3A_1011 = arith.index_cast %mul3A_1010 : i32 to index
          %get3A_1012 = tpu.vector_load %arg26[%get3A_1011] {strides = array<i32>} : memref<128xf32, #tpu.memory_space<vmem>>, vector<16xf32>,
          %max3A_1013 = vector.broadcast %squeeze3A_450 : f32 to vector<16xf32>
          %max3A_1014 = arith.maximumf %max3A_1013, %get3A_1012 : vector<16xf32>
          %mul3A_1015 = arith.constant 16 : i32
          %mul3A_1016 = arith.muli %while3A_1001, %mul3A_1015 : i32
          %get3A_1017 = arith.index_cast %mul3A_1016 : i32 to index
          %get3A_1018 = tpu.vector_load %arg27[%get3A_1017] {strides = array<i32>} : memref<128xf32, #tpu.memory_space<vmem>>, vector<16xf32>,
          %min3A_1019 = vector.broadcast %squeeze3A_452 : f32 to vector<16xf32>
          %min3A_1020 = arith.minimumf %min3A_1019, %get3A_1018 : vector<16xf32>
          %mul3A_1021 = arith.constant 16 : i32
          %mul3A_1022 = arith.muli %while3A_1001, %mul3A_1021 : i32
          %get3A_1023 = arith.index_cast %mul3A_1022 : i32 to index
          %get3A_1024 = tpu.vector_load %arg28[%get3A_1023] {strides = array<i32>} : memref<128xf32, #tpu.memory_space<vmem>>, vector<16xf32>,
          %min3A_1025 = vector.broadcast %squeeze3A_454 : f32 to vector<16xf32>
          %min3A_1026 = arith.minimumf %min3A_1025, %get3A_1024 : vector<16xf32>
          %sub3A_1027 = arith.subf %min3A_1020, %max3A_1008 : vector<16xf32>
          %max3A_1028 = arith.constant 0.000000e+00 : f32
          %max3A_1029 = vector.broadcast %max3A_1028 : f32 to vector<16xf32>
          %max3A_1030 = arith.maximumf %sub3A_1027, %max3A_1029 : vector<16xf32>
          %sub3A_1031 = arith.subf %min3A_1026, %max3A_1014 : vector<16xf32>
          %max3A_1032 = arith.constant 0.000000e+00 : f32
          %max3A_1033 = vector.broadcast %max3A_1032 : f32 to vector<16xf32>
          %max3A_1034 = arith.maximumf %sub3A_1031, %max3A_1033 : vector<16xf32>
          %mul3A_1035 = arith.mulf %max3A_1030, %max3A_1034 : vector<16xf32>
          %mul3A_1036 = arith.constant 16 : i32
          %mul3A_1037 = arith.muli %while3A_1001, %mul3A_1036 : i32
          %get3A_1038 = arith.index_cast %mul3A_1037 : i32 to index
          %get3A_1039 = tpu.vector_load %arg29[%get3A_1038] {strides = array<i32>} : memref<128xf32, #tpu.memory_space<vmem>>, vector<16xf32>,
          %add3A_1040 = vector.broadcast %mul3A_457 : f32 to vector<16xf32>
          %add3A_1041 = arith.addf %get3A_1039, %add3A_1040 : vector<16xf32>
          %sub3A_1042 = arith.subf %add3A_1041, %mul3A_1035 : vector<16xf32>
          %max3A_1043 = arith.constant 9.99999971E-10 : f32
          %max3A_1044 = vector.broadcast %max3A_1043 : f32 to vector<16xf32>
          %max3A_1045 = arith.maximumf %sub3A_1042, %max3A_1044 : vector<16xf32>
          %div3A_1046 = arith.divf %mul3A_1035, %max3A_1045 : vector<16xf32>
          %gt3A = arith.constant 5.000000e-01 : f32
          %gt3A_1047 = vector.broadcast %gt3A : f32 to vector<16xf32>
          %gt3A_1048 = arith.cmpf ogt, %div3A_1046, %gt3A_1047 : vector<16xf32>
          %mul3A_1049 = arith.constant 16 : i32
          %mul3A_1050 = arith.muli %while3A_1001, %mul3A_1049 : i32
          %get3A_1051 = arith.index_cast %mul3A_1050 : i32 to index
          %get3A_1052 = tpu.vector_load %arg30[%get3A_1051] {strides = array<i32>} : memref<128xi32, #tpu.memory_space<vmem>>, vector<16xi32>,
          %eq3A_1053 = vector.broadcast %select_n3A_435 : i32 to vector<16xi32>
          %eq3A_1054 = arith.cmpi eq, %get3A_1052, %eq3A_1053 : vector<16xi32>
          %and3A_1055 = arith.andi %gt3A_1048, %eq3A_1054 : vector<16xi1>
          %convert_element_type3A_1056 = arith.extui %and3A_1055 : vector<16xi1> to vector<16xi32>
          %add3A_1057 = arith.addi %while3A_1002, %convert_element_type3A_1056 : vector<16xi32>
          scf.yield %add3A_1057 : vector<16xi32>
        }
        %reduce_sum3A = arith.constant true
        %reduce_sum3A_497 = vector.broadcast %reduce_sum3A : i1 to vector<16xi1>
        %reduce_sum3A_498 = tpu.scan <sum>, %while3A_496 masked %reduce_sum3A_497 : vector<16xi32>, vector<16xi1> -> vector<16xi32>
        %reduce_sum3A_499 = vector.extract %reduce_sum3A_498[15] : i32 from vector<16xi32>
        %eq3A_500 = arith.constant 0 : i32
        %eq3A_501 = arith.cmpi eq, %reduce_sum3A_499, %eq3A_500 : i32
        %jit3A_502 = arith.constant 127 : i32
        %select_n3A_503 = arith.select %eq3A_501, %while3A_173, %jit3A_502 : i32
        %iota3A_504 = tpu.iota {dimensions = array<i32: 0>} : vector<16xi32>
        %jit3A_505 = arith.constant 16 : i32
        %div3A_506 = arith.divsi %select_n3A_503, %jit3A_505 : i32
        %sign3A_507 = arith.constant 0 : i32
        %sign3A_508 = arith.cmpi sgt, %select_n3A_503, %sign3A_507 : i32
        %sign3A_509 = arith.extui %sign3A_508 : i1 to i32
        %sign3A_510 = arith.constant 0 : i32
        %sign3A_511 = arith.cmpi slt, %select_n3A_503, %sign3A_510 : i32
        %sign3A_512 = arith.extui %sign3A_511 : i1 to i32
        %sign3A_513 = arith.subi %sign3A_509, %sign3A_512 : i32
        %sign3A_514 = arith.constant 0 : i32
        %sign3A_515 = arith.cmpi sgt, %jit3A_505, %sign3A_514 : i32
        %sign3A_516 = arith.extui %sign3A_515 : i1 to i32
        %sign3A_517 = arith.constant 0 : i32
        %sign3A_518 = arith.cmpi slt, %jit3A_505, %sign3A_517 : i32
        %sign3A_519 = arith.extui %sign3A_518 : i1 to i32
        %sign3A_520 = arith.subi %sign3A_516, %sign3A_519 : i32
        %ne3A_521 = arith.cmpi ne, %sign3A_513, %sign3A_520 : i32
        %rem3A_522 = arith.remsi %select_n3A_503, %jit3A_505 : i32
        %ne3A_523 = arith.constant 0 : i32
        %ne3A_524 = arith.cmpi ne, %rem3A_522, %ne3A_523 : i32
        %and3A_525 = arith.andi %ne3A_521, %ne3A_524 : i1
        %sub3A_526 = arith.constant 1 : i32
        %sub3A_527 = arith.subi %div3A_506, %sub3A_526 : i32
        %select_n3A_528 = arith.select %and3A_525, %sub3A_527, %div3A_506 : i32
        %mul3A_529 = arith.constant 16 : i32
        %mul3A_530 = arith.muli %select_n3A_528, %mul3A_529 : i32
        %get3A_531 = arith.index_cast %mul3A_530 : i32 to index
        %get3A_532 = tpu.vector_load %arg25[%get3A_531] {strides = array<i32>} : memref<128xf32, #tpu.memory_space<vmem>>, vector<16xf32>,
        %sub3A_533 = arith.subi %select_n3A_503, %mul3A_530 : i32
        %eq3A_534 = vector.broadcast %sub3A_533 : i32 to vector<16xi32>
        %eq3A_535 = arith.cmpi eq, %iota3A_504, %eq3A_534 : vector<16xi32>
        %broadcast_in_dim3A_536 = vector.broadcast %squeeze3A_448 : f32 to vector<16xf32>
        %select_n3A_537 = arith.select %eq3A_535, %broadcast_in_dim3A_536, %get3A_532 : vector<16xi1>, vector<16xf32>
        %swap3A_538 = arith.index_cast %mul3A_530 : i32 to index
        %swap3A_539 = tpu.vector_load %arg25[%swap3A_538] {strides = array<i32>} : memref<128xf32, #tpu.memory_space<vmem>>, vector<16xf32>,
        tpu.vector_store %arg25[%swap3A_538], %select_n3A_537 {strides = array<i32>} : memref<128xf32, #tpu.memory_space<vmem>>, vector<16xf32>,
        %iota3A_540 = tpu.iota {dimensions = array<i32: 0>} : vector<16xi32>
        %jit3A_541 = arith.constant 16 : i32
        %div3A_542 = arith.divsi %select_n3A_503, %jit3A_541 : i32
        %sign3A_543 = arith.constant 0 : i32
        %sign3A_544 = arith.cmpi sgt, %select_n3A_503, %sign3A_543 : i32
        %sign3A_545 = arith.extui %sign3A_544 : i1 to i32
        %sign3A_546 = arith.constant 0 : i32
        %sign3A_547 = arith.cmpi slt, %select_n3A_503, %sign3A_546 : i32
        %sign3A_548 = arith.extui %sign3A_547 : i1 to i32
        %sign3A_549 = arith.subi %sign3A_545, %sign3A_548 : i32
        %sign3A_550 = arith.constant 0 : i32
        %sign3A_551 = arith.cmpi sgt, %jit3A_541, %sign3A_550 : i32
        %sign3A_552 = arith.extui %sign3A_551 : i1 to i32
        %sign3A_553 = arith.constant 0 : i32
        %sign3A_554 = arith.cmpi slt, %jit3A_541, %sign3A_553 : i32
        %sign3A_555 = arith.extui %sign3A_554 : i1 to i32
        %sign3A_556 = arith.subi %sign3A_552, %sign3A_555 : i32
        %ne3A_557 = arith.cmpi ne, %sign3A_549, %sign3A_556 : i32
        %rem3A_558 = arith.remsi %select_n3A_503, %jit3A_541 : i32
        %ne3A_559 = arith.constant 0 : i32
        %ne3A_560 = arith.cmpi ne, %rem3A_558, %ne3A_559 : i32
        %and3A_561 = arith.andi %ne3A_557, %ne3A_560 : i1
        %sub3A_562 = arith.constant 1 : i32
        %sub3A_563 = arith.subi %div3A_542, %sub3A_562 : i32
        %select_n3A_564 = arith.select %and3A_561, %sub3A_563, %div3A_542 : i32
        %mul3A_565 = arith.constant 16 : i32
        %mul3A_566 = arith.muli %select_n3A_564, %mul3A_565 : i32
        %get3A_567 = arith.index_cast %mul3A_566 : i32 to index
        %get3A_568 = tpu.vector_load %arg26[%get3A_567] {strides = array<i32>} : memref<128xf32, #tpu.memory_space<vmem>>, vector<16xf32>,
        %sub3A_569 = arith.subi %select_n3A_503, %mul3A_566 : i32
        %eq3A_570 = vector.broadcast %sub3A_569 : i32 to vector<16xi32>
        %eq3A_571 = arith.cmpi eq, %iota3A_540, %eq3A_570 : vector<16xi32>
        %broadcast_in_dim3A_572 = vector.broadcast %squeeze3A_450 : f32 to vector<16xf32>
        %select_n3A_573 = arith.select %eq3A_571, %broadcast_in_dim3A_572, %get3A_568 : vector<16xi1>, vector<16xf32>
        %swap3A_574 = arith.index_cast %mul3A_566 : i32 to index
        %swap3A_575 = tpu.vector_load %arg26[%swap3A_574] {strides = array<i32>} : memref<128xf32, #tpu.memory_space<vmem>>, vector<16xf32>,
        tpu.vector_store %arg26[%swap3A_574], %select_n3A_573 {strides = array<i32>} : memref<128xf32, #tpu.memory_space<vmem>>, vector<16xf32>,
        %iota3A_576 = tpu.iota {dimensions = array<i32: 0>} : vector<16xi32>
        %jit3A_577 = arith.constant 16 : i32
        %div3A_578 = arith.divsi %select_n3A_503, %jit3A_577 : i32
        %sign3A_579 = arith.constant 0 : i32
        %sign3A_580 = arith.cmpi sgt, %select_n3A_503, %sign3A_579 : i32
        %sign3A_581 = arith.extui %sign3A_580 : i1 to i32
        %sign3A_582 = arith.constant 0 : i32
        %sign3A_583 = arith.cmpi slt, %select_n3A_503, %sign3A_582 : i32
        %sign3A_584 = arith.extui %sign3A_583 : i1 to i32
        %sign3A_585 = arith.subi %sign3A_581, %sign3A_584 : i32
        %sign3A_586 = arith.constant 0 : i32
        %sign3A_587 = arith.cmpi sgt, %jit3A_577, %sign3A_586 : i32
        %sign3A_588 = arith.extui %sign3A_587 : i1 to i32
        %sign3A_589 = arith.constant 0 : i32
        %sign3A_590 = arith.cmpi slt, %jit3A_577, %sign3A_589 : i32
        %sign3A_591 = arith.extui %sign3A_590 : i1 to i32
        %sign3A_592 = arith.subi %sign3A_588, %sign3A_591 : i32
        %ne3A_593 = arith.cmpi ne, %sign3A_585, %sign3A_592 : i32
        %rem3A_594 = arith.remsi %select_n3A_503, %jit3A_577 : i32
        %ne3A_595 = arith.constant 0 : i32
        %ne3A_596 = arith.cmpi ne, %rem3A_594, %ne3A_595 : i32
        %and3A_597 = arith.andi %ne3A_593, %ne3A_596 : i1
        %sub3A_598 = arith.constant 1 : i32
        %sub3A_599 = arith.subi %div3A_578, %sub3A_598 : i32
        %select_n3A_600 = arith.select %and3A_597, %sub3A_599, %div3A_578 : i32
        %mul3A_601 = arith.constant 16 : i32
        %mul3A_602 = arith.muli %select_n3A_600, %mul3A_601 : i32
        %get3A_603 = arith.index_cast %mul3A_602 : i32 to index
        %get3A_604 = tpu.vector_load %arg27[%get3A_603] {strides = array<i32>} : memref<128xf32, #tpu.memory_space<vmem>>, vector<16xf32>,
        %sub3A_605 = arith.subi %select_n3A_503, %mul3A_602 : i32
        %eq3A_606 = vector.broadcast %sub3A_605 : i32 to vector<16xi32>
        %eq3A_607 = arith.cmpi eq, %iota3A_576, %eq3A_606 : vector<16xi32>
        %broadcast_in_dim3A_608 = vector.broadcast %squeeze3A_452 : f32 to vector<16xf32>
        %select_n3A_609 = arith.select %eq3A_607, %broadcast_in_dim3A_608, %get3A_604 : vector<16xi1>, vector<16xf32>
        %swap3A_610 = arith.index_cast %mul3A_602 : i32 to index
        %swap3A_611 = tpu.vector_load %arg27[%swap3A_610] {strides = array<i32>} : memref<128xf32, #tpu.memory_space<vmem>>, vector<16xf32>,
        tpu.vector_store %arg27[%swap3A_610], %select_n3A_609 {strides = array<i32>} : memref<128xf32, #tpu.memory_space<vmem>>, vector<16xf32>,
        %iota3A_612 = tpu.iota {dimensions = array<i32: 0>} : vector<16xi32>
        %jit3A_613 = arith.constant 16 : i32
        %div3A_614 = arith.divsi %select_n3A_503, %jit3A_613 : i32
        %sign3A_615 = arith.constant 0 : i32
        %sign3A_616 = arith.cmpi sgt, %select_n3A_503, %sign3A_615 : i32
        %sign3A_617 = arith.extui %sign3A_616 : i1 to i32
        %sign3A_618 = arith.constant 0 : i32
        %sign3A_619 = arith.cmpi slt, %select_n3A_503, %sign3A_618 : i32
        %sign3A_620 = arith.extui %sign3A_619 : i1 to i32
        %sign3A_621 = arith.subi %sign3A_617, %sign3A_620 : i32
        %sign3A_622 = arith.constant 0 : i32
        %sign3A_623 = arith.cmpi sgt, %jit3A_613, %sign3A_622 : i32
        %sign3A_624 = arith.extui %sign3A_623 : i1 to i32
        %sign3A_625 = arith.constant 0 : i32
        %sign3A_626 = arith.cmpi slt, %jit3A_613, %sign3A_625 : i32
        %sign3A_627 = arith.extui %sign3A_626 : i1 to i32
        %sign3A_628 = arith.subi %sign3A_624, %sign3A_627 : i32
        %ne3A_629 = arith.cmpi ne, %sign3A_621, %sign3A_628 : i32
        %rem3A_630 = arith.remsi %select_n3A_503, %jit3A_613 : i32
        %ne3A_631 = arith.constant 0 : i32
        %ne3A_632 = arith.cmpi ne, %rem3A_630, %ne3A_631 : i32
        %and3A_633 = arith.andi %ne3A_629, %ne3A_632 : i1
        %sub3A_634 = arith.constant 1 : i32
        %sub3A_635 = arith.subi %div3A_614, %sub3A_634 : i32
        %select_n3A_636 = arith.select %and3A_633, %sub3A_635, %div3A_614 : i32
        %mul3A_637 = arith.constant 16 : i32
        %mul3A_638 = arith.muli %select_n3A_636, %mul3A_637 : i32
        %get3A_639 = arith.index_cast %mul3A_638 : i32 to index
        %get3A_640 = tpu.vector_load %arg28[%get3A_639] {strides = array<i32>} : memref<128xf32, #tpu.memory_space<vmem>>, vector<16xf32>,
        %sub3A_641 = arith.subi %select_n3A_503, %mul3A_638 : i32
        %eq3A_642 = vector.broadcast %sub3A_641 : i32 to vector<16xi32>
        %eq3A_643 = arith.cmpi eq, %iota3A_612, %eq3A_642 : vector<16xi32>
        %broadcast_in_dim3A_644 = vector.broadcast %squeeze3A_454 : f32 to vector<16xf32>
        %select_n3A_645 = arith.select %eq3A_643, %broadcast_in_dim3A_644, %get3A_640 : vector<16xi1>, vector<16xf32>
        %swap3A_646 = arith.index_cast %mul3A_638 : i32 to index
        %swap3A_647 = tpu.vector_load %arg28[%swap3A_646] {strides = array<i32>} : memref<128xf32, #tpu.memory_space<vmem>>, vector<16xf32>,
        tpu.vector_store %arg28[%swap3A_646], %select_n3A_645 {strides = array<i32>} : memref<128xf32, #tpu.memory_space<vmem>>, vector<16xf32>,
        %iota3A_648 = tpu.iota {dimensions = array<i32: 0>} : vector<16xi32>
        %jit3A_649 = arith.constant 16 : i32
        %div3A_650 = arith.divsi %select_n3A_503, %jit3A_649 : i32
        %sign3A_651 = arith.constant 0 : i32
        %sign3A_652 = arith.cmpi sgt, %select_n3A_503, %sign3A_651 : i32
        %sign3A_653 = arith.extui %sign3A_652 : i1 to i32
        %sign3A_654 = arith.constant 0 : i32
        %sign3A_655 = arith.cmpi slt, %select_n3A_503, %sign3A_654 : i32
        %sign3A_656 = arith.extui %sign3A_655 : i1 to i32
        %sign3A_657 = arith.subi %sign3A_653, %sign3A_656 : i32
        %sign3A_658 = arith.constant 0 : i32
        %sign3A_659 = arith.cmpi sgt, %jit3A_649, %sign3A_658 : i32
        %sign3A_660 = arith.extui %sign3A_659 : i1 to i32
        %sign3A_661 = arith.constant 0 : i32
        %sign3A_662 = arith.cmpi slt, %jit3A_649, %sign3A_661 : i32
        %sign3A_663 = arith.extui %sign3A_662 : i1 to i32
        %sign3A_664 = arith.subi %sign3A_660, %sign3A_663 : i32
        %ne3A_665 = arith.cmpi ne, %sign3A_657, %sign3A_664 : i32
        %rem3A_666 = arith.remsi %select_n3A_503, %jit3A_649 : i32
        %ne3A_667 = arith.constant 0 : i32
        %ne3A_668 = arith.cmpi ne, %rem3A_666, %ne3A_667 : i32
        %and3A_669 = arith.andi %ne3A_665, %ne3A_668 : i1
        %sub3A_670 = arith.constant 1 : i32
        %sub3A_671 = arith.subi %div3A_650, %sub3A_670 : i32
        %select_n3A_672 = arith.select %and3A_669, %sub3A_671, %div3A_650 : i32
        %mul3A_673 = arith.constant 16 : i32
        %mul3A_674 = arith.muli %select_n3A_672, %mul3A_673 : i32
        %get3A_675 = arith.index_cast %mul3A_674 : i32 to index
        %get3A_676 = tpu.vector_load %arg29[%get3A_675] {strides = array<i32>} : memref<128xf32, #tpu.memory_space<vmem>>, vector<16xf32>,
        %sub3A_677 = arith.subi %select_n3A_503, %mul3A_674 : i32
        %eq3A_678 = vector.broadcast %sub3A_677 : i32 to vector<16xi32>
        %eq3A_679 = arith.cmpi eq, %iota3A_648, %eq3A_678 : vector<16xi32>
        %broadcast_in_dim3A_680 = vector.broadcast %mul3A_457 : f32 to vector<16xf32>
        %select_n3A_681 = arith.select %eq3A_679, %broadcast_in_dim3A_680, %get3A_676 : vector<16xi1>, vector<16xf32>
        %swap3A_682 = arith.index_cast %mul3A_674 : i32 to index
        %swap3A_683 = tpu.vector_load %arg29[%swap3A_682] {strides = array<i32>} : memref<128xf32, #tpu.memory_space<vmem>>, vector<16xf32>,
        tpu.vector_store %arg29[%swap3A_682], %select_n3A_681 {strides = array<i32>} : memref<128xf32, #tpu.memory_space<vmem>>, vector<16xf32>,
        %iota3A_684 = tpu.iota {dimensions = array<i32: 0>} : vector<16xi32>
        %jit3A_685 = arith.constant 16 : i32
        %div3A_686 = arith.divsi %select_n3A_503, %jit3A_685 : i32
        %sign3A_687 = arith.constant 0 : i32
        %sign3A_688 = arith.cmpi sgt, %select_n3A_503, %sign3A_687 : i32
        %sign3A_689 = arith.extui %sign3A_688 : i1 to i32
        %sign3A_690 = arith.constant 0 : i32
        %sign3A_691 = arith.cmpi slt, %select_n3A_503, %sign3A_690 : i32
        %sign3A_692 = arith.extui %sign3A_691 : i1 to i32
        %sign3A_693 = arith.subi %sign3A_689, %sign3A_692 : i32
        %sign3A_694 = arith.constant 0 : i32
        %sign3A_695 = arith.cmpi sgt, %jit3A_685, %sign3A_694 : i32
        %sign3A_696 = arith.extui %sign3A_695 : i1 to i32
        %sign3A_697 = arith.constant 0 : i32
        %sign3A_698 = arith.cmpi slt, %jit3A_685, %sign3A_697 : i32
        %sign3A_699 = arith.extui %sign3A_698 : i1 to i32
        %sign3A_700 = arith.subi %sign3A_696, %sign3A_699 : i32
        %ne3A_701 = arith.cmpi ne, %sign3A_693, %sign3A_700 : i32
        %rem3A_702 = arith.remsi %select_n3A_503, %jit3A_685 : i32
        %ne3A_703 = arith.constant 0 : i32
        %ne3A_704 = arith.cmpi ne, %rem3A_702, %ne3A_703 : i32
        %and3A_705 = arith.andi %ne3A_701, %ne3A_704 : i1
        %sub3A_706 = arith.constant 1 : i32
        %sub3A_707 = arith.subi %div3A_686, %sub3A_706 : i32
        %select_n3A_708 = arith.select %and3A_705, %sub3A_707, %div3A_686 : i32
        %mul3A_709 = arith.constant 16 : i32
        %mul3A_710 = arith.muli %select_n3A_708, %mul3A_709 : i32
        %get3A_711 = arith.index_cast %mul3A_710 : i32 to index
        %get3A_712 = tpu.vector_load %arg30[%get3A_711] {strides = array<i32>} : memref<128xi32, #tpu.memory_space<vmem>>, vector<16xi32>,
        %sub3A_713 = arith.subi %select_n3A_503, %mul3A_710 : i32
        %eq3A_714 = vector.broadcast %sub3A_713 : i32 to vector<16xi32>
        %eq3A_715 = arith.cmpi eq, %iota3A_684, %eq3A_714 : vector<16xi32>
        %broadcast_in_dim3A_716 = vector.broadcast %select_n3A_435 : i32 to vector<16xi32>
        %select_n3A_717 = arith.select %eq3A_715, %broadcast_in_dim3A_716, %get3A_712 : vector<16xi1>, vector<16xi32>
        %swap3A_718 = arith.index_cast %mul3A_710 : i32 to index
        %swap3A_719 = tpu.vector_load %arg30[%swap3A_718] {strides = array<i32>} : memref<128xi32, #tpu.memory_space<vmem>>, vector<16xi32>,
        tpu.vector_store %arg30[%swap3A_718], %select_n3A_717 {strides = array<i32>} : memref<128xi32, #tpu.memory_space<vmem>>, vector<16xi32>,
        %iota3A_720 = tpu.iota {dimensions = array<i32: 0>} : vector<16xi32>
        %jit3A_721 = arith.constant 16 : i32
        %div3A_722 = arith.divsi %select_n3A_503, %jit3A_721 : i32
        %sign3A_723 = arith.constant 0 : i32
        %sign3A_724 = arith.cmpi sgt, %select_n3A_503, %sign3A_723 : i32
        %sign3A_725 = arith.extui %sign3A_724 : i1 to i32
        %sign3A_726 = arith.constant 0 : i32
        %sign3A_727 = arith.cmpi slt, %select_n3A_503, %sign3A_726 : i32
        %sign3A_728 = arith.extui %sign3A_727 : i1 to i32
        %sign3A_729 = arith.subi %sign3A_725, %sign3A_728 : i32
        %sign3A_730 = arith.constant 0 : i32
        %sign3A_731 = arith.cmpi sgt, %jit3A_721, %sign3A_730 : i32
        %sign3A_732 = arith.extui %sign3A_731 : i1 to i32
        %sign3A_733 = arith.constant 0 : i32
        %sign3A_734 = arith.cmpi slt, %jit3A_721, %sign3A_733 : i32
        %sign3A_735 = arith.extui %sign3A_734 : i1 to i32
        %sign3A_736 = arith.subi %sign3A_732, %sign3A_735 : i32
        %ne3A_737 = arith.cmpi ne, %sign3A_729, %sign3A_736 : i32
        %rem3A_738 = arith.remsi %select_n3A_503, %jit3A_721 : i32
        %ne3A_739 = arith.constant 0 : i32
        %ne3A_740 = arith.cmpi ne, %rem3A_738, %ne3A_739 : i32
        %and3A_741 = arith.andi %ne3A_737, %ne3A_740 : i1
        %sub3A_742 = arith.constant 1 : i32
        %sub3A_743 = arith.subi %div3A_722, %sub3A_742 : i32
        %select_n3A_744 = arith.select %and3A_741, %sub3A_743, %div3A_722 : i32
        %mul3A_745 = arith.constant 16 : i32
        %mul3A_746 = arith.muli %select_n3A_744, %mul3A_745 : i32
        %get3A_747 = arith.index_cast %mul3A_746 : i32 to index
        %get3A_748 = tpu.vector_load %arg32[%get3A_747] {strides = array<i32>} : memref<128xf32, #tpu.memory_space<vmem>>, vector<16xf32>,
        %sub3A_749 = arith.subi %select_n3A_503, %mul3A_746 : i32
        %eq3A_750 = vector.broadcast %sub3A_749 : i32 to vector<16xi32>
        %eq3A_751 = arith.cmpi eq, %iota3A_720, %eq3A_750 : vector<16xi32>
        %broadcast_in_dim3A_752 = vector.broadcast %while3A_174 : f32 to vector<16xf32>
        %select_n3A_753 = arith.select %eq3A_751, %broadcast_in_dim3A_752, %get3A_748 : vector<16xi1>, vector<16xf32>
        %swap3A_754 = arith.index_cast %mul3A_746 : i32 to index
        %swap3A_755 = tpu.vector_load %arg32[%swap3A_754] {strides = array<i32>} : memref<128xf32, #tpu.memory_space<vmem>>, vector<16xf32>,
        tpu.vector_store %arg32[%swap3A_754], %select_n3A_753 {strides = array<i32>} : memref<128xf32, #tpu.memory_space<vmem>>, vector<16xf32>,
        %iota3A_756 = tpu.iota {dimensions = array<i32: 0>} : vector<16xi32>
        %jit3A_757 = arith.constant 16 : i32
        %div3A_758 = arith.divsi %select_n3A_503, %jit3A_757 : i32
        %sign3A_759 = arith.constant 0 : i32
        %sign3A_760 = arith.cmpi sgt, %select_n3A_503, %sign3A_759 : i32
        %sign3A_761 = arith.extui %sign3A_760 : i1 to i32
        %sign3A_762 = arith.constant 0 : i32
        %sign3A_763 = arith.cmpi slt, %select_n3A_503, %sign3A_762 : i32
        %sign3A_764 = arith.extui %sign3A_763 : i1 to i32
        %sign3A_765 = arith.subi %sign3A_761, %sign3A_764 : i32
        %sign3A_766 = arith.constant 0 : i32
        %sign3A_767 = arith.cmpi sgt, %jit3A_757, %sign3A_766 : i32
        %sign3A_768 = arith.extui %sign3A_767 : i1 to i32
        %sign3A_769 = arith.constant 0 : i32
        %sign3A_770 = arith.cmpi slt, %jit3A_757, %sign3A_769 : i32
        %sign3A_771 = arith.extui %sign3A_770 : i1 to i32
        %sign3A_772 = arith.subi %sign3A_768, %sign3A_771 : i32
        %ne3A_773 = arith.cmpi ne, %sign3A_765, %sign3A_772 : i32
        %rem3A_774 = arith.remsi %select_n3A_503, %jit3A_757 : i32
        %ne3A_775 = arith.constant 0 : i32
        %ne3A_776 = arith.cmpi ne, %rem3A_774, %ne3A_775 : i32
        %and3A_777 = arith.andi %ne3A_773, %ne3A_776 : i1
        %sub3A_778 = arith.constant 1 : i32
        %sub3A_779 = arith.subi %div3A_758, %sub3A_778 : i32
        %select_n3A_780 = arith.select %and3A_777, %sub3A_779, %div3A_758 : i32
        %mul3A_781 = arith.constant 16 : i32
        %mul3A_782 = arith.muli %select_n3A_780, %mul3A_781 : i32
        %get3A_783 = arith.index_cast %mul3A_782 : i32 to index
        %get3A_784 = tpu.vector_load %arg33[%get3A_783] {strides = array<i32>} : memref<128xi32, #tpu.memory_space<vmem>>, vector<16xi32>,
        %sub3A_785 = arith.subi %select_n3A_503, %mul3A_782 : i32
        %eq3A_786 = vector.broadcast %sub3A_785 : i32 to vector<16xi32>
        %eq3A_787 = arith.cmpi eq, %iota3A_756, %eq3A_786 : vector<16xi32>
        %broadcast_in_dim3A_788 = vector.broadcast %select_n3A_435 : i32 to vector<16xi32>
        %select_n3A_789 = arith.select %eq3A_787, %broadcast_in_dim3A_788, %get3A_784 : vector<16xi1>, vector<16xi32>
        %swap3A_790 = arith.index_cast %mul3A_782 : i32 to index
        %swap3A_791 = tpu.vector_load %arg33[%swap3A_790] {strides = array<i32>} : memref<128xi32, #tpu.memory_space<vmem>>, vector<16xi32>,
        tpu.vector_store %arg33[%swap3A_790], %select_n3A_789 {strides = array<i32>} : memref<128xi32, #tpu.memory_space<vmem>>, vector<16xi32>,
        %jit3A_792 = arith.constant 16 : i32
        %div3A_793 = arith.divsi %select_n3A_503, %jit3A_792 : i32
        %sign3A_794 = arith.constant 0 : i32
        %sign3A_795 = arith.cmpi sgt, %select_n3A_503, %sign3A_794 : i32
        %sign3A_796 = arith.extui %sign3A_795 : i1 to i32
        %sign3A_797 = arith.constant 0 : i32
        %sign3A_798 = arith.cmpi slt, %select_n3A_503, %sign3A_797 : i32
        %sign3A_799 = arith.extui %sign3A_798 : i1 to i32
        %sign3A_800 = arith.subi %sign3A_796, %sign3A_799 : i32
        %sign3A_801 = arith.constant 0 : i32
        %sign3A_802 = arith.cmpi sgt, %jit3A_792, %sign3A_801 : i32
        %sign3A_803 = arith.extui %sign3A_802 : i1 to i32
        %sign3A_804 = arith.constant 0 : i32
        %sign3A_805 = arith.cmpi slt, %jit3A_792, %sign3A_804 : i32
        %sign3A_806 = arith.extui %sign3A_805 : i1 to i32
        %sign3A_807 = arith.subi %sign3A_803, %sign3A_806 : i32
        %ne3A_808 = arith.cmpi ne, %sign3A_800, %sign3A_807 : i32
        %rem3A_809 = arith.remsi %select_n3A_503, %jit3A_792 : i32
        %ne3A_810 = arith.constant 0 : i32
        %ne3A_811 = arith.cmpi ne, %rem3A_809, %ne3A_810 : i32
        %and3A_812 = arith.andi %ne3A_808, %ne3A_811 : i1
        %sub3A_813 = arith.constant 1 : i32
        %sub3A_814 = arith.subi %div3A_793, %sub3A_813 : i32
        %select_n3A_815 = arith.select %and3A_812, %sub3A_814, %div3A_793 : i32
        %mul3A_816 = arith.constant 16 : i32
        %mul3A_817 = arith.muli %select_n3A_815, %mul3A_816 : i32
        %sub3A_818 = arith.subi %select_n3A_503, %mul3A_817 : i32
        %get3A_819 = arith.constant 0 : i32
        %get3A_820 = arith.index_cast %get3A_819 : i32 to index
        %get3A_821 = arith.index_cast %mul3A_817 : i32 to index
        %get3A_822 = tpu.vector_load %arg31[%get3A_820, %get3A_821] {strides = array<i32>} : memref<4x128xf32, #tpu.memory_space<vmem>>, vector<16xf32>,
        %eq3A_823 = vector.broadcast %sub3A_818 : i32 to vector<16xi32>
        %eq3A_824 = arith.cmpi eq, %iota3A, %eq3A_823 : vector<16xi32>
        %broadcast_in_dim3A_825 = vector.broadcast %squeeze3A_448 : f32 to vector<16xf32>
        %select_n3A_826 = arith.select %eq3A_824, %broadcast_in_dim3A_825, %get3A_822 : vector<16xi1>, vector<16xf32>
        %swap3A_827 = arith.constant 0 : i32
        %swap3A_828 = arith.index_cast %swap3A_827 : i32 to index
        %swap3A_829 = arith.index_cast %mul3A_817 : i32 to index
        %swap3A_830 = tpu.vector_load %arg31[%swap3A_828, %swap3A_829] {strides = array<i32>} : memref<4x128xf32, #tpu.memory_space<vmem>>, vector<16xf32>,
        tpu.vector_store %arg31[%swap3A_828, %swap3A_829], %select_n3A_826 {strides = array<i32>} : memref<4x128xf32, #tpu.memory_space<vmem>>, vector<16xf32>,
        %get3A_831 = arith.constant 1 : i32
        %get3A_832 = arith.index_cast %get3A_831 : i32 to index
        %get3A_833 = arith.index_cast %mul3A_817 : i32 to index
        %get3A_834 = tpu.vector_load %arg31[%get3A_832, %get3A_833] {strides = array<i32>} : memref<4x128xf32, #tpu.memory_space<vmem>>, vector<16xf32>,
        %eq3A_835 = vector.broadcast %sub3A_818 : i32 to vector<16xi32>
        %eq3A_836 = arith.cmpi eq, %iota3A, %eq3A_835 : vector<16xi32>
        %broadcast_in_dim3A_837 = vector.broadcast %squeeze3A_450 : f32 to vector<16xf32>
        %select_n3A_838 = arith.select %eq3A_836, %broadcast_in_dim3A_837, %get3A_834 : vector<16xi1>, vector<16xf32>
        %swap3A_839 = arith.constant 1 : i32
        %swap3A_840 = arith.index_cast %swap3A_839 : i32 to index
        %swap3A_841 = arith.index_cast %mul3A_817 : i32 to index
        %swap3A_842 = tpu.vector_load %arg31[%swap3A_840, %swap3A_841] {strides = array<i32>} : memref<4x128xf32, #tpu.memory_space<vmem>>, vector<16xf32>,
        tpu.vector_store %arg31[%swap3A_840, %swap3A_841], %select_n3A_838 {strides = array<i32>} : memref<4x128xf32, #tpu.memory_space<vmem>>, vector<16xf32>,
        %get3A_843 = arith.constant 2 : i32
        %get3A_844 = arith.index_cast %get3A_843 : i32 to index
        %get3A_845 = arith.index_cast %mul3A_817 : i32 to index
        %get3A_846 = tpu.vector_load %arg31[%get3A_844, %get3A_845] {strides = array<i32>} : memref<4x128xf32, #tpu.memory_space<vmem>>, vector<16xf32>,
        %eq3A_847 = vector.broadcast %sub3A_818 : i32 to vector<16xi32>
        %eq3A_848 = arith.cmpi eq, %iota3A, %eq3A_847 : vector<16xi32>
        %broadcast_in_dim3A_849 = vector.broadcast %squeeze3A_452 : f32 to vector<16xf32>
        %select_n3A_850 = arith.select %eq3A_848, %broadcast_in_dim3A_849, %get3A_846 : vector<16xi1>, vector<16xf32>
        %swap3A_851 = arith.constant 2 : i32
        %swap3A_852 = arith.index_cast %swap3A_851 : i32 to index
        %swap3A_853 = arith.index_cast %mul3A_817 : i32 to index
        %swap3A_854 = tpu.vector_load %arg31[%swap3A_852, %swap3A_853] {strides = array<i32>} : memref<4x128xf32, #tpu.memory_space<vmem>>, vector<16xf32>,
        tpu.vector_store %arg31[%swap3A_852, %swap3A_853], %select_n3A_850 {strides = array<i32>} : memref<4x128xf32, #tpu.memory_space<vmem>>, vector<16xf32>,
        %get3A_855 = arith.constant 3 : i32
        %get3A_856 = arith.index_cast %get3A_855 : i32 to index
        %get3A_857 = arith.index_cast %mul3A_817 : i32 to index
        %get3A_858 = tpu.vector_load %arg31[%get3A_856, %get3A_857] {strides = array<i32>} : memref<4x128xf32, #tpu.memory_space<vmem>>, vector<16xf32>,
        %eq3A_859 = vector.broadcast %sub3A_818 : i32 to vector<16xi32>
        %eq3A_860 = arith.cmpi eq, %iota3A, %eq3A_859 : vector<16xi32>
        %broadcast_in_dim3A_861 = vector.broadcast %squeeze3A_454 : f32 to vector<16xf32>
        %select_n3A_862 = arith.select %eq3A_860, %broadcast_in_dim3A_861, %get3A_858 : vector<16xi1>, vector<16xf32>
        %swap3A_863 = arith.constant 3 : i32
        %swap3A_864 = arith.index_cast %swap3A_863 : i32 to index
        %swap3A_865 = arith.index_cast %mul3A_817 : i32 to index
        %swap3A_866 = tpu.vector_load %arg31[%swap3A_864, %swap3A_865] {strides = array<i32>} : memref<4x128xf32, #tpu.memory_space<vmem>>, vector<16xf32>,
        tpu.vector_store %arg31[%swap3A_864, %swap3A_865], %select_n3A_862 {strides = array<i32>} : memref<4x128xf32, #tpu.memory_space<vmem>>, vector<16xf32>,
        %get3A_867 = arith.constant 0 : index
        %get3A_868 = tpu.vector_load %arg18[%get3A_867] {strides = array<i32>} : memref<112xf32, #tpu.memory_space<vmem>>, vector<16xf32>,
        %get3A_869 = arith.constant 16 : index
        %get3A_870 = tpu.vector_load %arg18[%get3A_869] {strides = array<i32>} : memref<112xf32, #tpu.memory_space<vmem>>, vector<16xf32>,
        %max3A_871 = arith.maximumf %get3A_868, %get3A_870 : vector<16xf32>
        %get3A_872 = arith.constant 32 : index
        %get3A_873 = tpu.vector_load %arg18[%get3A_872] {strides = array<i32>} : memref<112xf32, #tpu.memory_space<vmem>>, vector<16xf32>,
        %max3A_874 = arith.maximumf %max3A_871, %get3A_873 : vector<16xf32>
        %get3A_875 = arith.constant 48 : index
        %get3A_876 = tpu.vector_load %arg18[%get3A_875] {strides = array<i32>} : memref<112xf32, #tpu.memory_space<vmem>>, vector<16xf32>,
        %max3A_877 = arith.maximumf %max3A_874, %get3A_876 : vector<16xf32>
        %get3A_878 = arith.constant 64 : index
        %get3A_879 = tpu.vector_load %arg18[%get3A_878] {strides = array<i32>} : memref<112xf32, #tpu.memory_space<vmem>>, vector<16xf32>,
        %max3A_880 = arith.maximumf %max3A_877, %get3A_879 : vector<16xf32>
        %get3A_881 = arith.constant 80 : index
        %get3A_882 = tpu.vector_load %arg18[%get3A_881] {strides = array<i32>} : memref<112xf32, #tpu.memory_space<vmem>>, vector<16xf32>,
        %max3A_883 = arith.maximumf %max3A_880, %get3A_882 : vector<16xf32>
        %get3A_884 = arith.constant 96 : index
        %get3A_885 = tpu.vector_load %arg18[%get3A_884] {strides = array<i32>} : memref<112xf32, #tpu.memory_space<vmem>>, vector<16xf32>,
        %max3A_886 = arith.maximumf %max3A_883, %get3A_885 : vector<16xf32>
        %reduce_max3A_887 = arith.constant true
        %reduce_max3A_888 = vector.broadcast %reduce_max3A_887 : i1 to vector<16xi1>
        %reduce_max3A_889 = tpu.scan <max>, %max3A_886 masked %reduce_max3A_888 : vector<16xf32>, vector<16xi1> -> vector<16xf32>
        %reduce_max3A_890 = vector.extract %reduce_max3A_889[15] : f32 from vector<16xf32>
        %broadcast_in_dim3A_891 = arith.constant 1073741824 : i32
        %broadcast_in_dim3A_892 = vector.broadcast %broadcast_in_dim3A_891 : i32 to vector<16xi32>
        %get3A_893 = arith.constant 0 : index
        %get3A_894 = tpu.vector_load %arg18[%get3A_893] {strides = array<i32>} : memref<112xf32, #tpu.memory_space<vmem>>, vector<16xf32>,
        %eq3A_895 = vector.broadcast %reduce_max3A_890 : f32 to vector<16xf32>
        %eq3A_896 = arith.cmpf oeq, %get3A_894, %eq3A_895 : vector<16xf32>
        %add3A_897 = arith.constant 0 : i32
        %add3A_898 = vector.broadcast %add3A_897 : i32 to vector<16xi32>
        %add3A_899 = arith.addi %add3A_898, %iota3A : vector<16xi32>
        %jit3A_900 = arith.constant 1073741824 : i32
        %broadcast_in_dim3A_901 = vector.broadcast %jit3A_900 : i32 to vector<16xi32>
        %select_n3A_902 = arith.select %eq3A_896, %add3A_899, %broadcast_in_dim3A_901 : vector<16xi1>, vector<16xi32>
        %min3A_903 = arith.minsi %broadcast_in_dim3A_892, %select_n3A_902 : vector<16xi32>
        %get3A_904 = arith.constant 16 : index
        %get3A_905 = tpu.vector_load %arg18[%get3A_904] {strides = array<i32>} : memref<112xf32, #tpu.memory_space<vmem>>, vector<16xf32>,
        %eq3A_906 = vector.broadcast %reduce_max3A_890 : f32 to vector<16xf32>
        %eq3A_907 = arith.cmpf oeq, %get3A_905, %eq3A_906 : vector<16xf32>
        %add3A_908 = arith.constant 16 : i32
        %add3A_909 = vector.broadcast %add3A_908 : i32 to vector<16xi32>
        %add3A_910 = arith.addi %add3A_909, %iota3A : vector<16xi32>
        %jit3A_911 = arith.constant 1073741824 : i32
        %broadcast_in_dim3A_912 = vector.broadcast %jit3A_911 : i32 to vector<16xi32>
        %select_n3A_913 = arith.select %eq3A_907, %add3A_910, %broadcast_in_dim3A_912 : vector<16xi1>, vector<16xi32>
        %min3A_914 = arith.minsi %min3A_903, %select_n3A_913 : vector<16xi32>
        %get3A_915 = arith.constant 32 : index
        %get3A_916 = tpu.vector_load %arg18[%get3A_915] {strides = array<i32>} : memref<112xf32, #tpu.memory_space<vmem>>, vector<16xf32>,
        %eq3A_917 = vector.broadcast %reduce_max3A_890 : f32 to vector<16xf32>
        %eq3A_918 = arith.cmpf oeq, %get3A_916, %eq3A_917 : vector<16xf32>
        %add3A_919 = arith.constant 32 : i32
        %add3A_920 = vector.broadcast %add3A_919 : i32 to vector<16xi32>
        %add3A_921 = arith.addi %add3A_920, %iota3A : vector<16xi32>
        %jit3A_922 = arith.constant 1073741824 : i32
        %broadcast_in_dim3A_923 = vector.broadcast %jit3A_922 : i32 to vector<16xi32>
        %select_n3A_924 = arith.select %eq3A_918, %add3A_921, %broadcast_in_dim3A_923 : vector<16xi1>, vector<16xi32>
        %min3A_925 = arith.minsi %min3A_914, %select_n3A_924 : vector<16xi32>
        %get3A_926 = arith.constant 48 : index
        %get3A_927 = tpu.vector_load %arg18[%get3A_926] {strides = array<i32>} : memref<112xf32, #tpu.memory_space<vmem>>, vector<16xf32>,
        %eq3A_928 = vector.broadcast %reduce_max3A_890 : f32 to vector<16xf32>
        %eq3A_929 = arith.cmpf oeq, %get3A_927, %eq3A_928 : vector<16xf32>
        %add3A_930 = arith.constant 48 : i32
        %add3A_931 = vector.broadcast %add3A_930 : i32 to vector<16xi32>
        %add3A_932 = arith.addi %add3A_931, %iota3A : vector<16xi32>
        %jit3A_933 = arith.constant 1073741824 : i32
        %broadcast_in_dim3A_934 = vector.broadcast %jit3A_933 : i32 to vector<16xi32>
        %select_n3A_935 = arith.select %eq3A_929, %add3A_932, %broadcast_in_dim3A_934 : vector<16xi1>, vector<16xi32>
        %min3A_936 = arith.minsi %min3A_925, %select_n3A_935 : vector<16xi32>
        %get3A_937 = arith.constant 64 : index
        %get3A_938 = tpu.vector_load %arg18[%get3A_937] {strides = array<i32>} : memref<112xf32, #tpu.memory_space<vmem>>, vector<16xf32>,
        %eq3A_939 = vector.broadcast %reduce_max3A_890 : f32 to vector<16xf32>
        %eq3A_940 = arith.cmpf oeq, %get3A_938, %eq3A_939 : vector<16xf32>
        %add3A_941 = arith.constant 64 : i32
        %add3A_942 = vector.broadcast %add3A_941 : i32 to vector<16xi32>
        %add3A_943 = arith.addi %add3A_942, %iota3A : vector<16xi32>
        %jit3A_944 = arith.constant 1073741824 : i32
        %broadcast_in_dim3A_945 = vector.broadcast %jit3A_944 : i32 to vector<16xi32>
        %select_n3A_946 = arith.select %eq3A_940, %add3A_943, %broadcast_in_dim3A_945 : vector<16xi1>, vector<16xi32>
        %min3A_947 = arith.minsi %min3A_936, %select_n3A_946 : vector<16xi32>
        %get3A_948 = arith.constant 80 : index
        %get3A_949 = tpu.vector_load %arg18[%get3A_948] {strides = array<i32>} : memref<112xf32, #tpu.memory_space<vmem>>, vector<16xf32>,
        %eq3A_950 = vector.broadcast %reduce_max3A_890 : f32 to vector<16xf32>
        %eq3A_951 = arith.cmpf oeq, %get3A_949, %eq3A_950 : vector<16xf32>
        %add3A_952 = arith.constant 80 : i32
        %add3A_953 = vector.broadcast %add3A_952 : i32 to vector<16xi32>
        %add3A_954 = arith.addi %add3A_953, %iota3A : vector<16xi32>
        %jit3A_955 = arith.constant 1073741824 : i32
        %broadcast_in_dim3A_956 = vector.broadcast %jit3A_955 : i32 to vector<16xi32>
        %select_n3A_957 = arith.select %eq3A_951, %add3A_954, %broadcast_in_dim3A_956 : vector<16xi1>, vector<16xi32>
        %min3A_958 = arith.minsi %min3A_947, %select_n3A_957 : vector<16xi32>
        %get3A_959 = arith.constant 96 : index
        %get3A_960 = tpu.vector_load %arg18[%get3A_959] {strides = array<i32>} : memref<112xf32, #tpu.memory_space<vmem>>, vector<16xf32>,
        %eq3A_961 = vector.broadcast %reduce_max3A_890 : f32 to vector<16xf32>
        %eq3A_962 = arith.cmpf oeq, %get3A_960, %eq3A_961 : vector<16xf32>
        %add3A_963 = arith.constant 96 : i32
        %add3A_964 = vector.broadcast %add3A_963 : i32 to vector<16xi32>
        %add3A_965 = arith.addi %add3A_964, %iota3A : vector<16xi32>
        %jit3A_966 = arith.constant 1073741824 : i32
        %broadcast_in_dim3A_967 = vector.broadcast %jit3A_966 : i32 to vector<16xi32>
        %select_n3A_968 = arith.select %eq3A_962, %add3A_965, %broadcast_in_dim3A_967 : vector<16xi1>, vector<16xi32>
        %min3A_969 = arith.minsi %min3A_958, %select_n3A_968 : vector<16xi32>
        %reduce_min3A_970 = arith.constant true
        %reduce_min3A_971 = vector.broadcast %reduce_min3A_970 : i1 to vector<16xi1>
        %reduce_min3A_972 = arith.constant -2147483648 : i32
        %reduce_min3A_973 = vector.broadcast %reduce_min3A_972 : i32 to vector<16xi32>
        %reduce_min3A_974 = arith.xori %min3A_969, %reduce_min3A_973 : vector<16xi32>
        %reduce_min3A_975 = tpu.scan <min>, %reduce_min3A_974 masked %reduce_min3A_971 : vector<16xi32>, vector<16xi1> -> vector<16xi32>
        %reduce_min3A_976 = arith.xori %reduce_min3A_975, %reduce_min3A_973 : vector<16xi32>
        %reduce_min3A_977 = vector.extract %reduce_min3A_976[15] : i32 from vector<16xi32>
        %mul3A_978 = arith.constant 16 : i32
        %mul3A_979 = arith.muli %reduce_min3A_977, %mul3A_978 : i32
        %get3A_980 = arith.index_cast %mul3A_979 : i32 to index
        %get3A_981 = tpu.vector_load %arg17[%get3A_980] {strides = array<i32>} : memref<1792xf32, #tpu.memory_space<vmem>>, vector<16xf32>,
        %eq3A_982 = vector.broadcast %reduce_max3A_890 : f32 to vector<16xf32>
        %eq3A_983 = arith.cmpf oeq, %get3A_981, %eq3A_982 : vector<16xf32>
        %mul3A_984 = arith.constant 16 : i32
        %mul3A_985 = arith.muli %reduce_min3A_977, %mul3A_984 : i32
        %add3A_986 = vector.broadcast %mul3A_985 : i32 to vector<16xi32>
        %add3A_987 = arith.addi %add3A_986, %iota3A : vector<16xi32>
        %jit3A_988 = arith.constant 1073741824 : i32
        %broadcast_in_dim3A_989 = vector.broadcast %jit3A_988 : i32 to vector<16xi32>
        %select_n3A_990 = arith.select %eq3A_983, %add3A_987, %broadcast_in_dim3A_989 : vector<16xi1>, vector<16xi32>
        %reduce_min3A_991 = arith.constant true
        %reduce_min3A_992 = vector.broadcast %reduce_min3A_991 : i1 to vector<16xi1>
        %reduce_min3A_993 = arith.constant -2147483648 : i32
        %reduce_min3A_994 = vector.broadcast %reduce_min3A_993 : i32 to vector<16xi32>
        %reduce_min3A_995 = arith.xori %select_n3A_990, %reduce_min3A_994 : vector<16xi32>
        %reduce_min3A_996 = tpu.scan <min>, %reduce_min3A_995 masked %reduce_min3A_992 : vector<16xi32>, vector<16xi1> -> vector<16xi32>
        %reduce_min3A_997 = arith.xori %reduce_min3A_996, %reduce_min3A_994 : vector<16xi32>
        %reduce_min3A_998 = vector.extract %reduce_min3A_997[15] : i32 from vector<16xi32>
        %convert_element_type3A_999 = arith.extui %eq3A_501 : i1 to i32
        %add3A_1000 = arith.addi %while3A_173, %convert_element_type3A_999 : i32
        scf.yield %add3A_1000, %reduce_max3A_890, %reduce_min3A_998 : i32, f32, i32
      }
      %eq3A_158 = arith.constant 0 : i32
      %eq3A_159 = vector.broadcast %eq3A_158 : i32 to vector<16xi32>
      %eq3A_160 = arith.cmpi eq, %iota3A, %eq3A_159 : vector<16xi32>
      %jit3A_161 = arith.constant 0 : i32
      %broadcast_in_dim3A_162 = vector.broadcast %while3A_157#0 : i32 to vector<16xi32>
      %broadcast_in_dim3A_163 = vector.broadcast %jit3A_161 : i32 to vector<16xi32>
      %select_n3A_164 = arith.select %eq3A_160, %broadcast_in_dim3A_162, %broadcast_in_dim3A_163 : vector<16xi1>, vector<16xi32>
      %swap3A = arith.constant 0 : index
      %swap3A_165 = tpu.vector_load %arg34[%swap3A] {strides = array<i32>} : memref<16xi32, #tpu.memory_space<vmem>>, vector<16xi32>,
      tpu.vector_store %arg34[%swap3A], %select_n3A_164 {strides = array<i32>} : memref<16xi32, #tpu.memory_space<vmem>>, vector<16xi32>,
      %run_scoped3A = arith.constant 0 : i32
      %run_scoped3A_166 = arith.constant 0 : i32
      "tpu.region"() ({
        %run_scoped3A_173 = tpu.sem_alloc : memref<!tpu.dma_semaphore, #tpu.memory_space<semaphore_mem>>
        %dma_start3A = arith.constant 0 : i32
        %dma_start3A_174 = tpu.memref_slice %arg31[%run_scoped3A, %dma_start3A] : memref<4x128xf32, #tpu.memory_space<vmem>> -> memref<1x128xf32, #tpu.memory_space<vmem>>
        %dma_start3A_175 = tpu.memref_squeeze %dma_start3A_174 : memref<1x128xf32, #tpu.memory_space<vmem>> -> memref<128xf32, #tpu.memory_space<vmem>>
        %dma_start3A_176 = arith.constant 0 : i32
        %dma_start3A_177 = tpu.memref_slice %arg5[%run_scoped3A_166, %dma_start3A_176] : memref<4x128xf32, #tpu.memory_space<hbm>> -> memref<1x128xf32, #tpu.memory_space<hbm>>
        %dma_start3A_178 = tpu.memref_squeeze %dma_start3A_177 : memref<1x128xf32, #tpu.memory_space<hbm>> -> memref<128xf32, #tpu.memory_space<hbm>>
        %dma_start3A_179 = arith.constant 0 : i32
        %dma_start3A_180 = tpu.memref_slice %arg5[%run_scoped3A_166, %dma_start3A_179] : memref<4x128xf32, #tpu.memory_space<hbm>> -> memref<1x128xf32, #tpu.memory_space<hbm>>
        %dma_start3A_181 = tpu.memref_squeeze %dma_start3A_180 : memref<1x128xf32, #tpu.memory_space<hbm>> -> memref<128xf32, #tpu.memory_space<hbm>>
        %dma_start3A_182 = arith.constant 0 : i32
        %dma_start3A_183 = tpu.memref_slice %arg31[%run_scoped3A, %dma_start3A_182] : memref<4x128xf32, #tpu.memory_space<vmem>> -> memref<1x128xf32, #tpu.memory_space<vmem>>
        %dma_start3A_184 = tpu.memref_squeeze %dma_start3A_183 : memref<1x128xf32, #tpu.memory_space<vmem>> -> memref<128xf32, #tpu.memory_space<vmem>>
        tpu.enqueue_dma source(%dma_start3A_184 : memref<128xf32, #tpu.memory_space<vmem>>) target(%dma_start3A_181 : memref<128xf32, #tpu.memory_space<hbm>>) target_semaphore(%run_scoped3A_173 : memref<!tpu.dma_semaphore, #tpu.memory_space<semaphore_mem>>)
        %dma_wait3A = arith.constant 0 : i32
        %dma_wait3A_185 = tpu.memref_slice %arg31[%run_scoped3A, %dma_wait3A] : memref<4x128xf32, #tpu.memory_space<vmem>> -> memref<1x128xf32, #tpu.memory_space<vmem>>
        %dma_wait3A_186 = tpu.memref_squeeze %dma_wait3A_185 : memref<1x128xf32, #tpu.memory_space<vmem>> -> memref<128xf32, #tpu.memory_space<vmem>>
        %dma_wait3A_187 = arith.constant 0 : i32
        %dma_wait3A_188 = tpu.memref_slice %arg5[%run_scoped3A_166, %dma_wait3A_187] : memref<4x128xf32, #tpu.memory_space<hbm>> -> memref<1x128xf32, #tpu.memory_space<hbm>>
        %dma_wait3A_189 = tpu.memref_squeeze %dma_wait3A_188 : memref<1x128xf32, #tpu.memory_space<hbm>> -> memref<128xf32, #tpu.memory_space<hbm>>
        %dma_wait3A_190 = arith.constant 0 : i32
        %dma_wait3A_191 = tpu.memref_slice %arg5[%run_scoped3A_166, %dma_wait3A_190] : memref<4x128xf32, #tpu.memory_space<hbm>> -> memref<1x128xf32, #tpu.memory_space<hbm>>
        %dma_wait3A_192 = tpu.memref_squeeze %dma_wait3A_191 : memref<1x128xf32, #tpu.memory_space<hbm>> -> memref<128xf32, #tpu.memory_space<hbm>>
        %dma_wait3A_193 = arith.constant 0 : i32
        %dma_wait3A_194 = tpu.memref_slice %arg31[%run_scoped3A, %dma_wait3A_193] : memref<4x128xf32, #tpu.memory_space<vmem>> -> memref<1x128xf32, #tpu.memory_space<vmem>>
        %dma_wait3A_195 = tpu.memref_squeeze %dma_wait3A_194 : memref<1x128xf32, #tpu.memory_space<vmem>> -> memref<128xf32, #tpu.memory_space<vmem>>
        tpu.wait_dma2 semaphore(%run_scoped3A_173 : memref<!tpu.dma_semaphore, #tpu.memory_space<semaphore_mem>>) src(%dma_wait3A_195 : memref<128xf32, #tpu.memory_space<vmem>>) dst(%dma_wait3A_192 : memref<128xf32, #tpu.memory_space<hbm>>)
        tpu.yield
      }) : () -> ()
      %run_scoped3A_167 = arith.constant 1 : i32
      %run_scoped3A_168 = arith.constant 1 : i32
      "tpu.region"() ({
        %run_scoped3A_173 = tpu.sem_alloc : memref<!tpu.dma_semaphore, #tpu.memory_space<semaphore_mem>>
        %dma_start3A = arith.constant 0 : i32
        %dma_start3A_174 = tpu.memref_slice %arg31[%run_scoped3A_167, %dma_start3A] : memref<4x128xf32, #tpu.memory_space<vmem>> -> memref<1x128xf32, #tpu.memory_space<vmem>>
        %dma_start3A_175 = tpu.memref_squeeze %dma_start3A_174 : memref<1x128xf32, #tpu.memory_space<vmem>> -> memref<128xf32, #tpu.memory_space<vmem>>
        %dma_start3A_176 = arith.constant 0 : i32
        %dma_start3A_177 = tpu.memref_slice %arg5[%run_scoped3A_168, %dma_start3A_176] : memref<4x128xf32, #tpu.memory_space<hbm>> -> memref<1x128xf32, #tpu.memory_space<hbm>>
        %dma_start3A_178 = tpu.memref_squeeze %dma_start3A_177 : memref<1x128xf32, #tpu.memory_space<hbm>> -> memref<128xf32, #tpu.memory_space<hbm>>
        %dma_start3A_179 = arith.constant 0 : i32
        %dma_start3A_180 = tpu.memref_slice %arg5[%run_scoped3A_168, %dma_start3A_179] : memref<4x128xf32, #tpu.memory_space<hbm>> -> memref<1x128xf32, #tpu.memory_space<hbm>>
        %dma_start3A_181 = tpu.memref_squeeze %dma_start3A_180 : memref<1x128xf32, #tpu.memory_space<hbm>> -> memref<128xf32, #tpu.memory_space<hbm>>
        %dma_start3A_182 = arith.constant 0 : i32
        %dma_start3A_183 = tpu.memref_slice %arg31[%run_scoped3A_167, %dma_start3A_182] : memref<4x128xf32, #tpu.memory_space<vmem>> -> memref<1x128xf32, #tpu.memory_space<vmem>>
        %dma_start3A_184 = tpu.memref_squeeze %dma_start3A_183 : memref<1x128xf32, #tpu.memory_space<vmem>> -> memref<128xf32, #tpu.memory_space<vmem>>
        tpu.enqueue_dma source(%dma_start3A_184 : memref<128xf32, #tpu.memory_space<vmem>>) target(%dma_start3A_181 : memref<128xf32, #tpu.memory_space<hbm>>) target_semaphore(%run_scoped3A_173 : memref<!tpu.dma_semaphore, #tpu.memory_space<semaphore_mem>>)
        %dma_wait3A = arith.constant 0 : i32
        %dma_wait3A_185 = tpu.memref_slice %arg31[%run_scoped3A_167, %dma_wait3A] : memref<4x128xf32, #tpu.memory_space<vmem>> -> memref<1x128xf32, #tpu.memory_space<vmem>>
        %dma_wait3A_186 = tpu.memref_squeeze %dma_wait3A_185 : memref<1x128xf32, #tpu.memory_space<vmem>> -> memref<128xf32, #tpu.memory_space<vmem>>
        %dma_wait3A_187 = arith.constant 0 : i32
        %dma_wait3A_188 = tpu.memref_slice %arg5[%run_scoped3A_168, %dma_wait3A_187] : memref<4x128xf32, #tpu.memory_space<hbm>> -> memref<1x128xf32, #tpu.memory_space<hbm>>
        %dma_wait3A_189 = tpu.memref_squeeze %dma_wait3A_188 : memref<1x128xf32, #tpu.memory_space<hbm>> -> memref<128xf32, #tpu.memory_space<hbm>>
        %dma_wait3A_190 = arith.constant 0 : i32
        %dma_wait3A_191 = tpu.memref_slice %arg5[%run_scoped3A_168, %dma_wait3A_190] : memref<4x128xf32, #tpu.memory_space<hbm>> -> memref<1x128xf32, #tpu.memory_space<hbm>>
        %dma_wait3A_192 = tpu.memref_squeeze %dma_wait3A_191 : memref<1x128xf32, #tpu.memory_space<hbm>> -> memref<128xf32, #tpu.memory_space<hbm>>
        %dma_wait3A_193 = arith.constant 0 : i32
        %dma_wait3A_194 = tpu.memref_slice %arg31[%run_scoped3A_167, %dma_wait3A_193] : memref<4x128xf32, #tpu.memory_space<vmem>> -> memref<1x128xf32, #tpu.memory_space<vmem>>
        %dma_wait3A_195 = tpu.memref_squeeze %dma_wait3A_194 : memref<1x128xf32, #tpu.memory_space<vmem>> -> memref<128xf32, #tpu.memory_space<vmem>>
        tpu.wait_dma2 semaphore(%run_scoped3A_173 : memref<!tpu.dma_semaphore, #tpu.memory_space<semaphore_mem>>) src(%dma_wait3A_195 : memref<128xf32, #tpu.memory_space<vmem>>) dst(%dma_wait3A_192 : memref<128xf32, #tpu.memory_space<hbm>>)
        tpu.yield
      }) : () -> ()
      %run_scoped3A_169 = arith.constant 2 : i32
      %run_scoped3A_170 = arith.constant 2 : i32
      "tpu.region"() ({
        %run_scoped3A_173 = tpu.sem_alloc : memref<!tpu.dma_semaphore, #tpu.memory_space<semaphore_mem>>
        %dma_start3A = arith.constant 0 : i32
        %dma_start3A_174 = tpu.memref_slice %arg31[%run_scoped3A_169, %dma_start3A] : memref<4x128xf32, #tpu.memory_space<vmem>> -> memref<1x128xf32, #tpu.memory_space<vmem>>
        %dma_start3A_175 = tpu.memref_squeeze %dma_start3A_174 : memref<1x128xf32, #tpu.memory_space<vmem>> -> memref<128xf32, #tpu.memory_space<vmem>>
        %dma_start3A_176 = arith.constant 0 : i32
        %dma_start3A_177 = tpu.memref_slice %arg5[%run_scoped3A_170, %dma_start3A_176] : memref<4x128xf32, #tpu.memory_space<hbm>> -> memref<1x128xf32, #tpu.memory_space<hbm>>
        %dma_start3A_178 = tpu.memref_squeeze %dma_start3A_177 : memref<1x128xf32, #tpu.memory_space<hbm>> -> memref<128xf32, #tpu.memory_space<hbm>>
        %dma_start3A_179 = arith.constant 0 : i32
        %dma_start3A_180 = tpu.memref_slice %arg5[%run_scoped3A_170, %dma_start3A_179] : memref<4x128xf32, #tpu.memory_space<hbm>> -> memref<1x128xf32, #tpu.memory_space<hbm>>
        %dma_start3A_181 = tpu.memref_squeeze %dma_start3A_180 : memref<1x128xf32, #tpu.memory_space<hbm>> -> memref<128xf32, #tpu.memory_space<hbm>>
        %dma_start3A_182 = arith.constant 0 : i32
        %dma_start3A_183 = tpu.memref_slice %arg31[%run_scoped3A_169, %dma_start3A_182] : memref<4x128xf32, #tpu.memory_space<vmem>> -> memref<1x128xf32, #tpu.memory_space<vmem>>
        %dma_start3A_184 = tpu.memref_squeeze %dma_start3A_183 : memref<1x128xf32, #tpu.memory_space<vmem>> -> memref<128xf32, #tpu.memory_space<vmem>>
        tpu.enqueue_dma source(%dma_start3A_184 : memref<128xf32, #tpu.memory_space<vmem>>) target(%dma_start3A_181 : memref<128xf32, #tpu.memory_space<hbm>>) target_semaphore(%run_scoped3A_173 : memref<!tpu.dma_semaphore, #tpu.memory_space<semaphore_mem>>)
        %dma_wait3A = arith.constant 0 : i32
        %dma_wait3A_185 = tpu.memref_slice %arg31[%run_scoped3A_169, %dma_wait3A] : memref<4x128xf32, #tpu.memory_space<vmem>> -> memref<1x128xf32, #tpu.memory_space<vmem>>
        %dma_wait3A_186 = tpu.memref_squeeze %dma_wait3A_185 : memref<1x128xf32, #tpu.memory_space<vmem>> -> memref<128xf32, #tpu.memory_space<vmem>>
        %dma_wait3A_187 = arith.constant 0 : i32
        %dma_wait3A_188 = tpu.memref_slice %arg5[%run_scoped3A_170, %dma_wait3A_187] : memref<4x128xf32, #tpu.memory_space<hbm>> -> memref<1x128xf32, #tpu.memory_space<hbm>>
        %dma_wait3A_189 = tpu.memref_squeeze %dma_wait3A_188 : memref<1x128xf32, #tpu.memory_space<hbm>> -> memref<128xf32, #tpu.memory_space<hbm>>
        %dma_wait3A_190 = arith.constant 0 : i32
        %dma_wait3A_191 = tpu.memref_slice %arg5[%run_scoped3A_170, %dma_wait3A_190] : memref<4x128xf32, #tpu.memory_space<hbm>> -> memref<1x128xf32, #tpu.memory_space<hbm>>
        %dma_wait3A_192 = tpu.memref_squeeze %dma_wait3A_191 : memref<1x128xf32, #tpu.memory_space<hbm>> -> memref<128xf32, #tpu.memory_space<hbm>>
        %dma_wait3A_193 = arith.constant 0 : i32
        %dma_wait3A_194 = tpu.memref_slice %arg31[%run_scoped3A_169, %dma_wait3A_193] : memref<4x128xf32, #tpu.memory_space<vmem>> -> memref<1x128xf32, #tpu.memory_space<vmem>>
        %dma_wait3A_195 = tpu.memref_squeeze %dma_wait3A_194 : memref<1x128xf32, #tpu.memory_space<vmem>> -> memref<128xf32, #tpu.memory_space<vmem>>
        tpu.wait_dma2 semaphore(%run_scoped3A_173 : memref<!tpu.dma_semaphore, #tpu.memory_space<semaphore_mem>>) src(%dma_wait3A_195 : memref<128xf32, #tpu.memory_space<vmem>>) dst(%dma_wait3A_192 : memref<128xf32, #tpu.memory_space<hbm>>)
        tpu.yield
      }) : () -> ()
      %run_scoped3A_171 = arith.constant 3 : i32
      %run_scoped3A_172 = arith.constant 3 : i32
      "tpu.region"() ({
        %run_scoped3A_173 = tpu.sem_alloc : memref<!tpu.dma_semaphore, #tpu.memory_space<semaphore_mem>>
        %dma_start3A = arith.constant 0 : i32
        %dma_start3A_174 = tpu.memref_slice %arg31[%run_scoped3A_171, %dma_start3A] : memref<4x128xf32, #tpu.memory_space<vmem>> -> memref<1x128xf32, #tpu.memory_space<vmem>>
        %dma_start3A_175 = tpu.memref_squeeze %dma_start3A_174 : memref<1x128xf32, #tpu.memory_space<vmem>> -> memref<128xf32, #tpu.memory_space<vmem>>
        %dma_start3A_176 = arith.constant 0 : i32
        %dma_start3A_177 = tpu.memref_slice %arg5[%run_scoped3A_172, %dma_start3A_176] : memref<4x128xf32, #tpu.memory_space<hbm>> -> memref<1x128xf32, #tpu.memory_space<hbm>>
        %dma_start3A_178 = tpu.memref_squeeze %dma_start3A_177 : memref<1x128xf32, #tpu.memory_space<hbm>> -> memref<128xf32, #tpu.memory_space<hbm>>
        %dma_start3A_179 = arith.constant 0 : i32
        %dma_start3A_180 = tpu.memref_slice %arg5[%run_scoped3A_172, %dma_start3A_179] : memref<4x128xf32, #tpu.memory_space<hbm>> -> memref<1x128xf32, #tpu.memory_space<hbm>>
        %dma_start3A_181 = tpu.memref_squeeze %dma_start3A_180 : memref<1x128xf32, #tpu.memory_space<hbm>> -> memref<128xf32, #tpu.memory_space<hbm>>
        %dma_start3A_182 = arith.constant 0 : i32
        %dma_start3A_183 = tpu.memref_slice %arg31[%run_scoped3A_171, %dma_start3A_182] : memref<4x128xf32, #tpu.memory_space<vmem>> -> memref<1x128xf32, #tpu.memory_space<vmem>>
        %dma_start3A_184 = tpu.memref_squeeze %dma_start3A_183 : memref<1x128xf32, #tpu.memory_space<vmem>> -> memref<128xf32, #tpu.memory_space<vmem>>
        tpu.enqueue_dma source(%dma_start3A_184 : memref<128xf32, #tpu.memory_space<vmem>>) target(%dma_start3A_181 : memref<128xf32, #tpu.memory_space<hbm>>) target_semaphore(%run_scoped3A_173 : memref<!tpu.dma_semaphore, #tpu.memory_space<semaphore_mem>>)
        %dma_wait3A = arith.constant 0 : i32
        %dma_wait3A_185 = tpu.memref_slice %arg31[%run_scoped3A_171, %dma_wait3A] : memref<4x128xf32, #tpu.memory_space<vmem>> -> memref<1x128xf32, #tpu.memory_space<vmem>>
        %dma_wait3A_186 = tpu.memref_squeeze %dma_wait3A_185 : memref<1x128xf32, #tpu.memory_space<vmem>> -> memref<128xf32, #tpu.memory_space<vmem>>
        %dma_wait3A_187 = arith.constant 0 : i32
        %dma_wait3A_188 = tpu.memref_slice %arg5[%run_scoped3A_172, %dma_wait3A_187] : memref<4x128xf32, #tpu.memory_space<hbm>> -> memref<1x128xf32, #tpu.memory_space<hbm>>
        %dma_wait3A_189 = tpu.memref_squeeze %dma_wait3A_188 : memref<1x128xf32, #tpu.memory_space<hbm>> -> memref<128xf32, #tpu.memory_space<hbm>>
        %dma_wait3A_190 = arith.constant 0 : i32
        %dma_wait3A_191 = tpu.memref_slice %arg5[%run_scoped3A_172, %dma_wait3A_190] : memref<4x128xf32, #tpu.memory_space<hbm>> -> memref<1x128xf32, #tpu.memory_space<hbm>>
        %dma_wait3A_192 = tpu.memref_squeeze %dma_wait3A_191 : memref<1x128xf32, #tpu.memory_space<hbm>> -> memref<128xf32, #tpu.memory_space<hbm>>
        %dma_wait3A_193 = arith.constant 0 : i32
        %dma_wait3A_194 = tpu.memref_slice %arg31[%run_scoped3A_171, %dma_wait3A_193] : memref<4x128xf32, #tpu.memory_space<vmem>> -> memref<1x128xf32, #tpu.memory_space<vmem>>
        %dma_wait3A_195 = tpu.memref_squeeze %dma_wait3A_194 : memref<1x128xf32, #tpu.memory_space<vmem>> -> memref<128xf32, #tpu.memory_space<vmem>>
        tpu.wait_dma2 semaphore(%run_scoped3A_173 : memref<!tpu.dma_semaphore, #tpu.memory_space<semaphore_mem>>) src(%dma_wait3A_195 : memref<128xf32, #tpu.memory_space<vmem>>) dst(%dma_wait3A_192 : memref<128xf32, #tpu.memory_space<hbm>>)
        tpu.yield
      }) : () -> ()
      "tpu.region"() ({
        %run_scoped3A_173 = tpu.sem_alloc : memref<!tpu.dma_semaphore, #tpu.memory_space<semaphore_mem>>
        tpu.enqueue_dma source(%arg32 : memref<128xf32, #tpu.memory_space<vmem>>) target(%arg6 : memref<128xf32, #tpu.memory_space<hbm>>) target_semaphore(%run_scoped3A_173 : memref<!tpu.dma_semaphore, #tpu.memory_space<semaphore_mem>>)
        tpu.wait_dma2 semaphore(%run_scoped3A_173 : memref<!tpu.dma_semaphore, #tpu.memory_space<semaphore_mem>>) src(%arg32 : memref<128xf32, #tpu.memory_space<vmem>>) dst(%arg6 : memref<128xf32, #tpu.memory_space<hbm>>)
        tpu.yield
      }) : () -> ()
      "tpu.region"() ({
        %run_scoped3A_173 = tpu.sem_alloc : memref<!tpu.dma_semaphore, #tpu.memory_space<semaphore_mem>>
        tpu.enqueue_dma source(%arg33 : memref<128xi32, #tpu.memory_space<vmem>>) target(%arg7 : memref<128xi32, #tpu.memory_space<hbm>>) target_semaphore(%run_scoped3A_173 : memref<!tpu.dma_semaphore, #tpu.memory_space<semaphore_mem>>)
        tpu.wait_dma2 semaphore(%run_scoped3A_173 : memref<!tpu.dma_semaphore, #tpu.memory_space<semaphore_mem>>) src(%arg33 : memref<128xi32, #tpu.memory_space<vmem>>) dst(%arg7 : memref<128xi32, #tpu.memory_space<hbm>>)
        tpu.yield
      }) : () -> ()
      "tpu.region"() ({
        %run_scoped3A_173 = tpu.sem_alloc : memref<!tpu.dma_semaphore, #tpu.memory_space<semaphore_mem>>
        tpu.enqueue_dma source(%arg34 : memref<16xi32, #tpu.memory_space<vmem>>) target(%arg8 : memref<16xi32, #tpu.memory_space<hbm>>) target_semaphore(%run_scoped3A_173 : memref<!tpu.dma_semaphore, #tpu.memory_space<semaphore_mem>>)
        tpu.wait_dma2 semaphore(%run_scoped3A_173 : memref<!tpu.dma_semaphore, #tpu.memory_space<semaphore_mem>>) src(%arg34 : memref<16xi32, #tpu.memory_space<vmem>>) dst(%arg8 : memref<16xi32, #tpu.memory_space<hbm>>)
        tpu.yield
      }) : () -> ()
    } else {
    }
    return
  }
}

</mosaic_0001>

<sc_bundles>
// kernel: kernel.3.cloned.1.call-start
scs
__scs_entry_jumppad:
0x0: {  	(pc) =	sbr.rel $0x88, $3  }
0x1: {  	(tag) =	ssettag $0x0;
	lr =	simm.s32 $0x1  }
0x2: {  	[smem:$0x3F9F] =	sst lr;
	_ =	strace $0xD0000000  }
0x3: {  	_ = 	snop  }
0x4: {  	_ = 	snop  }
0x5: {  	_ = 	snop  }
0x6: {  	_ = 	snop  }
0x7: {  	_ = 	snop  }
__scs_overlays_trampoline_lowered:
0x8: {  	[smem:$0x3FAE] =	sst s0  }
0x9: {  	[smem:$0x3FAF] =	sst s1  }
0xa: {  	[smem:$0x3FB0] =	sst s2  }
0xb: {  	[smem:$0x3FB1] =	sst s3  }
0xc: {  	[smem:$0x3FB2] =	sst s4  }
0xd: {  	[smem:$0x3FB3] =	sst s5  }
0xe: {  	[smem:$0x3FB4] =	sst s6  }
0xf: {  	[smem:$0x3FB5] =	sst s7  }
0x10: {  	[smem:$0x3FB6] =	sst s8  }
0x11: {  	[smem:$0x3FB7] =	sst s9;
	s0 =	simm.s32 @!p0 $0x0  }
0x12: {  	s1 =	sld [smem:$0x3F9D];
	s0 =	simm.s32 @p0 $0x1  }
0x13: {  	[smem:$0x3FB8] =	sst s0;
	s0 =	simm.s32 @!p1 $0x0  }
0x14: {  	s2 =	sld [smem:$0x3F9C];
	s0 =	simm.s32 @p1 $0x1  }
0x15: {  	[smem:$0x3FB9] =	sst s0;
	s0 =	simm.s32 @!p2 $0x0  }
0x16: {  	s3 =	sld [smem:$0x3FDB];
	s0 =	simm.s32 @p2 $0x1  }
0x17: {  	s4 =	simm.s32 $0x1BF5;
	[smem:$0x3FBB] =	sst s0  }
0x18: {  	s0 =	sld [smem:$0x3F9E];
	_ =	swait.ge [sflag:s4], $0x0  }
0x19: {  	s7 =	sld [smem:$0x3F9F]  }
0x1a: {  	s8 =	sadd.s32 $0xFFFFE003, lr  }
0x1b: {  	s9 =	sadd.s32 $0xFFFFFEF7, lr;
	s5 =	simm.s32 $0xFFFFFFFF;
	p2 =	slt.u32 s8, $0xFFFFF086  }
0x1c: {  	p1 =	slt.u32 s9, $0xF7A;
	s5 =	simm.s32 @!p2 $0x0  }
0x1d: {  	s5 =	simm.s32 @p1 $0x1;
	p0 =	seq.s32 s7, s2  }
0x1e: {  	s7 =	smul.u32 @!p0 $0xF7A, s2;
	p2 =	seq.s32 @!p0 s5, $0x0  }
0x1f: {  	s9 =	smul.u32 $0xF7A, s1;
	s8 =	simm.s32 @!p0 $0x1BF5;
	p2 =	por !p2, p0  }
0x20: {  	[sflag:s8] =	ssyncset.s32 @!p0 $0xFFFFF086;
	s6 =	sadd.s32 @!p0 s3, s7;
	s7 =	simm.s32 @!p0 $0x108  }
0x21: {  	s3 =	sadd.s32 s3, s9;
	s6 =	sadd.s32 @!p0 $0x88, s6;
	s7 =	simm.s32 @p2 $0x1082  }
0x22: {  	[simem:s7], [sflag:s8] =	dma.local @!p0 [hbm:s6], $0xF7A  }
0x23: {  	s9 =	sor.u32 $0xD0000000, s2;
	s6 =	simm.s32 $0x108;
	_ =	swait.ge @!p0 [sflag:s8], $0x0  }
0x24: {  	s3 =	sadd.s32 $0x88, s3;
	s6 =	simm.s32 @!p1 $0x1082;
	[sflag:s4] =	ssyncset.s32 $0xFFFFF086  }
0x25: {  	[simem:s6], [sflag:s4] =	dma.local [hbm:s3], $0xF7A  }
0x26: {  	[smem:$0x3F9F] =	sst s1;
	(tag) =	ssettag s2;
	_ =	strace s9  }
0x27: {  	s1 =	sld [smem:$0x3FAF]  }
0x28: {  	s2 =	sld [smem:$0x3FB0]  }
0x29: {  	s4 =	sld [smem:$0x3FB2]  }
0x2a: {  	p0 =	seq.s32 s5, $0x0;
	s5 =	sld [smem:$0x3FB3]  }
0x2b: {  	s6 =	sld [smem:$0x3FB4]  }
0x2c: {  	s7 =	sld [smem:$0x3FB5]  }
0x2d: {  	s3 =	simm.s32 $0x108;
	s8 =	sld [smem:$0x3FB6]  }
0x2e: {  	s3 =	simm.s32 @!p0 $0x1082;
	s9 =	sld [smem:$0x3FB7]  }
0x2f: {  	lr =	sadd.s32 s0, s3;
	s0 =	sld [smem:$0x3FAE]  }
0x30: {  	s3 =	sld [smem:$0x3FB1]  }
0x31: {  	[smem:$0x3FBA] =	sst s10  }
0x32: {  	s10 =	sld [smem:$0x3FB8];
	_ =	sdelay $0x3  }
0x33: {  	p0 =	seq.s32 s10, $0x1;
	s10 =	sld [smem:$0x3FBA];
	_ =	sdelay $0x3  }
0x34: {  	[smem:$0x3FBA] =	sst s10  }
0x35: {  	s10 =	sld [smem:$0x3FB9];
	_ =	sdelay $0x3  }
0x36: {  	p1 =	seq.s32 s10, $0x1;
	s10 =	sld [smem:$0x3FBA];
	_ =	sdelay $0x3  }
0x37: {  	[smem:$0x3FBA] =	sst s10  }
0x38: {  	s10 =	sld [smem:$0x3FBB]  }
0x39: {  	_ = 	snop;
	(pc) =	sbr.ind lr, $3  }
0x3a: {  	_ = 	snop  }
0x3b: {  	_ = 	snop  }
0x3c: {  	p2 =	seq.s32 s10, $0x1;
	s10 =	sld [smem:$0x3FBA]  }
0x3d: {  	_ =	shalt  }
0x3e: {  	_ =	shalt  }
0x3f: {  	_ =	shalt  }
0x40: {  	_ =	shalt  }
0x41: {  	_ =	shalt  }
0x42: {  	_ =	shalt  }
0x43: {  	_ =	shalt  }
0x44: {  	_ =	shalt  }
0x45: {  	_ =	shalt  }
0x46: {  	_ =	shalt  }
0x47: {  	_ =	shalt  }
0x48: {  	_ =	shalt  }
0x49: {  	_ =	shalt  }
0x4a: {  	_ =	shalt  }
0x4b: {  	_ =	shalt  }
0x4c: {  	_ =	shalt  }
0x4d: {  	_ =	shalt  }
0x4e: {  	_ =	shalt  }
0x4f: {  	_ =	shalt  }
0x50: {  	_ =	shalt  }
0x51: {  	_ =	shalt  }
0x52: {  	_ =	shalt  }
0x53: {  	_ =	shalt  }
0x54: {  	_ =	shalt  }
0x55: {  	_ =	shalt  }
0x56: {  	_ =	shalt  }
0x57: {  	_ =	shalt  }
0x58: {  	_ =	shalt  }
0x59: {  	_ =	shalt  }
0x5a: {  	_ =	shalt  }
0x5b: {  	_ =	shalt  }
0x5c: {  	_ =	shalt  }
0x5d: {  	_ =	shalt  }
0x5e: {  	_ =	shalt  }
0x5f: {  	_ =	shalt  }
0x60: {  	_ =	shalt  }
0x61: {  	_ =	shalt  }
0x62: {  	_ =	shalt  }
0x63: {  	_ =	shalt  }
0x64: {  	_ =	shalt  }
0x65: {  	_ =	shalt  }
0x66: {  	_ =	shalt  }
0x67: {  	_ =	shalt  }
0x68: {  	_ =	shalt  }
0x69: {  	_ =	shalt  }
0x6a: {  	_ =	shalt  }
0x6b: {  	_ =	shalt  }
0x6c: {  	_ =	shalt  }
0x6d: {  	_ =	shalt  }
0x6e: {  	_ =	shalt  }
0x6f: {  	_ =	shalt  }
0x70: {  	_ =	shalt  }
0x71: {  	_ =	shalt  }
0x72: {  	_ =	shalt  }
0x73: {  	_ =	shalt  }
0x74: {  	_ =	shalt  }
0x75: {  	_ =	shalt  }
0x76: {  	_ =	shalt  }
0x77: {  	_ =	shalt  }
0x78: {  	_ =	shalt  }
0x79: {  	_ =	shalt  }
0x7a: {  	_ =	shalt  }
0x7b: {  	_ =	shalt  }
0x7c: {  	_ =	shalt  }
0x7d: {  	_ =	shalt  }
0x7e: {  	_ =	shalt  }
0x7f: {  	_ =	shalt  }
0x80: {  	_ =	shalt  }
0x81: {  	_ =	shalt  }
0x82: {  	_ =	shalt  }
0x83: {  	_ =	shalt  }
0x84: {  	_ =	shalt  }
0x85: {  	_ =	shalt  }
0x86: {  	_ =	shalt  }
0x87: {  	_ =	shalt  }
.Lfunc_end0:
.L_simem_size_0:
called_computation_lowered:
.L_overlay_start_0:
0x88: {  	s2 =	sld [smem:$0x3FD9]  }
0x89: {  	s3 =	sld [smem:$0x3FFE];
	_ =	sdelay $0x1  }
0x8a: {  	s1 =	srdreg.scid  }
0x8b: {  	s0 =	sand.u32 $0x1, s1  }
0x8c: {  	s14 =	sshll.u32 s0, $0xA;
	s2 =	sadd.s32 s3, s2  }
0x8d: {  	s2 =	sadd.s32 s2, s14  }
0x8e: {  	[smem:$0x3FC6] =	sst s2  }
0x8f: {  	_ = 	snop  }
0x90: {  	s2 =	sld [smem:$0x3FD0];
	_ =	sdelay $0x2  }
0x91: {  	s15 =	simm.s32 $0xA;
	s4 =	simm.s32 $0x10  }
0x92: {  	[smem:s4], [sflag:s15] =	dma.local [hbm:s2], $0x1  }
0x93: {  	_ =	swait.eq [sflag:s15], $0x1  }
0x94: {  	[sflag:s15] =	ssyncset.done $0x0  }
0x95: {  	s16 =	sld [smem:$0x12];
	[sflag:s15] =	ssyncadd.s32 $0xFFFFFFFF  }
0x96: {  	s17 =	sld [smem:$0x13];
	(tm) =	ssettm $0x1  }
0x97: {  	s18 =	sld [smem:$0x3FFB];
	_ =	sdelay $0x3  }
0x98: {  	_ =	strace s18  }
0x99: {  	s4 =	sld [smem:$0x3FFC];
	_ =	sdelay $0x3  }
0x9a: {  	_ =	strace s4  }
0x9b: {  	s4 =	sld [smem:$0x3FFD];
	_ =	sdelay $0x3  }
0x9c: {  	_ =	strace s4  }
0x9d: {  	_ =	strace $0x8FFFFFFF  }
0x9e: {  	s19 =	sld [smem:$0x3FDB];
	_ =	sdelay $0x1  }
0x9f: {  	s5 =	simm.s32 $_scs_section_size  }
0xa0: {  	s6 =	simm.s32 $_size__tile_overlayer_lowered;
	s7 =	simm.s32 $_tile_overlayer_lowered  }
0xa1: {  	s22 =	simm.s32 $0x1BFF;
	s21 =	sshll.u32 s7, $0x1;
	s4 =	sadd.s32 s5, s19  }
0xa2: {  	s8 =	simm.s32 $0x0;
	s20 =	sshll.u32 s6, $0x1;
	s6 =	sadd.s32 s21, s4  }
0xa3: {  	[timem:s8], [sflag:s22] =	dma.local [hbm:s6], s20  }
0xa4: {  	_ =	swait.ge [sflag:s22], s20  }
0xa5: {  	s5 =	ssub.s32 $0x0, s20;
	[sflag:s22] =	ssyncset.done $0x0  }
0xa6: {  	[sflag:s22] =	ssyncadd.s32 s5;
	_ =	sdelay $0x1  }
0xa7: {  	s23 =	simm.s32 $0x1B8B  }
0xa8: {  	_ =	swait.ge [sflag:s23], $0x1  }
0xa9: {  	[sflag:s23] =	ssyncset.done $0x0  }
0xaa: {  	s25 =	simm.s32 $0x1B8E;
	s24 =	sld [smem:$0x3FFE];
	[sflag:s23] =	ssyncadd.s32 $0xFFFFFFFF  }
0xab: {  	s26 =	simm.s32 $execute0_lowered;
	[smem:$0x3FD2] =	sst s25  }
0xac: {  	s6 =	sshll.u32 s26, $0x1;
	_ =	strace $0x80000046;
	[dreg:$0x1] =	wrdreg $0xFFFFFFFF  }
0xad: {  	s28 =	simm.s32 $_size_execute0_lowered;
	s4 =	sadd.s32 s4, s6;
	[dreg:$0x0] =	wrdreg $0x0  }
0xae: {  	s6 =	sshll.u32 s28, $0x1;
	[dreg:$0x2] =	wrdreg s4  }
0xaf: {  	[dreg:$0x3] =	wrdreg s6  }
0xb0: {  	[dreg:$0x4] =	wrdreg $0xC0  }
0xb1: {  	_ =	task [dreg:s8], $0x5FFFF  }
0xb2: {  	[dreg:$0x1] =	wrdreg $0xFFFFFFFF  }
0xb3: {  	[dreg:$0x0] =	wrdreg $0x60  }
0xb4: {  	[dreg:$0x2] =	wrdreg s24  }
0xb5: {  	[dreg:$0x3] =	wrdreg s16  }
0xb6: {  	[dreg:$0x4] =	wrdreg s17  }
0xb7: {  	[dreg:$0x5] =	wrdreg $0x0  }
0xb8: {  	[dreg:$0x6] =	wrdreg $0x64000  }
0xb9: {  	[dreg:$0x7] =	wrdreg $0x64700  }
0xba: {  	[dreg:$0x8] =	wrdreg $0x64E00  }
0xbb: {  	[dreg:$0x9] =	wrdreg $0x9  }
0xbc: {  	_ =	task.clear_ibuf [dreg:s8], $0xAFFFF;
	_ =	strace $0x90000046  }
0xbd: {  	s29 =	simm.s32 $0x9;
	_ =	strace $0x80000048  }
0xbe: {  	_ =	swait.ge [sflag:s29], $0x1  }
0xbf: {  	[sflag:s29] =	ssyncadd.s32 $0xFFFFFFFF  }
0xc0: {  	_ =	strace $0x90000048  }
0xc1: {  	_ =	sfence  }
0xc2: {  	s30 =	sld [smem:$0x0];
	_ =	sdelay $0x2  }
0xc3: {  	s31 =	sshll.u32 s1, $0xD;
	s1 =	sshrl.u32 s1, $0x2  }
0xc4: {  	s3 =	sand.u32 $0x4000, s31;
	s1 =	sadd.s32 s1, s30  }
0xc5: {  	s0 =	sor.u32 s3, s0;
	s1 =	sshll.u32 s1, $0x11  }
0xc6: {  	s0 =	sor.u32 s1, s0  }
0xc7: {  	s0 =	sadd.s32 $0x8F2B, s0  }
0xc8: {  	[sflag:s0] =	ssyncadd.remote.s32 $0x1  }
0xc9: {  	_ =	sfence.sel $0xFFFF  }
0xca: {  	[dreg:$0x0] =	wrdreg $0xFFFFFFFF;
	(pc) =	sbr.abs _section_cstart, $3  }
0xcb: {  	[dreg:$0x1] =	wrdreg $0xFFFFFFFF  }
0xcc: {  	_ =	task.clear_ibuf [dreg:s8], $0x2FFFF;
	_ =	strace $0x9FFFFFFF  }
0xcd: {  	(tm) =	ssettm $0x7FFFFFFF  }
tec
execute0_lowered:
.L_overlay_start_1:
0x0: {  	(tag) =	ssettag $0x1  }
0x1: {  	s1 =	rddreg [dreg:$0x0]  }
0x2: {  	s0 =	rddreg [dreg:$0x1]  }
0x3: {  	s4 =	rddreg [dreg:$0x3]  }
0x4: {  	s11 =	rddreg [dreg:$0x4]  }
0x5: {  	s12 =	rddreg [dreg:$0x5]  }
0x6: {  	s13 =	rddreg [dreg:$0x6];
	s10 =	stileid.u32;
	s8 =	simm.s32 $0x0  }
0x7: {  	s5 =	srdreg.scid;
	s30 =	simm.s32 $0xCAD0;
	s31 =	simm.s32 $0xD250  }
0x8: {  	s2 =	smul.u32 $0x6400, s10;
	[smem:$0x7FF] =	sst s8;
	s6 =	sadd.s32 $0xA00, s1  }
0x9: {  	s5 =	sand.u32 $0x1, s5;
	s22 =	sadd.s32 $0xD800, s1;
	s23 =	sadd.s32 $0xDA00, s1  }
0xa: {  	s7 =	sadd.s32 $0xDC00, s1;
	_ =	strace $0x80000047;
	[dreg:$0x8] =	wrdreg s6  }
0xb: {  	s9 =	smul.u32 $0x70, s10;
	s26 =	sadd.s32 $0xCF80, s1;
	[dreg:$0x9] =	wrdreg s22  }
0xc: {  	s29 =	sadd.s32 $0xD810, s1;
	s20 =	sadd.s32 $0xD820, s1;
	[dreg:$0xa] =	wrdreg s23  }
0xd: {  	s21 =	sadd.s32 $0xD830, s1;
	p2 =	seq.s32 s10, $0xF;
	[dreg:$0xb] =	wrdreg s7  }
0xe: {  	s24 =	ssub.s32 $0x2, s5;
	[dreg:$0xd] =	wrdreg s26;
	s28 =	sor.u32 s10, s5  }
0xf: {  	[dreg:$0xe] =	wrdreg s29;
	p0 =	sne.s32 s5, $0x0;
	s23 =	simm.s32 $0x14450  }
0x10: {  	s5 =	simm.s32 $0xE050;
	s7 =	simm.s32 $0x0;
	s3 =	sshrl.u32 s2, $0x3  }
0x11: {  	s25 =	sshrl.u32 s24, $0x1;
	s15 =	sadd.s32 s2, s4;
	s16 =	sadd.s32 s9, s11  }
0x12: {  	v0 =	vlaneseq.u32;
	v7 =	vimm.f32 $0.0e+00;
	v10 =	vimm.s32 $0x3020100;
	s17 =	sadd.s32 s9, s12;
	s18 =	sadd.s32 s9, s13;
	p1 =	sne.s32 s28, $0x0  }
.Ltmp0:
0x13: {  	v11 =	vimm.s32 $0xFFFFFFFF;
	vm0 =	vcmask $0x1300;
	v6 =	vmov s2;
	s2 =	simm.s32 $0xD950;
	s3 =	sadd.s32 s3, s1;
	(pc) =	sbr.rel .LBB2_1-.Ltmp0, $4  }
0x14: {  	v1 =	vor.u32 $0x80000060, v0;
	v2 =	vor.u32 $0x80000050, v0;
	v3 =	vor.u32 $0x80000040, v0;
	s6 =	ssub.s32 s24, s25;
	s24 =	simm.s32 $0x1;
	s1 =	simm.s32 @!p2 $0x0  }
0x15: {  	v4 =	vor.u32 $0x80000030, v0;
	v5 =	vor.u32 $0x80000020, v0;
	v13 =	vunpack.c.0.s8.s32 v10;
	s25 =	simm.s32 $0x6550;
	s3 =	sadd.s32 $0x1400, s3;
	s22 =	smax.u32 s6, $0x1  }
0x16: {  	v8 =	vmul.u32 $0x10, v0;
	v9 =	vor.u32 $0x80000010, v0;
	v10 =	vimm.s32 $0x0;
	s1 =	simm.s32 @p2 $0x1;
	s6 =	simm.s32 $0xEE50;
	[dreg:$0xc] =	wrdreg s3  }
0x17: {  	v12 =	vor.u32 $0x80000000, v0;
	v13 =	vnsel vm0, $0x0, v13;
	vm0 =	vcmask $0x300;
	[smem:$0x7FD] =	sst s1;
	s1 =	simm.s32 $0xE750;
	s3 =	simm.s32 $0xEF50  }
.LBB2_12:
.Ltmp1:
0x18: {  	(pc) =	sbr.rel @!p1 .LBB2_13-.Ltmp1, $2  }
0x19: {  	_ =	sdelay $0x1  }
0x1a: {  	[bflag:$0x0] =	sbarrier.arrive $0xFFFF;
	_ =	sdelay $0x1  }
.LBB2_43:
0x1b: {  	s7 =	sadd.s32 $0x1, s7  }
0x1c: {  	p2 =	sne.s32 s7, s22  }
.Ltmp2:
0x1d: {  	_ = 	snop;
	(pc) =	sbr.rel @!p2 .LBB2_44-.Ltmp2, $1  }
0x1e: {  	_ =	sdelay $0x3  }
.LBB2_1:
0x1f: {  	[tilespmem:s23], [sflag:$0x1] =	stream.linear.gather [hbm4b:s0+s8], $0x1, $0x38;
	[tilespmem:$0x144D0] =	vst v63  }
.Ltmp3:
0x20: {  	_ = 	snop;
	(pc) =	sbr.rel @p0 .LBB2_12-.Ltmp3, $4  }
0x21: {  	_ =	swait.ge [sflag:s24], $0x1  }
0x22: {  	[sflag:s24] =	ssyncset.done $0x0  }
0x23: {  	[sflag:s24] =	ssyncadd.s32 $0xFFFFFFFF  }
0x24: {  	v14 =	vld [tilespmem:$0x14450]  }
0x25: {  	s9 =	sld [smem:$0x7FD];
	_ =	sdelay $0x2  }
0x26: {  	p2 =	seq.s32 s9, $0x1  }
.Ltmp4:
0x27: {  	_ = 	snop;
	(pc) =	sbr.rel @!p2 .LBB2_3-.Ltmp4, $1  }
0x28: {  	_ =	sdelay $0x3  }
0x29: {  	s9 =	simm.s32 $0x0;
	s10 =	rddreg [dreg:$0xd]  }
0x2a: {  	[tilespmem:s25], [sflag:$0x1] =	stream.linear.gather [hbm4b:s10+s9], $0x3E80, $0x38;
	[tilespmem:$0x144D0] =	vst v63  }
0x2b: {  	_ =	swait.ge [sflag:s24], $0x3E80  }
0x2c: {  	[sflag:s24] =	ssyncset.done $0x0  }
0x2d: {  	s9 =	simm.s32 $0x0;
	s10 =	simm.s32 $0x200;
	[sflag:s24] =	ssyncadd.s32 $0xFFFFC180  }
.LBB2_5:
0x2e: {  	p2 =	sne.s32 s10, $0x9400;
	[tilespmem:s9+$0xA440] =	vst v7  }
0x2f: {  	[tilespmem:s9+$0xA3D0] =	vst v7  }
0x30: {  	[tilespmem:s9+$0xA3E0] =	vst v7  }
.Ltmp5:
0x31: {  	[tilespmem:s9+$0xA3F0] =	vst v7;
	(pc) =	sbr.rel @p2 .LBB2_5-.Ltmp5, $4  }
0x32: {  	[tilespmem:s9+$0xA400] =	vst v7  }
0x33: {  	[tilespmem:s9+$0xA410] =	vst v7  }
0x34: {  	[tilespmem:s9+$0xA420] =	vst v7  }
0x35: {  	[tilespmem:s9+$0xA430] =	vst v7;
	s9 =	sshra.s32 s10, $0x2;
	s10 =	sadd.s32 $0x200, s10  }
0x36: {  	[tilespmem:s9+$0xA440] =	vst v7  }
0x37: {  	[tilespmem:s9+$0xA3D0] =	vst v7  }
0x38: {  	[tilespmem:s9+$0xA3E0] =	vst v7  }
.Ltmp6:
0x39: {  	[tilespmem:s9+$0xA3F0] =	vst v7;
	(pc) =	sbr.rel .LBB2_7-.Ltmp6, $4  }
0x3a: {  	[tilespmem:s9+$0xA400] =	vst v7  }
0x3b: {  	[tilespmem:s9+$0xA410] =	vst v7  }
0x3c: {  	[tilespmem:s9+$0xA420] =	vst v7  }
0x3d: {  	[tilespmem:s9+$0xA430] =	vst v7  }
.LBB2_13:
0x3e: {  	s9 =	rddreg [dreg:$0x4]  }
0x3f: {  	[tilespmem:s30], [sflag:$0x1] =	stream.linear.gather [spmem:s9], $0x700, $0x38;
	[tilespmem:$0x144D0] =	vst v63  }
0x40: {  	_ =	swait.ge [sflag:s24], $0x700  }
0x41: {  	[sflag:s24] =	ssyncset.done $0x0  }
0x42: {  	[sflag:s24] =	ssyncadd.s32 $0xFFFFF900  }
0x43: {  	s14 =	rddreg [dreg:$0x5]  }
0x44: {  	[tilespmem:s31], [sflag:$0x1] =	stream.linear.gather [spmem:s14], $0x700, $0x38;
	[tilespmem:$0x144D0] =	vst v63  }
0x45: {  	_ =	swait.ge [sflag:s24], $0x700  }
0x46: {  	[sflag:s24] =	ssyncset.done $0x0  }
0x47: {  	[sflag:s24] =	ssyncadd.s32 $0xFFFFF900  }
0x48: {  	s26 =	simm.s32 $0x0;
	s19 =	rddreg [dreg:$0x6]  }
0x49: {  	[tilespmem:s1], [sflag:$0x1] =	stream.linear.gather [spmem:s19], $0x700, $0x38;
	[tilespmem:$0x144D0] =	vst v63  }
0x4a: {  	v15 =	vmov s26;
	_ =	swait.ge [sflag:s24], $0x700  }
0x4b: {  	v15 =	vshll.u32 v15, $0x4;
	[sflag:s24] =	ssyncset.done $0x0  }
0x4c: {  	v15 =	vor.u32 v8, v15;
	s10 =	rddreg [dreg:$0x8];
	[sflag:s24] =	ssyncadd.s32 $0xFFFFF900  }
0x4d: {  	v16 =	vor.u32 $0x1, v15;
	[tilespmem:s3], [sflag:$0x1] =	stream.linear.gather [hbm4b:s10+s26], $0x4E80, $0x38;
	[tilespmem:$0x144D0] =	vst v63  }
0x4e: {  	v17 =	vor.u32 $0x2, v15;
	_ =	swait.ge [sflag:s24], $0x4E80  }
0x4f: {  	v18 =	vor.u32 $0x3, v15;
	[sflag:s24] =	ssyncset.done $0x0  }
0x50: {  	v19 =	vor.u32 $0x4, v15;
	[sflag:s24] =	ssyncadd.s32 $0xFFFFB180  }
0x51: {  	v21 =	vor.u32 $0x5, v15;
	v20 =	vld.idx.msk [tilespmem:v15+s30+$0x0], $0xffff  }
0x52: {  	v22 =	vor.u32 $0x6, v15;
	v16 =	vld.idx.msk [tilespmem:v16+s30+$0x0], $0xffff  }
0x53: {  	v23 =	vor.u32 $0x7, v15;
	v17 =	vld.idx.msk [tilespmem:v17+s30+$0x0], $0xffff  }
0x54: {  	v14 =	vbroadcast v14, $0x0;
	v24 =	vor.u32 $0x8, v15;
	v18 =	vld.idx.msk [tilespmem:v18+s30+$0x0], $0xffff  }
0x55: {  	v25 =	vor.u32 $0x9, v15;
	v19 =	vld.idx.msk [tilespmem:v19+s30+$0x0], $0xffff  }
0x56: {  	v26 =	vor.u32 $0xA, v15;
	v21 =	vld.idx.msk [tilespmem:v21+s30+$0x0], $0xffff;
	v20 =	vmax.f32 v14, v20  }
0x57: {  	v27 =	vor.u32 $0xB, v15;
	v22 =	vld.idx.msk [tilespmem:v22+s30+$0x0], $0xffff;
	v16 =	vmax.f32 v20, v16  }
0x58: {  	v20 =	vld.idx.msk [tilespmem:v23+s30+$0x0], $0xffff;
	v23 =	vor.u32 $0xC, v15;
	v16 =	vmax.f32 v16, v17  }
0x59: {  	v57 =	vor.u32 $0xD, v15;
	v17 =	vld.idx.msk [tilespmem:v24+s30+$0x0], $0xffff;
	v16 =	vmax.f32 v16, v18  }
0x5a: {  	v58 =	vor.u32 $0xE, v15;
	v18 =	vld.idx.msk [tilespmem:v25+s30+$0x0], $0xffff;
	v16 =	vmax.f32 v16, v19  }
0x5b: {  	v15 =	vor.u32 $0xF, v15;
	v19 =	vld.idx.msk [tilespmem:v26+s30+$0x0], $0xffff;
	v16 =	vmax.f32 v16, v21  }
0x5c: {  	v21 =	vld.idx.msk [tilespmem:v27+s30+$0x0], $0xffff;
	v16 =	vmax.f32 v16, v22  }
0x5d: {  	v22 =	vld.idx.msk [tilespmem:v23+s30+$0x0], $0xffff;
	v16 =	vmax.f32 v16, v20  }
0x5e: {  	v20 =	vld.idx.msk [tilespmem:v57+s30+$0x0], $0xffff;
	v16 =	vmax.f32 v16, v17  }
0x5f: {  	s28 =	simm.s32 $0x10;
	v17 =	vld.idx.msk [tilespmem:v58+s30+$0x0], $0xffff;
	v16 =	vmax.f32 v16, v18  }
0x60: {  	v15 =	vld.idx.msk [tilespmem:v15+s30+$0x0], $0xffff;
	v18 =	vmov s28;
	v16 =	vmax.f32 v16, v19  }
0x61: {  	v18 =	vshll.u32 v18, $0x4;
	v16 =	vmax.f32 v16, v21  }
0x62: {  	v18 =	vor.u32 v8, v18;
	v16 =	vmax.f32 v16, v22  }
0x63: {  	v19 =	vor.u32 $0x1, v18;
	v16 =	vmax.f32 v16, v20  }
0x64: {  	v20 =	vor.u32 $0x2, v18;
	v16 =	vmax.f32 v16, v17  }
0x65: {  	s13 =	simm.s32 $0xD1D0;
	v17 =	vor.u32 $0x3, v18;
	v15 =	vmax.f32 v16, v15  }
0x66: {  	v16 =	vor.u32 $0x4, v18;
	[tilespmem:s13+$0x0] =	vst v15  }
0x67: {  	v21 =	vor.u32 $0x5, v18;
	v15 =	vld.idx.msk [tilespmem:v18+s30+$0x0], $0xffff  }
0x68: {  	v22 =	vor.u32 $0x6, v18;
	v19 =	vld.idx.msk [tilespmem:v19+s30+$0x0], $0xffff  }
0x69: {  	v23 =	vor.u32 $0x7, v18;
	v20 =	vld.idx.msk [tilespmem:v20+s30+$0x0], $0xffff  }
0x6a: {  	v59 =	vor.u32 $0x8, v18;
	v17 =	vld.idx.msk [tilespmem:v17+s30+$0x0], $0xffff  }
0x6b: {  	v60 =	vor.u32 $0x9, v18;
	v16 =	vld.idx.msk [tilespmem:v16+s30+$0x0], $0xffff  }
0x6c: {  	v61 =	vor.u32 $0xA, v18;
	v21 =	vld.idx.msk [tilespmem:v21+s30+$0x0], $0xffff;
	v15 =	vmax.f32 v14, v15  }
0x6d: {  	v62 =	vor.u32 $0xB, v18;
	v22 =	vld.idx.msk [tilespmem:v22+s30+$0x0], $0xffff;
	v15 =	vmax.f32 v15, v19  }
0x6e: {  	v19 =	vld.idx.msk [tilespmem:v23+s30+$0x0], $0xffff;
	v23 =	vor.u32 $0xC, v18;
	v15 =	vmax.f32 v15, v20  }
0x6f: {  	v63 =	vor.u32 $0xD, v18;
	v20 =	vld.idx.msk [tilespmem:v59+s30+$0x0], $0xffff;
	v15 =	vmax.f32 v15, v17  }
0x70: {  	v28 =	vor.u32 $0xE, v18;
	v25 =	vld.idx.msk [tilespmem:v60+s30+$0x0], $0xffff;
	v15 =	vmax.f32 v15, v16  }
0x71: {  	v29 =	vor.u32 $0xF, v18;
	v26 =	vld.idx.msk [tilespmem:v61+s30+$0x0], $0xffff;
	v16 =	vmax.f32 v15, v21  }
0x72: {  	v15 =	vld.idx.msk [tilespmem:v62+s30+$0x0], $0xffff;
	v17 =	vmax.f32 v16, v22  }
0x73: {  	v16 =	vld.idx.msk [tilespmem:v23+s30+$0x0], $0xffff;
	v18 =	vmax.f32 v17, v19  }
0x74: {  	v17 =	vld.idx.msk [tilespmem:v63+s30+$0x0], $0xffff;
	v19 =	vmax.f32 v18, v20  }
0x75: {  	s29 =	simm.s32 $0x20;
	v18 =	vld.idx.msk [tilespmem:v28+s30+$0x0], $0xffff;
	v21 =	vmax.f32 v19, v25  }
0x76: {  	s9 =	simm.s32 $0x30;
	v20 =	vmov s29;
	v19 =	vld.idx.msk [tilespmem:v29+s30+$0x0], $0xffff;
	v21 =	vmax.f32 v21, v26  }
.LBB2_14:
0x77: {  	p3 =	sne.s32 s9, $0x60;
	v20 =	vshll.u32 v20, $0x4;
	v15 =	vmax.f32 v21, v15  }
0x78: {  	v20 =	vor.u32 v8, v20;
	v15 =	vmax.f32 v15, v16  }
0x79: {  	v16 =	vor.u32 $0x1, v20;
	v15 =	vmax.f32 v15, v17  }
0x7a: {  	v17 =	vor.u32 $0x2, v20;
	v15 =	vmax.f32 v15, v18  }
0x7b: {  	s13 =	sadd.s32 $0x10, s13;
	v18 =	vor.u32 $0x3, v20;
	v15 =	vmax.f32 v15, v19  }
0x7c: {  	v19 =	vor.u32 $0x4, v20;
	[tilespmem:s13+$0x0] =	vst v15  }
0x7d: {  	v21 =	vor.u32 $0x5, v20;
	v15 =	vld.idx.msk [tilespmem:v20+s30+$0x0], $0xffff  }
0x7e: {  	v22 =	vor.u32 $0x6, v20;
	v16 =	vld.idx.msk [tilespmem:v16+s30+$0x0], $0xffff  }
0x7f: {  	v23 =	vor.u32 $0x7, v20;
	v17 =	vld.idx.msk [tilespmem:v17+s30+$0x0], $0xffff  }
0x80: {  	v24 =	vor.u32 $0x8, v20;
	v18 =	vld.idx.msk [tilespmem:v18+s30+$0x0], $0xffff  }
0x81: {  	v25 =	vor.u32 $0x9, v20;
	v19 =	vld.idx.msk [tilespmem:v19+s30+$0x0], $0xffff  }
0x82: {  	v26 =	vor.u32 $0xA, v20;
	v21 =	vld.idx.msk [tilespmem:v21+s30+$0x0], $0xffff  }
0x83: {  	v27 =	vor.u32 $0xB, v20;
	v15 =	vmax.f32 v14, v15;
	v22 =	vld.idx.msk [tilespmem:v22+s30+$0x0], $0xffff  }
0x84: {  	v15 =	vmax.f32 v15, v16;
	v16 =	vor.u32 $0xC, v20;
	v23 =	vld.idx.msk [tilespmem:v23+s30+$0x0], $0xffff  }
0x85: {  	v15 =	vmax.f32 v15, v17;
	v17 =	vor.u32 $0xD, v20;
	v24 =	vld.idx.msk [tilespmem:v24+s30+$0x0], $0xffff  }
0x86: {  	v15 =	vmax.f32 v15, v18;
	v18 =	vor.u32 $0xE, v20;
	v25 =	vld.idx.msk [tilespmem:v25+s30+$0x0], $0xffff  }
0x87: {  	v15 =	vmax.f32 v15, v19;
	v19 =	vor.u32 $0xF, v20;
	v26 =	vld.idx.msk [tilespmem:v26+s30+$0x0], $0xffff  }
0x88: {  	v20 =	vmax.f32 v15, v21;
	v15 =	vld.idx.msk [tilespmem:v27+s30+$0x0], $0xffff  }
.Ltmp7:
0x89: {  	v20 =	vmax.f32 v20, v22;
	v16 =	vld.idx.msk [tilespmem:v16+s30+$0x0], $0xffff;
	(pc) =	sbr.rel @p3 .LBB2_14-.Ltmp7, $4  }
0x8a: {  	v20 =	vmax.f32 v20, v23;
	v17 =	vld.idx.msk [tilespmem:v17+s30+$0x0], $0xffff  }
0x8b: {  	v20 =	vmax.f32 v20, v24;
	v18 =	vld.idx.msk [tilespmem:v18+s30+$0x0], $0xffff  }
0x8c: {  	v21 =	vmax.f32 v20, v25;
	v19 =	vld.idx.msk [tilespmem:v19+s30+$0x0], $0xffff  }
0x8d: {  	v20 =	vmov s9;
	s9 =	sadd.s32 $0x10, s9;
	v21 =	vmax.f32 v21, v26  }
0x8e: {  	v20 =	vshll.u32 v20, $0x4;
	v15 =	vmax.f32 v21, v15  }
0x8f: {  	v20 =	vor.u32 v8, v20;
	v15 =	vmax.f32 v15, v16  }
0x90: {  	v47 =	vor.u32 $0x1, v20;
	v15 =	vmax.f32 v15, v17  }
0x91: {  	v48 =	vor.u32 $0x2, v20;
	v15 =	vmax.f32 v15, v18  }
0x92: {  	s9 =	sadd.s32 $0x10, s13;
	v49 =	vor.u32 $0x3, v20;
	v15 =	vmax.f32 v15, v19  }
0x93: {  	v50 =	vor.u32 $0x4, v20;
	[tilespmem:s9+$0x0] =	vst v15  }
0x94: {  	v51 =	vor.u32 $0x5, v20;
	v15 =	vld.idx.msk [tilespmem:v20+s30+$0x0], $0xffff  }
0x95: {  	v22 =	vor.u32 $0x6, v20;
	v16 =	vld.idx.msk [tilespmem:v47+s30+$0x0], $0xffff  }
0x96: {  	v23 =	vor.u32 $0x7, v20;
	v17 =	vld.idx.msk [tilespmem:v48+s30+$0x0], $0xffff  }
0x97: {  	v24 =	vor.u32 $0x8, v20;
	v18 =	vld.idx.msk [tilespmem:v49+s30+$0x0], $0xffff  }
0x98: {  	v25 =	vor.u32 $0x9, v20;
	v19 =	vld.idx.msk [tilespmem:v50+s30+$0x0], $0xffff  }
0x99: {  	v26 =	vor.u32 $0xA, v20;
	v21 =	vld.idx.msk [tilespmem:v51+s30+$0x0], $0xffff;
	v15 =	vmax.f32 v14, v15  }
0x9a: {  	v27 =	vor.u32 $0xB, v20;
	v22 =	vld.idx.msk [tilespmem:v22+s30+$0x0], $0xffff;
	v15 =	vmax.f32 v15, v16  }
0x9b: {  	v53 =	vor.u32 $0xC, v20;
	v52 =	vld.idx.msk [tilespmem:v23+s30+$0x0], $0xffff;
	v15 =	vmax.f32 v15, v17  }
0x9c: {  	v55 =	vor.u32 $0xD, v20;
	v54 =	vld.idx.msk [tilespmem:v24+s30+$0x0], $0xffff;
	v15 =	vmax.f32 v15, v18  }
0x9d: {  	v57 =	vor.u32 $0xE, v20;
	v56 =	vld.idx.msk [tilespmem:v25+s30+$0x0], $0xffff;
	v15 =	vmax.f32 v15, v19  }
0x9e: {  	v20 =	vor.u32 $0xF, v20;
	v58 =	vld.idx.msk [tilespmem:v26+s30+$0x0], $0xffff;
	v15 =	vmax.f32 v15, v21  }
0x9f: {  	v59 =	vld.idx.msk [tilespmem:v27+s30+$0x0], $0xffff;
	v15 =	vmax.f32 v15, v22  }
0xa0: {  	v60 =	vld.idx.msk [tilespmem:v53+s30+$0x0], $0xffff;
	v15 =	vmax.f32 v15, v52  }
0xa1: {  	v61 =	vld.idx.msk [tilespmem:v55+s30+$0x0], $0xffff;
	v15 =	vmax.f32 v15, v54  }
0xa2: {  	v62 =	vld.idx.msk [tilespmem:v57+s30+$0x0], $0xffff;
	v15 =	vmax.f32 v15, v56  }
0xa3: {  	v63 =	vld.idx.msk [tilespmem:v20+s30+$0x0], $0xffff;
	v15 =	vmax.f32 v15, v58  }
0xa4: {  	v15 =	vmax.f32 v15, v59  }
0xa5: {  	v15 =	vmax.f32 v15, v60  }
0xa6: {  	v15 =	vmax.f32 v15, v61  }
0xa7: {  	v15 =	vmax.f32 v15, v62  }
0xa8: {  	s9 =	sadd.s32 $0x10, s9;
	v15 =	vmax.f32 v15, v63  }
0xa9: {  	[tilespmem:s9+$0x0] =	vst v15  }
0xaa: {  	[tilespmem:$0x142D0] =	vst v7  }
0xab: {  	[tilespmem:$0x14350] =	vst v10  }
0xac: {  	[tilespmem:$0x13DD0] =	vst v7  }
0xad: {  	[tilespmem:$0x13E50] =	vst v7  }
0xae: {  	[tilespmem:$0x13ED0] =	vst v7  }
0xaf: {  	[tilespmem:$0x13F50] =	vst v7  }
0xb0: {  	[tilespmem:$0x13FD0] =	vst v7  }
0xb1: {  	[tilespmem:$0x14050] =	vst v11  }
0xb2: {  	[tilespmem:$0xD950] =	vst v7  }
0xb3: {  	[tilespmem:$0xE050] =	vst v10  }
0xb4: {  	[tilespmem:$0x140D0] =	vst v7  }
0xb5: {  	[tilespmem:$0x14150] =	vst v7  }
0xb6: {  	[tilespmem:$0x141D0] =	vst v7  }
0xb7: {  	[tilespmem:$0x14250] =	vst v7  }
0xb8: {  	[tilespmem:$0x142E0] =	vst v7  }
0xb9: {  	[tilespmem:$0x14360] =	vst v10  }
0xba: {  	[tilespmem:$0x13DE0] =	vst v7  }
0xbb: {  	[tilespmem:$0x13E60] =	vst v7  }
0xbc: {  	[tilespmem:$0x13EE0] =	vst v7  }
0xbd: {  	[tilespmem:$0x13F60] =	vst v7  }
0xbe: {  	[tilespmem:$0x13FE0] =	vst v7  }
0xbf: {  	[tilespmem:$0x14060] =	vst v11  }
0xc0: {  	[tilespmem:$0xD960] =	vst v7  }
0xc1: {  	[tilespmem:$0xE060] =	vst v10  }
0xc2: {  	[tilespmem:$0x140E0] =	vst v7  }
0xc3: {  	[tilespmem:$0x14160] =	vst v7  }
0xc4: {  	[tilespmem:$0x141E0] =	vst v7  }
0xc5: {  	[tilespmem:$0x14260] =	vst v7  }
0xc6: {  	[tilespmem:$0x142F0] =	vst v7  }
0xc7: {  	[tilespmem:$0x14370] =	vst v10  }
0xc8: {  	[tilespmem:$0x13DF0] =	vst v7  }
0xc9: {  	[tilespmem:$0x13E70] =	vst v7  }
0xca: {  	[tilespmem:$0x13EF0] =	vst v7  }
0xcb: {  	[tilespmem:$0x13F70] =	vst v7  }
0xcc: {  	[tilespmem:$0x13FF0] =	vst v7  }
0xcd: {  	[tilespmem:$0x14070] =	vst v11  }
0xce: {  	[tilespmem:$0xD970] =	vst v7  }
0xcf: {  	[tilespmem:$0xE070] =	vst v10  }
0xd0: {  	[tilespmem:$0x140F0] =	vst v7  }
0xd1: {  	[tilespmem:$0x14170] =	vst v7  }
0xd2: {  	[tilespmem:$0x141F0] =	vst v7  }
0xd3: {  	[tilespmem:$0x14270] =	vst v7  }
0xd4: {  	[tilespmem:$0x14300] =	vst v7  }
0xd5: {  	[tilespmem:$0x14380] =	vst v10  }
0xd6: {  	[tilespmem:$0x13E00] =	vst v7  }
0xd7: {  	[tilespmem:$0x13E80] =	vst v7  }
0xd8: {  	[tilespmem:$0x13F00] =	vst v7  }
0xd9: {  	[tilespmem:$0x13F80] =	vst v7  }
0xda: {  	[tilespmem:$0x14000] =	vst v7  }
0xdb: {  	[tilespmem:$0x14080] =	vst v11  }
0xdc: {  	[tilespmem:$0xD980] =	vst v7  }
0xdd: {  	[tilespmem:$0xE080] =	vst v10  }
0xde: {  	[tilespmem:$0x14100] =	vst v7  }
0xdf: {  	[tilespmem:$0x14180] =	vst v7  }
0xe0: {  	[tilespmem:$0x14200] =	vst v7  }
0xe1: {  	[tilespmem:$0x14280] =	vst v7  }
0xe2: {  	[tilespmem:$0x14310] =	vst v7  }
0xe3: {  	[tilespmem:$0x14390] =	vst v10  }
0xe4: {  	[tilespmem:$0x13E10] =	vst v7  }
0xe5: {  	[tilespmem:$0x13E90] =	vst v7  }
0xe6: {  	[tilespmem:$0x13F10] =	vst v7  }
0xe7: {  	[tilespmem:$0x13F90] =	vst v7  }
0xe8: {  	[tilespmem:$0x14010] =	vst v7  }
0xe9: {  	[tilespmem:$0x14090] =	vst v11  }
0xea: {  	[tilespmem:$0xD990] =	vst v7  }
0xeb: {  	[tilespmem:$0xE090] =	vst v10  }
0xec: {  	[tilespmem:$0x14110] =	vst v7  }
0xed: {  	[tilespmem:$0x14190] =	vst v7  }
0xee: {  	[tilespmem:$0x14210] =	vst v7  }
0xef: {  	[tilespmem:$0x14290] =	vst v7  }
0xf0: {  	[tilespmem:$0x14320] =	vst v7  }
0xf1: {  	[tilespmem:$0x143A0] =	vst v10  }
0xf2: {  	[tilespmem:$0x13E20] =	vst v7  }
0xf3: {  	[tilespmem:$0x13EA0] =	vst v7  }
0xf4: {  	[tilespmem:$0x13F20] =	vst v7  }
0xf5: {  	[tilespmem:$0x13FA0] =	vst v7  }
0xf6: {  	[tilespmem:$0x14020] =	vst v7  }
0xf7: {  	[tilespmem:$0x140A0] =	vst v11  }
0xf8: {  	[tilespmem:$0xD9A0] =	vst v7  }
0xf9: {  	[tilespmem:$0xE0A0] =	vst v10  }
0xfa: {  	[tilespmem:$0x14120] =	vst v7  }
0xfb: {  	[tilespmem:$0x141A0] =	vst v7  }
0xfc: {  	[tilespmem:$0x14220] =	vst v7  }
0xfd: {  	[tilespmem:$0x142A0] =	vst v7  }
0xfe: {  	[tilespmem:$0x14330] =	vst v7  }
0xff: {  	[tilespmem:$0x143B0] =	vst v10  }
0x100: {  	[tilespmem:$0x13E30] =	vst v7  }
0x101: {  	[tilespmem:$0x13EB0] =	vst v7  }
0x102: {  	[tilespmem:$0x13F30] =	vst v7  }
0x103: {  	[tilespmem:$0x13FB0] =	vst v7  }
0x104: {  	[tilespmem:$0x14030] =	vst v7  }
0x105: {  	[tilespmem:$0x140B0] =	vst v11  }
0x106: {  	[tilespmem:$0xD9B0] =	vst v7  }
0x107: {  	[tilespmem:$0xE0B0] =	vst v10  }
0x108: {  	[tilespmem:$0x14130] =	vst v7  }
0x109: {  	[tilespmem:$0x141B0] =	vst v7  }
0x10a: {  	[tilespmem:$0x14230] =	vst v7  }
0x10b: {  	[tilespmem:$0x142B0] =	vst v7  }
0x10c: {  	[tilespmem:$0x14340] =	vst v7  }
0x10d: {  	[tilespmem:$0x143C0] =	vst v10  }
0x10e: {  	[tilespmem:$0x13E40] =	vst v7  }
0x10f: {  	[tilespmem:$0x13EC0] =	vst v7  }
0x110: {  	[tilespmem:$0x13F40] =	vst v7  }
0x111: {  	[tilespmem:$0x13FC0] =	vst v7  }
0x112: {  	[tilespmem:$0x14040] =	vst v7  }
0x113: {  	[tilespmem:$0x140C0] =	vst v11  }
0x114: {  	[tilespmem:$0xD9C0] =	vst v7  }
0x115: {  	[tilespmem:$0xE0C0] =	vst v10  }
0x116: {  	[tilespmem:$0x14140] =	vst v7  }
0x117: {  	[tilespmem:$0x141C0] =	vst v7  }
0x118: {  	[tilespmem:$0x14240] =	vst v7  }
0x119: {  	s10 =	simm.s32 $0x80;
	s9 =	simm.s32 $0x240;
	[tilespmem:$0x142C0] =	vst v7  }
.LBB2_16:
0x11a: {  	p2 =	sne.s32 s9, $0x1BC0;
	[tilespmem:s10+$0xD950] =	vst v7;
	s11 =	smov.u32 s9;
	s9 =	sadd.s32 $0x40, s9  }
.Ltmp8:
0x11b: {  	[tilespmem:s10+$0xE050] =	vst v10;
	(pc) =	sbr.rel @p2 .LBB2_16-.Ltmp8, $2  }
0x11c: {  	_ =	sdelay $0x2  }
0x11d: {  	s10 =	sshra.s32 s11, $0x2  }
0x11e: {  	[tilespmem:s10+$0xD950] =	vst v7  }
0x11f: {  	[tilespmem:s10+$0xE050] =	vst v10  }
0x120: {  	v15 =	vld [tilespmem:$0xD1D0]  }
0x121: {  	v16 =	vld [tilespmem:$0xD1E0]  }
0x122: {  	v17 =	vld [tilespmem:$0xD1F0]  }
0x123: {  	v18 =	vld [tilespmem:$0xD200]  }
0x124: {  	v19 =	vld [tilespmem:$0xD210]  }
0x125: {  	v20 =	vld [tilespmem:$0xD220]  }
0x126: {  	v21 =	vld [tilespmem:$0xD230];
	v22 =	vmax.f32 v15, v16  }
0x127: {  	v22 =	vmax.f32 v22, v17  }
0x128: {  	v22 =	vmax.f32 v22, v18  }
0x129: {  	v22 =	vmax.f32 v22, v19  }
0x12a: {  	v22 =	vmax.f32 v22, v20  }
0x12b: {  	v22 =	vmax.f32 v22, v21  }
0x12c: {  	(xrf0) =	vmax.scan.msk.f32 $0xffff, v22;
	_ =	sdelay $0x5  }
0x12d: {  	v22, _, _ =	vpop (xrf0)  }
0x12e: {  	(v2sf) =	vpush v22, $0xF;
	_ =	sdelay $0xe  }
0x12f: {  	s29 =	spop (v2sf)  }
0x130: {  	p2 =	sgt.f32 s29, $5.000000070e-02  }
.Ltmp9:
0x131: {  	_ = 	snop;
	(pc) =	sbr.rel @!p2 .LBB2_42-.Ltmp9, $2  }
0x132: {  	_ =	sdelay $0x2  }
0x133: {  	s26 =	simm.s32 $0x0  }
0x134: {  	v22 =	vbroadcast v22, $0xF;
	_ =	sdelay $0x1  }
0x135: {  	vm1 =	veq.f32 v21, v22  }
0x136: {  	vm2 =	veq.f32 v20, v22;
	v59 =	vnsel vm1, $0xC0000000, v1  }
0x137: {  	vm1 =	veq.f32 v19, v22;
	v60 =	vsel vm2, v2, v59  }
0x138: {  	vm2 =	veq.f32 v18, v22;
	v61 =	vsel vm1, v3, v60  }
0x139: {  	vm1 =	veq.f32 v17, v22;
	v62 =	vsel vm2, v4, v61  }
0x13a: {  	vm2 =	veq.f32 v16, v22;
	v63 =	vsel vm1, v5, v62  }
0x13b: {  	vm1 =	veq.f32 v15, v22;
	v15 =	vsel vm2, v9, v63  }
0x13c: {  	v15 =	vsel vm1, v12, v15  }
0x13d: {  	(xrf0) =	vmin.scan.msk.u32 $0xffff, v15;
	_ =	sdelay $0x5  }
0x13e: {  	v15, _, _ =	vpop (xrf0)  }
0x13f: {  	(v2sf) =	vpush v15, $0xF;
	_ =	sdelay $0xe  }
0x140: {  	s9 =	spop (v2sf)  }
0x141: {  	s9 =	sshll.u32 s9, $0x4  }
0x142: {  	v15 =	vld [tilespmem:s9+$0xCAD0];
	_ =	sdelay $0x4  }
0x143: {  	vm1 =	veq.f32 v15, v22;
	v15 =	vxor.u32 s9, v12  }
0x144: {  	v15 =	vnsel vm1, $0xC0000000, v15  }
0x145: {  	(xrf0) =	vmin.scan.msk.u32 $0xffff, v15;
	_ =	sdelay $0x5  }
0x146: {  	v15, _, _ =	vpop (xrf0)  }
0x147: {  	(v2sf) =	vpush v15, $0xF;
	_ =	sdelay $0xa  }
.Ltmp10:
0x148: {  	_ = 	snop;
	(pc) =	sbr.rel .LBB2_19-.Ltmp10, $2  }
0x149: {  	_ =	sdelay $0x2  }
0x14a: {  	s26 =	simm.s32 $0x0;
	s14 =	spop (v2sf)  }
.LBB2_3:
0x14b: {  	s9 =	rddreg [dreg:$0xc]  }
0x14c: {  	[tilespmem:s25], [sflag:$0x1] =	stream.linear.gather [hbm4b:s9+s8], $0x6400, $0x38;
	[tilespmem:$0x144D0] =	vst v63  }
0x14d: {  	_ =	swait.ge [sflag:s24], $0x6400  }
0x14e: {  	[sflag:s24] =	ssyncset.done $0x0  }
0x14f: {  	[sflag:s24] =	ssyncadd.s32 $0xFFFF9C00  }
.LBB2_7:
0x150: {  	[spmem:s15] =	stream.linear.scatter [tilespmem:s25], [sflag:$0x1], $0x6400, $0x38;
	[tilespmem:$0x144D0] =	vst v63  }
0x151: {  	_ =	swait.ge [sflag:s24], $0x6400  }
0x152: {  	[sflag:s24] =	ssyncset.done $0x0  }
0x153: {  	v15 =	vbroadcast v14, $0x0;
	s26 =	simm.s32 $0x0;
	s28 =	simm.s32 $0x0;
	[sflag:s24] =	ssyncadd.s32 $0xFFFF9C00  }
.LBB2_8:
0x154: {  	s29 =	sshll.u32 s28, $0x4  }
0x155: {  	v16 =	vor.u32 s29, v0  }
0x156: {  	vm1 =	vlt.u32 v16, $0x64;
	v16 =	vshll.u32 v16, $0x8  }
0x157: {  	v17 =	vnsel vm1, $0x0, v16  }
0x158: {  	v18 =	vor.u32 s26, v17;
	_ =	sdelay $0x1  }
0x159: {  	v19 =	vor.u32 $0x1, v18  }
0x15a: {  	v21 =	vimm.s32 $0x0  }
0x15b: {  	v16 =	vadd.s32 v6, v17;
	v20 =	vor.u32 $0x2, v18;
	v22 =	vor.u32 $0x3, v18  }
0x15c: {  	v24 =	vor.u32 $0x4, v18;
	v25 =	vor.u32 $0x5, v18;
	v26 =	vor.u32 $0x6, v18;
	v23 =	vld.idx.msk [tilespmem:v18+s25+$0x0], $0xffff  }
0x15d: {  	v27 =	vor.u32 $0x7, v18;
	v28 =	vor.u32 $0x8, v18;
	v29 =	vor.u32 $0x9, v18  }
0x15e: {  	v30 =	vor.u32 $0xA, v18;
	v31 =	vor.u32 $0xC, v18;
	v32 =	vor.u32 $0xD, v18;
	v19 =	vld.idx.msk [tilespmem:v19+s25+$0x0], $0xffff  }
0x15f: {  	v33 =	vor.u32 $0xE, v18;
	v34 =	vor.u32 $0xF, v18;
	v35 =	vadd.s32 s26, v16  }
0x160: {  	v36 =	vor.u32 $0xB, v18;
	v37 =	vor.u32 $0x2, v35;
	v39 =	vor.u32 $0x1, v35;
	v20 =	vld.idx.msk [tilespmem:v20+s25+$0x0], $0xffff  }
0x161: {  	v40 =	vor.u32 $0xC, v35;
	vm2 =	vgt.f32 v23, v15;
	v23 =	vmax.f32 v15, v23  }
0x162: {  	v62 =	vor.u32 $0xB, v35;
	v18 =	vor.u32 $0xF, v35;
	v22 =	vld.idx.msk [tilespmem:v22+s25+$0x0], $0xffff;
	v38 =	vsel vm2, v15, v23  }
0x163: {  	v24 =	vld.idx.msk [tilespmem:v24+s25+$0x0], $0xffff;
	v21 =	vsel vm2, v35, v21;
	vm2 =	vgt.f32 v19, v23;
	v38 =	vmax.f32 v38, v19  }
0x164: {  	v19 =	vmax.f32 v23, v19;
	v21 =	vsel vm2, v39, v21;
	v23 =	vsel vm2, v23, v38  }
0x165: {  	v25 =	vld.idx.msk [tilespmem:v25+s25+$0x0], $0xffff;
	vm3 =	vgt.f32 v20, v19;
	v23 =	vmax.f32 v23, v20;
	v20 =	vmax.f32 v19, v20  }
0x166: {  	v21 =	vsel vm3, v37, v21;
	v19 =	vsel vm3, v19, v23;
	v23 =	vor.u32 $0x3, v35  }
0x167: {  	vm2 =	vgt.f32 v22, v20;
	v19 =	vmax.f32 v19, v22;
	v22 =	vmax.f32 v20, v22  }
0x168: {  	v26 =	vld.idx.msk [tilespmem:v26+s25+$0x0], $0xffff;
	v21 =	vsel vm2, v23, v21;
	v19 =	vsel vm2, v20, v19;
	vm3 =	vgt.f32 v24, v22  }
0x169: {  	v20 =	vor.u32 $0x4, v35;
	v23 =	vmax.f32 v22, v24;
	v19 =	vmax.f32 v19, v24  }
0x16a: {  	v24 =	vld.idx.msk [tilespmem:v27+s25+$0x0], $0xffff;
	vm2 =	vgt.f32 v25, v23;
	v20 =	vsel vm3, v20, v21;
	v19 =	vsel vm3, v22, v19  }
0x16b: {  	v27 =	vld.idx.msk [tilespmem:v28+s25+$0x0], $0xffff;
	v21 =	vmax.f32 v23, v25;
	v22 =	vor.u32 $0x5, v35;
	v19 =	vmax.f32 v19, v25  }
0x16c: {  	v20 =	vsel vm2, v22, v20;
	v22 =	vor.u32 $0x6, v35;
	v19 =	vsel vm2, v23, v19  }
0x16d: {  	vm2 =	vgt.f32 v26, v21;
	v23 =	vmax.f32 v21, v26;
	v19 =	vmax.f32 v19, v26  }
0x16e: {  	v25 =	vld.idx.msk [tilespmem:v29+s25+$0x0], $0xffff;
	v20 =	vsel vm2, v22, v20;
	v26 =	vor.u32 $0xA, v35;
	v19 =	vsel vm2, v21, v19  }
0x16f: {  	vm2 =	vgt.f32 v24, v23;
	v22 =	vmax.f32 v23, v24;
	v19 =	vmax.f32 v19, v24  }
0x170: {  	v21 =	vor.u32 $0x7, v35;
	v24 =	vld.idx.msk [tilespmem:v30+s25+$0x0], $0xffff;
	vm3 =	vgt.f32 v27, v22;
	v19 =	vsel vm2, v23, v19  }
0x171: {  	v20 =	vsel vm2, v21, v20;
	v21 =	vor.u32 $0x8, v35;
	v19 =	vmax.f32 v19, v27  }
0x172: {  	v28 =	vld.idx.msk [tilespmem:v36+s25+$0x0], $0xffff;
	v23 =	vmax.f32 v22, v27;
	v20 =	vsel vm3, v21, v20;
	v19 =	vsel vm3, v22, v19  }
0x173: {  	v21 =	vor.u32 $0xE, v35;
	vm2 =	vgt.f32 v25, v23;
	v22 =	vld.idx.msk [tilespmem:v31+s25+$0x0], $0xffff;
	v19 =	vmax.f32 v19, v25  }
0x174: {  	v27 =	vor.u32 $0x9, v35;
	v19 =	vsel vm2, v23, v19;
	v23 =	vmax.f32 v23, v25  }
0x175: {  	v29 =	vld.idx.msk [tilespmem:v32+s25+$0x0], $0xffff;
	v20 =	vsel vm2, v27, v20;
	vm2 =	vgt.f32 v24, v23;
	v19 =	vmax.f32 v19, v24  }
0x176: {  	v19 =	vsel vm2, v23, v19;
	v20 =	vsel vm2, v26, v20;
	v23 =	vmax.f32 v23, v24  }
0x177: {  	vm2 =	vgt.f32 v28, v23;
	v19 =	vmax.f32 v19, v28;
	v24 =	vmax.f32 v23, v28  }
0x178: {  	v31 =	vor.u32 $0xD, v35;
	v25 =	vld.idx.msk [tilespmem:v33+s25+$0x0], $0xffff;
	v19 =	vsel vm2, v23, v19;
	vm3 =	vgt.f32 v22, v24  }
0x179: {  	s13 =	simm.s32 $0x10;
	v23 =	vmax.f32 v24, v22;
	v20 =	vsel vm2, v62, v20;
	v19 =	vmax.f32 v19, v22  }
0x17a: {  	v26 =	vld.idx.msk [tilespmem:v34+s25+$0x0], $0xffff;
	v63 =	vsel vm3, v40, v20;
	v27 =	vmax.f32 v23, v29;
	v22 =	vor.u32 s13, v17  }
0x17b: {  	vm2 =	vgt.f32 v29, v23;
	v19 =	vsel vm3, v24, v19;
	v28 =	vor.u32 $0x1, v22  }
0x17c: {  	v24 =	vor.u32 $0x2, v22;
	v20 =	vor.u32 $0x4, v22;
	v19 =	vmax.f32 v19, v29  }
0x17d: {  	v31 =	vsel vm2, v31, v63;
	v29 =	vmax.f32 v27, v25;
	v19 =	vsel vm2, v23, v19  }
0x17e: {  	s14 =	simm.s32 $0x20;
	v23 =	vor.u32 $0x3, v22;
	v30 =	vmax.f32 v19, v25;
	v19 =	vor.u32 $0x5, v22  }
.LBB2_9:
0x17f: {  	p3 =	sne.s32 s14, $0xF0;
	v32 =	vor.u32 $0x6, v22;
	vm2 =	vgt.f32 v25, v27;
	vm3 =	vgt.f32 v26, v29;
	s9 =	smov.u32 s14;
	s14 =	sadd.s32 $0x10, s14  }
0x180: {  	v33 =	vor.u32 $0x7, v22;
	v25 =	vld.idx.msk [tilespmem:v22+s25+$0x0], $0xffff;
	v27 =	vsel vm2, v27, v30;
	v21 =	vsel vm2, v21, v31  }
0x181: {  	v30 =	vor.u32 $0x8, v22;
	v28 =	vld.idx.msk [tilespmem:v28+s25+$0x0], $0xffff;
	v27 =	vmax.f32 v27, v26;
	v21 =	vsel vm3, v18, v21  }
0x182: {  	v34 =	vor.u32 $0xA, v22;
	v31 =	vor.u32 $0x9, v22;
	v18 =	vmax.f32 v29, v26  }
0x183: {  	v35 =	vor.u32 $0xD, v22;
	v26 =	vor.u32 $0xC, v22;
	v27 =	vsel vm3, v29, v27  }
0x184: {  	v36 =	vor.u32 $0xF, v22;
	v29 =	vor.u32 $0xE, v22;
	v24 =	vld.idx.msk [tilespmem:v24+s25+$0x0], $0xffff  }
0x185: {  	v37 =	vadd.s32 s13, v16;
	s13 =	smov.u32 s9;
	v22 =	vor.u32 $0xB, v22  }
0x186: {  	v38 =	vor.u32 $0x2, v37;
	vm2 =	vgt.f32 v25, v18;
	v27 =	vmax.f32 v27, v25;
	v23 =	vld.idx.msk [tilespmem:v23+s25+$0x0], $0xffff  }
0x187: {  	v25 =	vmax.f32 v18, v25;
	v27 =	vsel vm2, v18, v27;
	v18 =	vor.u32 $0xF, v37  }
0x188: {  	v39 =	vor.u32 $0x1, v37;
	v40 =	vor.u32 $0xC, v37;
	v27 =	vmax.f32 v27, v28;
	v20 =	vld.idx.msk [tilespmem:v20+s25+$0x0], $0xffff  }
0x189: {  	v21 =	vsel vm2, v37, v21;
	vm2 =	vgt.f32 v28, v25;
	v28 =	vmax.f32 v25, v28  }
0x18a: {  	v25 =	vsel vm2, v25, v27;
	v27 =	vor.u32 $0xB, v37;
	vm3 =	vgt.f32 v24, v28;
	v19 =	vld.idx.msk [tilespmem:v19+s25+$0x0], $0xffff  }
0x18b: {  	v21 =	vsel vm2, v39, v21;
	v25 =	vmax.f32 v25, v24;
	v24 =	vmax.f32 v28, v24  }
0x18c: {  	v25 =	vsel vm3, v28, v25;
	v21 =	vsel vm3, v38, v21;
	v28 =	vor.u32 $0x3, v37;
	v32 =	vld.idx.msk [tilespmem:v32+s25+$0x0], $0xffff  }
0x18d: {  	vm2 =	vgt.f32 v23, v24;
	v25 =	vmax.f32 v25, v23;
	v23 =	vmax.f32 v24, v23  }
0x18e: {  	v24 =	vsel vm2, v24, v25;
	v25 =	vor.u32 $0x4, v37;
	vm3 =	vgt.f32 v20, v23;
	v33 =	vld.idx.msk [tilespmem:v33+s25+$0x0], $0xffff  }
0x18f: {  	v21 =	vsel vm2, v28, v21;
	v24 =	vmax.f32 v24, v20;
	v20 =	vmax.f32 v23, v20  }
0x190: {  	v23 =	vsel vm3, v23, v24;
	v24 =	vor.u32 $0x5, v37;
	vm2 =	vgt.f32 v19, v20;
	v28 =	vld.idx.msk [tilespmem:v30+s25+$0x0], $0xffff  }
0x191: {  	v21 =	vsel vm3, v25, v21;
	v23 =	vmax.f32 v23, v19;
	v19 =	vmax.f32 v20, v19  }
0x192: {  	v20 =	vsel vm2, v20, v23;
	v21 =	vsel vm2, v24, v21;
	v23 =	vor.u32 $0x6, v37;
	v24 =	vld.idx.msk [tilespmem:v31+s25+$0x0], $0xffff  }
0x193: {  	vm2 =	vgt.f32 v32, v19;
	v20 =	vmax.f32 v20, v32;
	v25 =	vmax.f32 v19, v32  }
0x194: {  	v19 =	vsel vm2, v19, v20;
	v20 =	vsel vm2, v23, v21;
	v21 =	vor.u32 $0x7, v37;
	v23 =	vld.idx.msk [tilespmem:v34+s25+$0x0], $0xffff  }
0x195: {  	vm2 =	vgt.f32 v33, v25;
	v19 =	vmax.f32 v19, v33;
	v30 =	vmax.f32 v25, v33  }
0x196: {  	v31 =	vor.u32 $0xA, v37;
	v19 =	vsel vm2, v25, v19;
	v25 =	vmax.f32 v30, v28;
	v22 =	vld.idx.msk [tilespmem:v22+s25+$0x0], $0xffff  }
0x197: {  	vm3 =	vgt.f32 v28, v30;
	v19 =	vmax.f32 v19, v28;
	v28 =	vor.u32 $0x9, v37;
	v26 =	vld.idx.msk [tilespmem:v26+s25+$0x0], $0xffff  }
0x198: {  	v20 =	vsel vm2, v21, v20;
	v21 =	vor.u32 $0x8, v37;
	v19 =	vsel vm3, v30, v19  }
0x199: {  	v20 =	vsel vm3, v21, v20;
	vm2 =	vgt.f32 v24, v25;
	v19 =	vmax.f32 v19, v24  }
0x19a: {  	v24 =	vmax.f32 v25, v24;
	v19 =	vsel vm2, v25, v19;
	v20 =	vsel vm2, v28, v20;
	v28 =	vld.idx.msk [tilespmem:v35+s25+$0x0], $0xffff  }
0x19b: {  	v21 =	vor.u32 $0xE, v37;
	vm2 =	vgt.f32 v23, v24;
	v19 =	vmax.f32 v19, v23  }
0x19c: {  	v23 =	vmax.f32 v24, v23;
	v19 =	vsel vm2, v24, v19;
	v20 =	vsel vm2, v31, v20  }
0x19d: {  	vm2 =	vgt.f32 v22, v23;
	v19 =	vmax.f32 v19, v22;
	v22 =	vmax.f32 v23, v22;
	v25 =	vld.idx.msk [tilespmem:v29+s25+$0x0], $0xffff  }
0x19e: {  	v19 =	vsel vm2, v23, v19;
	vm3 =	vgt.f32 v26, v22;
	v23 =	vmax.f32 v22, v26  }
0x19f: {  	v20 =	vsel vm2, v27, v20;
	v19 =	vmax.f32 v19, v26;
	v29 =	vor.u32 $0xD, v37;
	v26 =	vld.idx.msk [tilespmem:v36+s25+$0x0], $0xffff  }
.Ltmp11:
0x1a0: {  	v31 =	vsel vm3, v40, v20;
	v19 =	vsel vm3, v22, v19;
	v27 =	vmax.f32 v23, v28;
	(pc) =	sbr.rel @p3 .LBB2_9-.Ltmp11, $4  }
0x1a1: {  	v22 =	vor.u32 s13, v17;
	vm2 =	vgt.f32 v28, v23;
	v19 =	vmax.f32 v19, v28  }
0x1a2: {  	v28 =	vor.u32 $0x1, v22;
	v24 =	vor.u32 $0x2, v22;
	v19 =	vsel vm2, v23, v19  }
0x1a3: {  	v20 =	vor.u32 $0x4, v22;
	v23 =	vor.u32 $0x3, v22;
	v30 =	vmax.f32 v19, v25  }
0x1a4: {  	v31 =	vsel vm2, v29, v31;
	v19 =	vor.u32 $0x5, v22;
	v29 =	vmax.f32 v27, v25  }
0x1a5: {  	_ =	sdelay $0x1  }
0x1a6: {  	v17 =	vor.u32 $0x6, v22;
	vm2 =	vgt.f32 v25, v27  }
0x1a7: {  	vm3 =	vgt.f32 v26, v29;
	v32 =	vor.u32 $0x7, v22;
	v58 =	vor.u32 $0x8, v22  }
0x1a8: {  	v57 =	vld.idx.msk [tilespmem:v22+s25+$0x0], $0xffff;
	v59 =	vor.u32 $0x9, v22;
	v60 =	vor.u32 $0xA, v22;
	v61 =	vmax.f32 v29, v26  }
0x1a9: {  	v33 =	vor.u32 $0xC, v22;
	v34 =	vor.u32 $0xD, v22;
	v62 =	vor.u32 $0xE, v22  }
0x1aa: {  	v28 =	vld.idx.msk [tilespmem:v28+s25+$0x0], $0xffff;
	v35 =	vor.u32 $0xF, v22;
	v16 =	vadd.s32 s13, v16;
	v27 =	vsel vm2, v27, v30  }
0x1ab: {  	v63 =	vor.u32 $0xB, v22;
	v21 =	vsel vm2, v21, v31;
	v27 =	vmax.f32 v27, v26  }
0x1ac: {  	v24 =	vld.idx.msk [tilespmem:v24+s25+$0x0], $0xffff;
	v40 =	vor.u32 $0x2, v16;
	v36 =	vor.u32 $0xF, v16;
	v27 =	vsel vm3, v29, v27  }
0x1ad: {  	v41 =	vor.u32 $0x1, v16;
	vm2 =	vgt.f32 v57, v61;
	v27 =	vmax.f32 v27, v57  }
0x1ae: {  	v23 =	vld.idx.msk [tilespmem:v23+s25+$0x0], $0xffff;
	v42 =	vor.u32 $0xC, v16;
	v25 =	vmax.f32 v61, v57;
	v27 =	vsel vm2, v61, v27  }
0x1af: {  	v18 =	vsel vm3, v18, v21;
	vm3 =	vgt.f32 v28, v25;
	v27 =	vmax.f32 v27, v28  }
0x1b0: {  	v20 =	vld.idx.msk [tilespmem:v20+s25+$0x0], $0xffff;
	v43 =	vor.u32 $0x3, v16;
	v28 =	vmax.f32 v25, v28;
	v25 =	vsel vm3, v25, v27  }
0x1b1: {  	v18 =	vsel vm2, v16, v18;
	vm2 =	vgt.f32 v24, v28;
	v25 =	vmax.f32 v25, v24  }
0x1b2: {  	v19 =	vld.idx.msk [tilespmem:v19+s25+$0x0], $0xffff;
	v45 =	vor.u32 $0x4, v16;
	v24 =	vmax.f32 v28, v24;
	v25 =	vsel vm2, v28, v25  }
0x1b3: {  	v18 =	vsel vm3, v41, v18;
	vm3 =	vgt.f32 v23, v24;
	v25 =	vmax.f32 v25, v23  }
0x1b4: {  	v47 =	vor.u32 $0x5, v16;
	v17 =	vld.idx.msk [tilespmem:v17+s25+$0x0], $0xffff;
	v23 =	vmax.f32 v24, v23;
	v24 =	vsel vm3, v24, v25  }
0x1b5: {  	v18 =	vsel vm2, v40, v18;
	vm2 =	vgt.f32 v20, v23;
	v24 =	vmax.f32 v24, v20  }
0x1b6: {  	v48 =	vor.u32 $0x6, v16;
	v44 =	vld.idx.msk [tilespmem:v32+s25+$0x0], $0xffff;
	v20 =	vmax.f32 v23, v20;
	v23 =	vsel vm2, v23, v24  }
0x1b7: {  	v18 =	vsel vm3, v43, v18;
	vm3 =	vgt.f32 v19, v20;
	v23 =	vmax.f32 v23, v19  }
0x1b8: {  	v51 =	vor.u32 $0x7, v16;
	v46 =	vld.idx.msk [tilespmem:v58+s25+$0x0], $0xffff;
	v19 =	vmax.f32 v20, v19;
	v20 =	vsel vm3, v20, v23  }
0x1b9: {  	v18 =	vsel vm2, v45, v18;
	vm2 =	vgt.f32 v17, v19;
	v20 =	vmax.f32 v20, v17  }
0x1ba: {  	v54 =	vor.u32 $0x8, v16;
	v21 =	vld.idx.msk [tilespmem:v59+s25+$0x0], $0xffff;
	v17 =	vmax.f32 v19, v17;
	v19 =	vsel vm2, v19, v20  }
0x1bb: {  	v18 =	vsel vm3, v47, v18;
	vm3 =	vgt.f32 v44, v17;
	v19 =	vmax.f32 v19, v44  }
0x1bc: {  	v55 =	vor.u32 $0x9, v16;
	v49 =	vld.idx.msk [tilespmem:v60+s25+$0x0], $0xffff;
	v50 =	vmax.f32 v17, v44;
	v17 =	vsel vm3, v17, v19  }
0x1bd: {  	v18 =	vsel vm2, v48, v18;
	vm2 =	vgt.f32 v46, v50;
	v17 =	vmax.f32 v17, v46  }
0x1be: {  	v22 =	vld.idx.msk [tilespmem:v63+s25+$0x0], $0xffff;
	v57 =	vor.u32 $0xA, v16;
	v52 =	vmax.f32 v50, v46;
	v17 =	vsel vm2, v50, v17  }
0x1bf: {  	v18 =	vsel vm3, v51, v18;
	vm3 =	vgt.f32 v21, v52;
	v17 =	vmax.f32 v17, v21  }
0x1c0: {  	v53 =	vld.idx.msk [tilespmem:v33+s25+$0x0], $0xffff;
	v59 =	vor.u32 $0xB, v16;
	v20 =	vmax.f32 v52, v21;
	v17 =	vsel vm3, v52, v17  }
0x1c1: {  	v18 =	vsel vm2, v54, v18;
	vm2 =	vgt.f32 v49, v20;
	v17 =	vmax.f32 v17, v49  }
0x1c2: {  	v56 =	vld.idx.msk [tilespmem:v34+s25+$0x0], $0xffff;
	v61 =	vor.u32 $0xE, v16;
	v17 =	vsel vm2, v20, v17;
	v20 =	vmax.f32 v20, v49  }
0x1c3: {  	v18 =	vsel vm3, v55, v18;
	vm3 =	vgt.f32 v22, v20;
	v17 =	vmax.f32 v17, v22  }
0x1c4: {  	v58 =	vld.idx.msk [tilespmem:v62+s25+$0x0], $0xffff;
	v16 =	vor.u32 $0xD, v16;
	v22 =	vmax.f32 v20, v22;
	v17 =	vsel vm3, v20, v17  }
0x1c5: {  	v60 =	vld.idx.msk [tilespmem:v35+s25+$0x0], $0xffff;
	v18 =	vsel vm2, v57, v18;
	vm2 =	vgt.f32 v53, v22;
	v17 =	vmax.f32 v17, v53  }
0x1c6: {  	v19 =	vmax.f32 v22, v53;
	v18 =	vsel vm3, v59, v18;
	v17 =	vsel vm2, v22, v17  }
0x1c7: {  	vm3 =	vgt.f32 v56, v19;
	v18 =	vsel vm2, v42, v18;
	v17 =	vmax.f32 v17, v56  }
0x1c8: {  	s28 =	sadd.s32 $0x1, s28;
	v16 =	vsel vm3, v16, v18;
	v17 =	vsel vm3, v19, v17;
	v19 =	vmax.f32 v19, v56  }
0x1c9: {  	p2 =	sne.s32 s28, $0x7;
	v17 =	vmax.f32 v17, v58;
	v62 =	vmax.f32 v19, v58;
	vm2 =	vgt.f32 v58, v19  }
.Ltmp12:
0x1ca: {  	vm3 =	vgt.f32 v60, v62;
	v17 =	vsel vm2, v19, v17;
	v63 =	vmax.f32 v62, v60;
	(pc) =	sbr.rel @p2 .LBB2_8-.Ltmp12, $4  }
0x1cb: {  	v16 =	vsel vm2, v61, v16;
	v17 =	vmax.f32 v17, v60;
	v19 =	vsel vm1, v63, v15  }
0x1cc: {  	v16 =	vsel vm3, v36, v16;
	v17 =	vsel vm3, v62, v17;
	[tilespmem:s29+$0xC950] =	vst v19  }
0x1cd: {  	[tilespmem:s29+$0xC9D0] =	vst v16;
	v16 =	vsel vm1, v17, v15  }
0x1ce: {  	[tilespmem:s29+$0xCA50] =	vst v16  }
0x1cf: {  	s9 =	simm.s32 $0xC950  }
0x1d0: {  	[spmem:s16] =	stream.linear.scatter [tilespmem:s9], [sflag:$0x1], $0x70, $0x38;
	[tilespmem:$0x144D0] =	vst v63  }
0x1d1: {  	_ =	swait.ge [sflag:s24], $0x70  }
0x1d2: {  	[sflag:s24] =	ssyncset.done $0x0  }
0x1d3: {  	s28 =	simm.s32 $0xC9D0;
	[sflag:s24] =	ssyncadd.s32 $0xFFFFFF90  }
0x1d4: {  	[spmem:s17] =	stream.linear.scatter [tilespmem:s28], [sflag:$0x1], $0x70, $0x38;
	[tilespmem:$0x144D0] =	vst v63  }
0x1d5: {  	_ =	swait.ge [sflag:s24], $0x70  }
0x1d6: {  	[sflag:s24] =	ssyncset.done $0x0  }
.Ltmp13:
0x1d7: {  	s29 =	simm.s32 $0xCA50;
	[sflag:s24] =	ssyncadd.s32 $0xFFFFFF90;
	(pc) =	sbr.rel .LBB2_12-.Ltmp13, $4  }
0x1d8: {  	[spmem:s18] =	stream.linear.scatter [tilespmem:s29], [sflag:$0x1], $0x70, $0x38;
	[tilespmem:$0x144D0] =	vst v63  }
0x1d9: {  	_ =	swait.ge [sflag:s24], $0x70  }
0x1da: {  	[sflag:s24] =	ssyncset.done $0x0  }
0x1db: {  	[sflag:s24] =	ssyncadd.s32 $0xFFFFFF90  }
.LBB2_28:
0x1dc: {  	s14 =	simm.s32 $0x14050;
	v32 =	vimm.s32 $0x0;
	s13 =	simm.s32 $0x13FD0  }
.LBB2_39:
0x1dd: {  	s9 =	sadd.s32 @p3 $0x10, s13  }
0x1de: {  	v33 =	vmax.f32 @p3 v33, $0.0e+00;
	s29 =	smov.u32 @p3 s9  }
0x1df: {  	v34 =	vmax.f32 @p3 v34, $0.0e+00;
	v27 =	vadd.f32 @p3 v27, v21;
	v23 =	vmax.f32 v18, v23;
	v38 =	vld [tilespmem:s29+$0x0]  }
0x1e0: {  	v24 =	vmax.f32 v16, v24;
	v26 =	vmin.f32 v19, v26;
	v28 =	vmin.f32 v17, v28  }
0x1e1: {  	v33 =	vmul.f32 @p3 v34, v33;
	v23 =	vsub.f32 v26, v23;
	v24 =	vsub.f32 v28, v24;
	_ =	sdelay $0x1  }
0x1e2: {  	v26 =	vsub.f32 @p3 v27, v33;
	v23 =	vmax.f32 v23, $0.0e+00;
	v24 =	vmax.f32 v24, $0.0e+00  }
0x1e3: {  	v23 =	vmul.f32 v24, v23;
	v60 =	vadd.f32 v38, v21  }
0x1e4: {  	s10 =	simm.s32 $0x14050;
	s9 =	sadd.s32 @p5 $0x10, s14;
	v26 =	vmax.f32 @p3 v26, $9.999999710e-10  }
0x1e5: {  	s10 =	smov.u32 @p5 s9;
	(erf) = vrcp.f32 @p3 v26;
	v24 =	vsub.f32 v60, v23  }
0x1e6: {  	v26 =	vld @p4 [tilespmem:s10+$0x0]  }
0x1e7: {  	v27 =	vpop @p5 (erf);
	v24 =	vmax.f32 v24, $9.999999710e-10  }
0x1e8: {  	v27 =	vmul.f32 @p5 v27, v36;
	(erf) = vrcp.f32 v24  }
0x1e9: {  	s9 =	sadd.s32 @p4 $0x10, s10;
	s10 =	simm.s32 $0x14050  }
0x1ea: {  	vm1 =	veq.s32 @p5 v35, v20;
	v28 =	vmovc @p4 v31;
	v31 =	vadd.s32 @p6 v37, v32;
	v32 =	vmovc @p3 v33;
	s10 =	smov.u32 @p4 s9;
	vm2 =	vgt.f32 @p5 v27, $5.000000000e-01  }
0x1eb: {  	v25 =	vpsel p4, v28, v25;
	v27 =	vld @p3 [tilespmem:s10+$0x0];
	vm1 =	vmand @p5 vm1, vm2;
	v26 =	vpsel p4, v26, v29;
	v24 =	vpop @p4 (erf)  }
0x1ec: {  	v30 =	vpsel p3, v32, v30;
	v28 =	vsel @p5 vm1, $0x1, v10;
	v24 =	vmul.f32 @p4 v24, v25  }
0x1ed: {  	s9 =	sadd.s32 @p3 $0x10, s10;
	v28 =	vpsel p5, v28, v0;
	v29 =	vmov @p3 v30;
	vm1 =	veq.s32 @p4 v26, v20  }
0x1ee: {  	s28 =	smov.u32 @p3 s9;
	v25 =	vpsel p6, v31, v22;
	v26 =	vpop @p3 (erf);
	vm2 =	vgt.f32 @p4 v24, $5.000000000e-01;
	v24 =	vpsel p3, v29, v0  }
0x1ef: {  	v61 =	vld [tilespmem:s28+$0x0];
	v25 =	vadd.s32 @p5 v28, v25;
	vm1 =	vmand @p4 vm1, vm2;
	v24 =	vmul.f32 @p3 v26, v24  }
0x1f0: {  	v27 =	vpsel p3, v27, v0;
	v25 =	vpsel p5, v25, v22;
	v26 =	vsel @p4 vm1, $0x1, v10  }
0x1f1: {  	vm1 =	veq.s32 @p3 v27, v20;
	v26 =	vpsel p4, v26, v0;
	vm2 =	vgt.f32 @p3 v24, $5.000000000e-01;
	v62 =	vpop (erf)  }
0x1f2: {  	v25 =	vadd.s32 @p4 v26, v25;
	vm1 =	vmand @p3 vm1, vm2;
	v23 =	vmul.f32 v62, v23  }
0x1f3: {  	v24 =	vsel @p3 vm1, $0x1, v10;
	v25 =	vpsel p4, v25, v22  }
0x1f4: {  	vm1 =	veq.s32 v61, v20;
	v24 =	vpsel p3, v24, v0;
	vm2 =	vgt.f32 v23, $5.000000000e-01  }
0x1f5: {  	v23 =	vadd.s32 @p3 v24, v25;
	vm1 =	vmand vm1, vm2  }
0x1f6: {  	v22 =	vpsel p3, v23, v22;
	v63 =	vsel vm1, $0x1, v10  }
0x1f7: {  	v22 =	vadd.s32 v63, v22  }
.LBB2_40:
0x1f8: {  	(xrf0) =	vadd.scan.msk.s32 $0xffff, v22;
	_ =	sdelay $0x5  }
0x1f9: {  	v22, _, _ =	vpop (xrf0)  }
0x1fa: {  	(v2sf) =	vpush v22, $0xF;
	_ =	sdelay $0xe  }
0x1fb: {  	s9 =	spop (v2sf)  }
0x1fc: {  	p3 =	seq.s32 s9, $0x0;
	s9 =	smov.u32 s26  }
0x1fd: {  	s9 =	simm.s32 @!p3 $0x7F  }
0x1fe: {  	s10 =	sand.u32 $0x70, s9  }
0x1ff: {  	v39 =	vld [tilespmem:s10+$0x13DD0]  }
0x200: {  	v23 =	vld [tilespmem:s10+$0x13E50]  }
0x201: {  	s9 =	sand.u32 $0xF, s9;
	v24 =	vld [tilespmem:s10+$0x13ED0]  }
0x202: {  	v25 =	vmov s9;
	v26 =	vld [tilespmem:s10+$0x13F50]  }
0x203: {  	v40 =	vld [tilespmem:s10+$0x13FD0];
	vm1 =	veq.s32 v25, v0  }
0x204: {  	v27 =	vld [tilespmem:s10+$0x14050];
	v22 =	vsel vm1, v18, v39  }
0x205: {  	v42 =	vld [tilespmem:s10+$0x142D0];
	v41 =	vsel vm1, v16, v23;
	[tilespmem:s10+$0x13DD0] =	vst v22  }
0x206: {  	v44 =	vld [tilespmem:s10+$0x14350];
	v43 =	vsel vm1, v19, v24;
	[tilespmem:s10+$0x13E50] =	vst v41  }
0x207: {  	v46 =	vld [tilespmem:s10+$0x140D0];
	v45 =	vsel vm1, v17, v26;
	[tilespmem:s10+$0x13ED0] =	vst v43  }
0x208: {  	v47 =	vld [tilespmem:s10+$0x14150];
	v21 =	vsel vm1, v21, v40;
	[tilespmem:s10+$0x13F50] =	vst v45  }
0x209: {  	v49 =	vld [tilespmem:s10+$0x141D0];
	v48 =	vsel vm1, v20, v27;
	[tilespmem:s10+$0x13FD0] =	vst v21  }
0x20a: {  	v50 =	vld [tilespmem:s10+$0x14250];
	v15 =	vsel vm1, v15, v42;
	[tilespmem:s10+$0x14050] =	vst v48  }
0x20b: {  	[tilespmem:s10+$0x142D0] =	vst v15;
	v15 =	vsel vm1, v20, v44  }
0x20c: {  	[tilespmem:s10+$0x14350] =	vst v15;
	v15 =	vsel vm1, v18, v46  }
0x20d: {  	[tilespmem:s10+$0x140D0] =	vst v15;
	v15 =	vsel vm1, v16, v47  }
0x20e: {  	[tilespmem:s10+$0x14150] =	vst v15;
	v15 =	vsel vm1, v19, v49  }
0x20f: {  	[tilespmem:s10+$0x141D0] =	vst v15;
	v15 =	vsel vm1, v17, v50  }
0x210: {  	[tilespmem:s10+$0x14250] =	vst v15  }
0x211: {  	v15 =	vld [tilespmem:$0xD1D0]  }
0x212: {  	v51 =	vld [tilespmem:$0xD1E0]  }
0x213: {  	v52 =	vld [tilespmem:$0xD1F0]  }
0x214: {  	v53 =	vld [tilespmem:$0xD200]  }
0x215: {  	v54 =	vld [tilespmem:$0xD210]  }
0x216: {  	v55 =	vld [tilespmem:$0xD220]  }
0x217: {  	v57 =	vld [tilespmem:$0xD230];
	v56 =	vmax.f32 v15, v51  }
0x218: {  	v21 =	vmax.f32 v56, v52  }
0x219: {  	v21 =	vmax.f32 v21, v53  }
0x21a: {  	v21 =	vmax.f32 v21, v54  }
0x21b: {  	v21 =	vmax.f32 v21, v55  }
0x21c: {  	v21 =	vmax.f32 v21, v57  }
0x21d: {  	(xrf0) =	vmax.scan.msk.f32 $0xffff, v21;
	_ =	sdelay $0x5  }
0x21e: {  	v21, _, _ =	vpop (xrf0)  }
0x21f: {  	v58 =	vbroadcast v21, $0xF;
	_ =	sdelay $0x1  }
0x220: {  	vm1 =	veq.f32 v57, v58  }
0x221: {  	vm2 =	veq.f32 v55, v58;
	v59 =	vnsel vm1, $0xC0000000, v1  }
0x222: {  	vm1 =	veq.f32 v54, v58;
	v60 =	vsel vm2, v2, v59  }
0x223: {  	vm2 =	veq.f32 v53, v58;
	v61 =	vsel vm1, v3, v60  }
0x224: {  	vm1 =	veq.f32 v52, v58;
	v62 =	vsel vm2, v4, v61  }
0x225: {  	vm2 =	veq.f32 v51, v58;
	v63 =	vsel vm1, v5, v62  }
0x226: {  	vm1 =	veq.f32 v15, v58;
	v15 =	vsel vm2, v9, v63  }
0x227: {  	v15 =	vsel vm1, v12, v15  }
0x228: {  	(xrf0) =	vmin.scan.msk.u32 $0xffff, v15;
	_ =	sdelay $0x5  }
0x229: {  	(v2sf) =	vpush v21, $0xF;
	v15, _, _ =	vpop (xrf0)  }
0x22a: {  	(v2sf) =	vpush v15, $0xF;
	_ =	sdelay $0xd  }
0x22b: {  	s29 =	spop (v2sf)  }
0x22c: {  	s28 =	spop (v2sf)  }
0x22d: {  	s9 =	sshll.u32 s28, $0x4  }
0x22e: {  	v15 =	vld [tilespmem:s9+$0xCAD0];
	_ =	sdelay $0x4  }
0x22f: {  	vm1 =	veq.f32 v15, v58;
	v15 =	vxor.u32 s9, v12  }
0x230: {  	v15 =	vnsel vm1, $0xC0000000, v15  }
0x231: {  	(xrf0) =	vmin.scan.msk.u32 $0xffff, v15;
	_ =	sdelay $0x5  }
0x232: {  	v15, _, _ =	vpop (xrf0)  }
0x233: {  	(v2sf) =	vpush v15, $0xF;
	_ =	sdelay $0x3  }
0x234: {  	s9 =	simm.s32 $0x1  }
0x235: {  	s9 =	simm.s32 @!p3 $0x0  }
0x236: {  	s26 =	sadd.s32 s9, s26  }
0x237: {  	p2 =	sgt.u32 s26, $0x63  }
0x238: {  	p3 =	sgt.f32 @!p2 s29, $5.000000070e-02;
	_ =	sdelay $0x1  }
0x239: {  	p3 =	por p2, !p3  }
.Ltmp14:
0x23a: {  	_ = 	snop;
	(pc) =	sbr.rel @p3 .LBB2_41-.Ltmp14, $2  }
0x23b: {  	_ =	sdelay $0x2  }
0x23c: {  	s14 =	spop (v2sf)  }
.LBB2_19:
0x23d: {  	s13 =	sxor.u32 $0x80000000, s14  }
0x23e: {  	v15 =	vmov s13;
	_ =	sdelay $0x4  }
0x23f: {  	v16 =	vld.idx.msk [tilespmem:v15+s31+$0x0], $0xffff;
	_ =	sdelay $0x4  }
0x240: {  	(v2sf) =	vpush v16, $0x0;
	_ =	sdelay $0xe  }
0x241: {  	s9 =	spop (v2sf)  }
0x242: {  	p2 =	seq.s32 s9, $0xFFFFFFFF  }
.Ltmp15:
0x243: {  	_ = 	snop;
	(pc) =	sbr.rel @p2 .LBB2_21-.Ltmp15, $1  }
0x244: {  	_ =	sdelay $0x3  }
0x245: {  	_ =	sdelay $0x3  }
0x246: {  	v15 =	vld.idx.msk [tilespmem:v15+s1+$0x0], $0xffff;
	_ =	sdelay $0x4  }
0x247: {  	(v2sf) =	vpush v15, $0x0;
	_ =	sdelay $0xa  }
.Ltmp16:
0x248: {  	_ = 	snop;
	(pc) =	sbr.rel .LBB2_26-.Ltmp16, $2  }
0x249: {  	_ =	sdelay $0x2  }
0x24a: {  	v18 =	vbroadcast v16, $0x0;
	v15 =	vmov s29;
	s10 =	spop (v2sf)  }
.LBB2_21:
0x24b: {  	s9 =	smulhi.u32 $0x92492493, s13;
	s10 =	sshra.s32 s13, $0x1F  }
0x24c: {  	s10 =	smul.u32 $0x92492493, s10  }
0x24d: {  	s9 =	ssub.s32 s9, s13  }
0x24e: {  	s9 =	sadd.s32 s10, s9  }
0x24f: {  	s9 =	sadd.s32 s13, s9  }
0x250: {  	s12 =	sshrl.u32 s9, $0x1F;
	s9 =	sshra.s32 s9, $0x6  }
0x251: {  	s9 =	sadd.s32 s12, s9  }
0x252: {  	s10 =	smul.u32 $0xFFFFFF90, s9;
	_ =	sdelay $0x1  }
0x253: {  	s10 =	sadd.s32 s13, s10  }
0x254: {  	p2 =	slt.s32 s13, $0x1;
	p3 =	sne.s32 s10, $0x0  }
0x255: {  	p2 =	por !p2, !p3  }
0x256: {  	s11 =	simm.s32 $0x1;
	p2 =	por !p2, !p2  }
0x257: {  	s11 =	simm.s32 @!p2 $0x0  }
0x258: {  	s9 =	ssub.s32 s9, s11;
	s11 =	sshll.u32 s10, $0x8  }
0x259: {  	p2 =	slt.s32 s10, $0x0;
	s9 =	smul.u32 $0x6400, s9;
	s10 =	sadd.s32 $0x7000, s11  }
0x25a: {  	s11 =	smov.u32 @p2 s10  }
0x25b: {  	s28 =	sadd.s32 s11, s9  }
0x25c: {  	v16 =	vld.idx.msk [tilespmem:v15+s2+$0x0], $0xffff;
	s9 =	sadd.s32 s28, s4  }
0x25d: {  	v15 =	vld.idx.msk [tilespmem:v15+s5+$0x0], $0xffff;
	[tilespmem:s6], [sflag:$0x1] =	stream.linear.gather [spmem:s9], $0x100, $0x38  }
0x25e: {  	_ =	swait.ge [sflag:s24], $0x100  }
0x25f: {  	[sflag:s24] =	ssyncset.done $0x0  }
0x260: {  	s19 =	simm.s32 $0x0;
	[sflag:s24] =	ssyncadd.s32 $0xFFFFFF00  }
0x261: {  	v18 =	vld [tilespmem:s19+$0xEE50];
	_ =	sdelay $0x2  }
0x262: {  	v16 =	vbroadcast v16, $0x0;
	v17 =	vbroadcast v15, $0x0  }
0x263: {  	v19 =	vor.u32 s28, v0  }
0x264: {  	v15 =	vmov s29;
	s29 =	simm.s32 $0x10;
	vm1 =	vgt.s32 v19, v17;
	vm2 =	veq.f32 v18, v16  }
0x265: {  	v21 =	vld [tilespmem:s29+$0xEE50];
	vm3 =	vlt.f32 v18, v16;
	vm2 =	vmand vm1, vm2  }
0x266: {  	vm2 =	vmor vm3, vm2;
	vm3 =	veq.f32 v18, v15  }
0x267: {  	vm2 =	vmand vm3, vm2  }
0x268: {  	s9 =	sadd.s32 $0x10, s28;
	v18 =	vimm.s32 $0x40000000;
	v22 =	vnsel vm2, $0x40000000, v19  }
0x269: {  	s10 =	simm.s32 $0x80;
	v20 =	vor.u32 s9, v0;
	vm2 =	vlt.s32 v18, v22  }
.LBB2_22:
0x26a: {  	s11 =	sshra.s32 s10, $0x2;
	p2 =	sne.s32 s10, $0x3C0;
	s10 =	sadd.s32 $0x40, s10;
	vm3 =	veq.f32 v21, v16;
	vm4 =	vgt.s32 v20, v17;
	v18 =	vsel vm2, v18, v22;
	v22 =	vmovc v21  }
.Ltmp17:
0x26b: {  	v21 =	vld [tilespmem:s11+$0xEE50];
	vm2 =	vlt.f32 v22, v16;
	vm3 =	vmand vm4, vm3;
	(pc) =	sbr.rel @p2 .LBB2_22-.Ltmp17, $4  }
0x26c: {  	vm2 =	vmor vm2, vm3;
	vm3 =	veq.f32 v22, v15  }
0x26d: {  	vm2 =	vmand vm3, vm2  }
0x26e: {  	s9 =	sadd.s32 $0x10, s9;
	v22 =	vnsel vm2, $0x40000000, v20  }
0x26f: {  	v20 =	vor.u32 s9, v0;
	vm2 =	vlt.s32 v18, v22  }
0x270: {  	vm3 =	veq.f32 v21, v16;
	vm4 =	vgt.s32 v20, v17  }
0x271: {  	vm14 =	vlt.f32 v21, v16;
	vm3 =	vmand vm4, vm3  }
0x272: {  	vm15 =	veq.f32 v21, v15;
	vm3 =	vmor vm14, vm3  }
0x273: {  	vm3 =	vmand vm15, vm3  }
0x274: {  	v18 =	vsel vm2, v18, v22;
	v20 =	vnsel vm3, $0x40000000, v20  }
0x275: {  	vm2 =	vlt.s32 v18, v20  }
0x276: {  	v18 =	vsel vm2, v18, v20  }
0x277: {  	v18 =	vxor.u32 $0x80000000, v18  }
0x278: {  	(xrf0) =	vmin.scan.msk.u32 $0xffff, v18;
	_ =	sdelay $0x5  }
0x279: {  	v18, _, _ =	vpop (xrf0)  }
0x27a: {  	(v2sf) =	vpush v18, $0xF;
	_ =	sdelay $0xc  }
0x27b: {  	s11 =	simm.s32 $0x0  }
0x27c: {  	v20 =	vld [tilespmem:s11+$0xEE50]  }
0x27d: {  	s9 =	spop (v2sf)  }
0x27e: {  	s9 =	sxor.u32 $0x80000000, s9  }
0x27f: {  	v18 =	vmov s9  }
0x280: {  	s10 =	simm.s32 $0x40;
	vm2 =	vgt.s32 v19, v18;
	v19 =	vmov v14  }
.LBB2_24:
0x281: {  	s11 =	sshra.s32 s10, $0x2;
	p2 =	sne.s32 s10, $0x3C0;
	s10 =	sadd.s32 $0x40, s10;
	vm3 =	vlt.f32 v20, v16;
	vm4 =	veq.f32 v20, v16;
	vm5 =	veq.f32 v20, v15;
	v21 =	vmovc v20  }
.Ltmp18:
0x282: {  	v20 =	vld [tilespmem:s11+$0xEE50];
	vm1 =	vmand vm1, vm4;
	vm4 =	vlt.f32 v21, v15;
	vm2 =	vmand vm2, vm5;
	(pc) =	sbr.rel @p2 .LBB2_24-.Ltmp18, $4  }
0x283: {  	vm1 =	vmor vm3, vm1;
	vm2 =	vmor vm4, vm2  }
0x284: {  	s28 =	sadd.s32 $0x10, s28;
	vm1 =	vmand vm1, vm2  }
0x285: {  	v22 =	vor.u32 s28, v0;
	v21 =	vsel vm1, v21, v14  }
0x286: {  	vm2 =	vgt.s32 v22, v18;
	vm1 =	vgt.s32 v22, v17;
	v19 =	vmax.f32 v19, v21  }
0x287: {  	vm3 =	vlt.f32 v20, v16;
	vm4 =	veq.f32 v20, v16;
	vm5 =	veq.f32 v20, v15  }
0x288: {  	vm15 =	vlt.f32 v20, v15;
	vm1 =	vmand vm1, vm4;
	vm2 =	vmand vm2, vm5  }
0x289: {  	vm1 =	vmor vm3, vm1;
	vm2 =	vmor vm15, vm2  }
0x28a: {  	vm1 =	vmand vm1, vm2  }
0x28b: {  	v16 =	vsel vm1, v20, v14  }
0x28c: {  	v16 =	vmax.f32 v19, v16  }
0x28d: {  	(xrf0) =	vmax.scan.msk.f32 $0xffff, v16;
	_ =	sdelay $0x5  }
0x28e: {  	v16, _, _ =	vpop (xrf0)  }
0x28f: {  	(v2sf) =	vpush v16, $0xF;
	_ =	sdelay $0xe  }
0x290: {  	s10 =	spop (v2sf)  }
.LBB2_26:
0x291: {  	s11 =	sand.u32 $0xF, s14  }
0x292: {  	s12 =	sshra.s32 s13, $0x1F;
	p2 =	slt.s32 s13, $0x1;
	p3 =	sne.s32 s11, $0x0  }
0x293: {  	s19 =	sshrl.u32 s12, $0x1C;
	p2 =	por !p2, !p3  }
0x294: {  	s12 =	simm.s32 $0x1;
	s11 =	sadd.s32 s19, s13;
	p2 =	por !p2, !p2  }
0x295: {  	s11 =	sshra.s32 s11, $0x4;
	s12 =	simm.s32 @!p2 $0x0  }
0x296: {  	s28 =	smulhi.u32 $0x66666667, s9;
	s29 =	sshra.s32 s9, $0x1F;
	s11 =	ssub.s32 s11, s12  }
0x297: {  	s14 =	smul.u32 $0x66666667, s29;
	s19 =	sshll.u32 s11, $0x4  }
0x298: {  	v16 =	vld [tilespmem:s19+$0xD950]  }
0x299: {  	s12 =	sadd.s32 s14, s28;
	v17 =	vld [tilespmem:s19+$0xCAD0]  }
0x29a: {  	s14 =	sshrl.u32 s12, $0x1F;
	s12 =	sshra.s32 s12, $0x5  }
0x29b: {  	v19 =	vld [tilespmem:s19+$0xE050];
	s28 =	ssub.s32 s13, s19;
	s12 =	sadd.s32 s14, s12  }
0x29c: {  	p5 =	slt.s32 s9, $0x1;
	s29 =	sand.u32 $0xF, s11;
	v20 =	vld [tilespmem:s19+$0xD250];
	v21 =	vmov s28;
	s13 =	smul.u32 $0xFFFFFFB0, s12  }
0x29d: {  	p3 =	slt.s32 s11, $0x1;
	p4 =	sne.s32 s29, $0x0;
	s28 =	sshrl.u32 s11, $0x1C;
	vm1 =	veq.s32 v21, v0  }
0x29e: {  	p2 =	por !p3, !p4;
	s29 =	sadd.s32 s28, s11;
	s13 =	sadd.s32 s9, s13;
	v17 =	vsel vm1, s10, v17;
	v16 =	vsel vm1, v15, v16  }
0x29f: {  	p2 =	por !p2, !p2;
	s9 =	simm.s32 $0x1;
	p4 =	sne.s32 s13, $0x0;
	[tilespmem:s19+$0xD950] =	vst v16;
	(xrf0) =	vmax.scan.msk.f32 $0xffff, v17  }
0x2a0: {  	s9 =	simm.s32 @!p2 $0x0;
	s10 =	sshrl.u32 s29, $0x4;
	p6 =	por !p5, !p4;
	v16 =	vsel vm1, v18, v19;
	[tilespmem:s19+$0xCAD0] =	vst v17  }
0x2a1: {  	s9 =	ssub.s32 s10, s9;
	p2 =	por !p6, !p6;
	s10 =	simm.s32 $0x1;
	[tilespmem:s19+$0xE050] =	vst v16;
	v16 =	vsel vm1, $0xFFFFFFFF, v20  }
0x2a2: {  	s9 =	sshll.u32 s9, $0x4;
	s10 =	simm.s32 @!p2 $0x0;
	[tilespmem:s19+$0xD250] =	vst v16  }
0x2a3: {  	s10 =	ssub.s32 s12, s10;
	v16 =	vld [tilespmem:s9+$0xD1D0]  }
0x2a4: {  	s10 =	sshll.u32 s10, $0x2  }
0x2a5: {  	s11 =	ssub.s32 s11, s9;
	v18 =	vor.u32 s10, v13;
	v17, _, _ =	vpop (xrf0)  }
0x2a6: {  	v19 =	vmov s11;
	v17 =	vbroadcast v17, $0xF  }
0x2a7: {  	vm1 =	veq.s32 v19, v0  }
0x2a8: {  	v16 =	vsel vm1, v17, v16  }
0x2a9: {  	[tilespmem:s9+$0xD1D0] =	vst v16  }
0x2aa: {  	v17 =	vld.idx.msk [tilespmem:v18+s3+$0x0], $0xffff;
	_ =	sdelay $0x4  }
0x2ab: {  	(v2sf) =	vpush v17, $0x0  }
0x2ac: {  	(v2sf) =	vpush v17, $0x1  }
0x2ad: {  	(v2sf) =	vpush v17, $0x2  }
0x2ae: {  	(v2sf) =	vpush v17, $0x3;
	_ =	sdelay $0xb  }
0x2af: {  	s12 =	spop (v2sf)  }
0x2b0: {  	s14 =	spop (v2sf)  }
0x2b1: {  	s19 =	spop (v2sf)  }
0x2b2: {  	s28 =	spop (v2sf);
	s9 =	ssub.f32 s19, s12  }
0x2b3: {  	s10 =	ssub.f32 s28, s14  }
0x2b4: {  	s29 =	sadd.s32 $0xF, s26;
	p2 =	slt.s32 s13, $0x0  }
0x2b5: {  	s12 =	sadd.s32 $0x50, s13;
	s10 =	smul.f32 s10, s9;
	s9 =	sshrl.u32 s29, $0x4  }
0x2b6: {  	s13 =	smov.u32 @p2 s12;
	p2 =	seq.s32 s9, $0x0  }
.Ltmp19:
0x2b7: {  	_ = 	snop;
	(pc) =	sbr.rel @p2 .LBB2_40-.Ltmp19, $4  }
0x2b8: {  	_ = 	snop  }
0x2b9: {  	v18 =	vbroadcast v17, $0x0  }
0x2ba: {  	v22 =	vimm.s32 $0x0;
	v16 =	vbroadcast v17, $0x1;
	v19 =	vbroadcast v17, $0x2  }
0x2bb: {  	v17 =	vbroadcast v17, $0x3;
	v20 =	vmov s13;
	v21 =	vmov s10  }
0x2bc: {  	s10 =	simm.s32 $0x13DD0;
	p2 =	sne.s32 s9, $0x1  }
.Ltmp20:
0x2bd: {  	s11 =	simm.s32 $0x13E50;
	v23 =	vld [tilespmem:s10+$0x0];
	(pc) =	sbr.rel @!p2 .LBB2_28-.Ltmp20, $4  }
0x2be: {  	s12 =	simm.s32 $0x13ED0;
	v24 =	vld [tilespmem:s11+$0x0]  }
0x2bf: {  	s19 =	simm.s32 $0x13F50;
	s29 =	simm.s32 $0x13FD0;
	v26 =	vld [tilespmem:s12+$0x0]  }
0x2c0: {  	s28 =	simm.s32 $0x14050;
	s9 =	sadd.s32 $0xFFFFFFFF, s9;
	p3 =	por $0x0, $0x0;
	v28 =	vld [tilespmem:s19+$0x0]  }
0x2c1: {  	p4 =	por $0x0, $0x0;
	p5 =	por $0x0, $0x0;
	p6 =	por $0x0, $0x0  }
0x2c2: {  	v27 =	vld [tilespmem:s29+$0x0];
	s10 =	simm.s32 $0x13DE0;
	p2 =	sne.s32 s9, $0x1  }
.Ltmp21:
0x2c3: {  	v25 =	vmax.f32 v18, v23;
	s13 =	simm.s32 $0x13E60;
	v23 =	vld [tilespmem:s10+$0x0];
	(pc) =	sbr.rel @!p2 .LBB2_30-.Ltmp21, $4  }
0x2c4: {  	s14 =	simm.s32 $0x13EE0;
	v29 =	vmax.f32 v16, v24;
	v24 =	vld [tilespmem:s13+$0x0]  }
0x2c5: {  	s19 =	simm.s32 $0x13F60;
	v30 =	vmin.f32 v19, v26;
	v26 =	vld [tilespmem:s14+$0x0];
	v28 =	vmin.f32 v17, v28  }
0x2c6: {  	v34 =	vsub.f32 v28, v29;
	v28 =	vld [tilespmem:s19+$0x0]  }
0x2c7: {  	s9 =	sadd.s32 $0xFFFFFFFF, s9;
	p3 =	por $0x1, $0x1;
	v33 =	vsub.f32 v30, v25  }
0x2c8: {  	_ = 	snop  }
0x2c9: {  	v29 =	vmax.f32 v34, $0.0e+00;
	s10 =	simm.s32 $0x13DF0;
	v25 =	vmax.f32 v33, $0.0e+00  }
0x2ca: {  	v30 =	vmax.f32 v18, v23;
	s12 =	simm.s32 $0x13E70;
	p2 =	sne.s32 s9, $0x1;
	v23 =	vld [tilespmem:s10+$0x0];
	v25 =	vmul.f32 v29, v25;
	v29 =	vadd.f32 v27, v21  }
.Ltmp22:
0x2cb: {  	s13 =	simm.s32 $0x13FE0;
	v31 =	vmax.f32 v16, v24;
	v24 =	vld [tilespmem:s12+$0x0];
	(pc) =	sbr.rel @!p2 .LBB2_32-.Ltmp22, $4  }
0x2cc: {  	s14 =	simm.s32 $0x13EF0;
	v27 =	vld [tilespmem:s13+$0x0];
	v29 =	vsub.f32 v29, v25  }
0x2cd: {  	s19 =	simm.s32 $0x13F70;
	v32 =	vmin.f32 v19, v26;
	v26 =	vld [tilespmem:s14+$0x0];
	v28 =	vmin.f32 v17, v28  }
0x2ce: {  	v34 =	vsub.f32 v28, v31;
	v28 =	vld [tilespmem:s19+$0x0];
	v29 =	vmax.f32 v29, $9.999999710e-10  }
0x2cf: {  	s9 =	sadd.s32 $0xFFFFFFFF, s9;
	p4 =	por $0x1, $0x1;
	v33 =	vsub.f32 v32, v30;
	(erf) = vrcp.f32 v29  }
0x2d0: {  	_ = 	snop  }
0x2d1: {  	v30 =	vmax.f32 v34, $0.0e+00;
	v29 =	vmax.f32 v33, $0.0e+00  }
0x2d2: {  	v31 =	vadd.f32 v27, v21;
	v30 =	vmul.f32 v30, v29;
	_ =	sdelay $0x1  }
0x2d3: {  	v31 =	vsub.f32 v31, v30;
	_ =	sdelay $0x1  }
0x2d4: {  	v31 =	vmax.f32 v31, $9.999999710e-10  }
0x2d5: {  	(erf) = vrcp.f32 v31  }
0x2d6: {  	s13 =	simm.s32 $0x13FF0  }
0x2d7: {  	s10 =	simm.s32 $0x13E00;
	p2 =	sne.s32 s9, $0x1;
	v27 =	vld [tilespmem:s13+$0x0]  }
.Ltmp23:
0x2d8: {  	v32 =	vmax.f32 v18, v23;
	s12 =	simm.s32 $0x13E80;
	v23 =	vld [tilespmem:s10+$0x0];
	(pc) =	sbr.rel @!p2 .LBB2_34-.Ltmp23, $4  }
0x2d9: {  	v62 =	vmax.f32 v16, v24;
	s14 =	simm.s32 $0x13F00;
	v24 =	vld [tilespmem:s12+$0x0]  }
0x2da: {  	s19 =	simm.s32 $0x13F80;
	v63 =	vmin.f32 v19, v26;
	v26 =	vld [tilespmem:s14+$0x0];
	v28 =	vmin.f32 v17, v28  }
0x2db: {  	v34 =	vsub.f32 v28, v62;
	v28 =	vld [tilespmem:s19+$0x0]  }
0x2dc: {  	p5 =	por $0x1, $0x1;
	v29 =	vld [tilespmem:s28+$0x0];
	v33 =	vsub.f32 v63, v32;
	s19 =	sadd.s32 $0xFFFFFFFF, s9  }
0x2dd: {  	_ = 	snop  }
0x2de: {  	v32 =	vmax.f32 v34, $0.0e+00;
	v31 =	vmax.f32 v33, $0.0e+00  }
0x2df: {  	s14 =	simm.s32 $0x14060;
	v61 =	vadd.f32 v27, v21;
	v31 =	vmul.f32 v32, v31  }
0x2e0: {  	s13 =	simm.s32 $0x14000;
	v35 =	vld [tilespmem:s14+$0x0]  }
0x2e1: {  	v62 =	vpop (erf);
	v63 =	vmax.f32 v18, v23;
	s9 =	simm.s32 $0x13E10;
	p2 =	sne.s32 s19, $0x1;
	v27 =	vld [tilespmem:s13+$0x0];
	v32 =	vsub.f32 v61, v31  }
.Ltmp24:
0x2e2: {  	s10 =	simm.s32 $0x13E90;
	v36 =	vmul.f32 v62, v25;
	v23 =	vld [tilespmem:s9+$0x0];
	v37 =	vmax.f32 v16, v24;
	v26 =	vmin.f32 v19, v26;
	(pc) =	sbr.rel @!p2 .LBB2_36-.Ltmp24, $4  }
0x2e3: {  	s11 =	simm.s32 $0x13F10;
	v24 =	vld [tilespmem:s10+$0x0];
	v28 =	vmin.f32 v17, v28;
	v33 =	vsub.f32 v26, v63;
	v32 =	vmax.f32 v32, $9.999999710e-10  }
0x2e4: {  	s12 =	simm.s32 $0x13F90;
	vm2 =	vgt.f32 v36, $5.000000000e-01;
	v26 =	vld [tilespmem:s11+$0x0];
	vm1 =	veq.s32 v29, v20;
	(erf) = vrcp.f32 v32  }
0x2e5: {  	v34 =	vsub.f32 v28, v37;
	v28 =	vld [tilespmem:s12+$0x0];
	vm1 =	vmand vm1, vm2  }
0x2e6: {  	s19 =	sadd.s32 $0xFFFFFFFF, s19;
	p6 =	por $0x1, $0x1;
	v36 =	vmov v30;
	v37 =	vsel vm1, $0x1, v10;
	v32 =	vimm.s32 $0x0  }
.LBB2_37:
0x2e7: {  	p2 =	sne.s32 s19, $0x1;
	v33 =	vmax.f32 v33, $0.0e+00;
	v34 =	vmax.f32 v34, $0.0e+00;
	s14 =	sadd.s32 $0x10, s14;
	v32 =	vadd.s32 v37, v32  }
0x2e8: {  	s13 =	sadd.s32 $0x10, s13;
	v33 =	vmul.f32 v34, v33;
	v34 =	vadd.f32 v27, v21;
	v38 =	vld [tilespmem:s14+$0x0];
	v37 =	vpop (erf)  }
.Ltmp25:
0x2e9: {  	s9 =	sadd.s32 $0x10, s9;
	vm1 =	veq.s32 v35, v20;
	v39 =	vmax.f32 v18, v23;
	v27 =	vld [tilespmem:s13+$0x0];
	v37 =	vmul.f32 v37, v36;
	v36 =	vmovc v31;
	(pc) =	sbr.rel @p2 .LBB2_37-.Ltmp25, $4  }
0x2ea: {  	s10 =	sadd.s32 $0x10, s10;
	v35 =	vmax.f32 v16, v24;
	v23 =	vld [tilespmem:s9+$0x0];
	v26 =	vmin.f32 v19, v26;
	v40 =	vsub.f32 v34, v33;
	v31 =	vmovc v33  }
0x2eb: {  	s11 =	sadd.s32 $0x10, s11;
	v24 =	vld [tilespmem:s10+$0x0];
	v28 =	vmin.f32 v17, v28;
	v33 =	vsub.f32 v26, v39;
	vm2 =	vgt.f32 v37, $5.000000000e-01  }
0x2ec: {  	s12 =	sadd.s32 $0x10, s12;
	v26 =	vld [tilespmem:s11+$0x0];
	v34 =	vsub.f32 v28, v35;
	v39 =	vmax.f32 v40, $9.999999710e-10;
	vm1 =	vmand vm1, vm2  }
0x2ed: {  	s19 =	sadd.s32 $0xFFFFFFFF, s19;
	v28 =	vld [tilespmem:s12+$0x0];
	(erf) = vrcp.f32 v39;
	v37 =	vsel vm1, $0x1, v10;
	v35 =	vmov v38  }
.Ltmp26:
0x2ee: {  	(pc) =	sbr.rel .LBB2_39-.Ltmp26, $1  }
0x2ef: {  	_ =	sdelay $0x3  }
.LBB2_30:
.Ltmp27:
0x2f0: {  	(pc) =	sbr.rel .LBB2_39-.Ltmp27, $2  }
0x2f1: {  	_ =	sdelay $0x2  }
0x2f2: {  	s14 =	simm.s32 $0x14050;
	v32 =	vimm.s32 $0x0;
	s13 =	simm.s32 $0x13FD0  }
.LBB2_32:
.Ltmp28:
0x2f3: {  	(pc) =	sbr.rel .LBB2_39-.Ltmp28, $2  }
0x2f4: {  	_ =	sdelay $0x2  }
0x2f5: {  	v31 =	vmov v25;
	s14 =	simm.s32 $0x14050;
	v32 =	vimm.s32 $0x0  }
.LBB2_34:
.Ltmp29:
0x2f6: {  	_ = 	snop;
	(pc) =	sbr.rel .LBB2_39-.Ltmp29, $2  }
0x2f7: {  	_ =	sdelay $0x2  }
0x2f8: {  	s14 =	simm.s32 $0x14050;
	v32 =	vimm.s32 $0x0;
	v36 =	vmovc v25;
	v31 =	vmov v30;
	v35 =	vmov v29  }
.LBB2_36:
.Ltmp30:
0x2f9: {  	(pc) =	sbr.rel .LBB2_39-.Ltmp30, $2  }
0x2fa: {  	_ =	sdelay $0x2  }
0x2fb: {  	v32 =	vimm.s32 $0x0;
	v36 =	vmov v30  }
.LBB2_41:
0x2fc: {  	s26 =	smov.u32 @p2 s26  }
.LBB2_42:
0x2fd: {  	v14 =	vmov s26  }
0x2fe: {  	v14 =	vnsel vm0, $0x0, v14  }
0x2ff: {  	s9 =	rddreg [dreg:$0x9];
	s10 =	simm.s32 $0x140D0;
	[tilespmem:$0x143D0] =	vst v14  }
0x300: {  	[hbm4b:s9+s8] =	stream.linear.scatter [tilespmem:s10], [sflag:$0x1], $0x80, $0x38;
	[tilespmem:$0x144D0] =	vst v63  }
0x301: {  	_ =	swait.ge [sflag:s24], $0x80  }
0x302: {  	[sflag:s24] =	ssyncset.done $0x0  }
0x303: {  	s29 =	simm.s32 $0x14150;
	s28 =	rddreg [dreg:$0xe];
	[sflag:s24] =	ssyncadd.s32 $0xFFFFFF80  }
0x304: {  	[hbm4b:s28+s8] =	stream.linear.scatter [tilespmem:s29], [sflag:$0x1], $0x80, $0x38;
	[tilespmem:$0x144D0] =	vst v63  }
0x305: {  	_ =	swait.ge [sflag:s24], $0x80  }
0x306: {  	[sflag:s24] =	ssyncset.done $0x0  }
0x307: {  	s11 =	simm.s32 $0x141D0;
	[sflag:s24] =	ssyncadd.s32 $0xFFFFFF80  }
0x308: {  	[hbm4b:s20+s8] =	stream.linear.scatter [tilespmem:s11], [sflag:$0x1], $0x80, $0x38;
	[tilespmem:$0x144D0] =	vst v63  }
0x309: {  	_ =	swait.ge [sflag:s24], $0x80  }
0x30a: {  	[sflag:s24] =	ssyncset.done $0x0  }
0x30b: {  	s12 =	simm.s32 $0x14250;
	[sflag:s24] =	ssyncadd.s32 $0xFFFFFF80  }
0x30c: {  	[hbm4b:s21+s8] =	stream.linear.scatter [tilespmem:s12], [sflag:$0x1], $0x80, $0x38;
	[tilespmem:$0x144D0] =	vst v63  }
0x30d: {  	_ =	swait.ge [sflag:s24], $0x80  }
0x30e: {  	[sflag:s24] =	ssyncset.done $0x0  }
0x30f: {  	s14 =	simm.s32 $0x142D0;
	s13 =	rddreg [dreg:$0xa];
	[sflag:s24] =	ssyncadd.s32 $0xFFFFFF80  }
0x310: {  	[hbm4b:s13+s8] =	stream.linear.scatter [tilespmem:s14], [sflag:$0x1], $0x80, $0x38;
	[tilespmem:$0x144D0] =	vst v63  }
0x311: {  	_ =	swait.ge [sflag:s24], $0x80  }
0x312: {  	[sflag:s24] =	ssyncset.done $0x0  }
0x313: {  	s26 =	simm.s32 $0x14350;
	s19 =	rddreg [dreg:$0xb];
	[sflag:s24] =	ssyncadd.s32 $0xFFFFFF80  }
0x314: {  	[hbm4b:s19+s8] =	stream.linear.scatter [tilespmem:s26], [sflag:$0x1], $0x80, $0x38;
	[tilespmem:$0x144D0] =	vst v63  }
0x315: {  	_ =	swait.ge [sflag:s24], $0x80  }
0x316: {  	[sflag:s24] =	ssyncset.done $0x0  }
0x317: {  	[sflag:s24] =	ssyncadd.s32 $0xFFFFFF80  }
.Ltmp31:
0x318: {  	s29 =	simm.s32 $0x143D0;
	s28 =	rddreg [dreg:$0x2];
	(pc) =	sbr.rel .LBB2_43-.Ltmp31, $4  }
0x319: {  	[hbm4b:s28+s8] =	stream.linear.scatter [tilespmem:s29], [sflag:$0x1], $0x80, $0x38;
	[tilespmem:$0x144D0] =	vst v63  }
0x31a: {  	_ =	swait.ge [sflag:s24], $0x80  }
0x31b: {  	[sflag:s24] =	ssyncset.done $0x0  }
0x31c: {  	[sflag:s24] =	ssyncadd.s32 $0xFFFFFF80  }
.LBB2_44:
0x31d: {  	_ =	sfence.sel $0x180000  }
0x31e: {  	[bflag:$0x0] =	sbarrier.arrive $0xFFFF  }
0x31f: {  	_ =	strace $0x90000047  }
0x320: {  	s0 =	stileid.u32;
	[bflag:$0x2] =	sbarrier.arrive $0xFFFF  }
0x321: {  	p0 =	sne.s32 s0, $0x0;
	s0 =	rddreg [dreg:$0x7]  }
0x322: {  	s0 =	sadd.s32 @!p0 $0x100000, s0  }
0x323: {  	[sflag:s0] =	ssyncadd.tile.s32 @!p0 $0x1;
	_ =	shalt  }
.Lfunc_end2:
_tile_overlayer_lowered:
.L_overlay_start_2:
0x324: {  	(tag) =	ssettag $0x2  }
0x325: {  	s0 =	rddreg [dreg:$0x0];
	s2 =	stileid.u32  }
0x326: {  	s1 =	rddreg [dreg:$0x1];
	p0 =	sne.s32 s2, $0x0  }
0x327: {  	s3 =	rddreg [dreg:$0x2];
	[bflag:$0x3] =	sbarrier.arrive $0xFFFF;
	s2 =	simm.s32 @!p0 $0x1C01  }
0x328: {  	[timem:s3], [sflag:s2] =	dma.local @!p0 [hbm:s0], s1  }
0x329: {  	s0 =	simm.s32 @!p0 $0x1  }
0x32a: {  	_ =	swait.ge @!p0 [sflag:s0], s1  }
0x32b: {  	s1 =	ssub.s32 @!p0 $0x0, s1;
	[sflag:s0] =	ssyncset.done @!p0 $0x0  }
0x32c: {  	[sflag:s0] =	ssyncadd.s32 @!p0 s1  }
0x32d: {  	[bflag:$0x3] =	sbarrier.arrive $0xFFFF  }
0x32e: {  	_ =	shalt  }

</sc_bundles>
